<compile_context>
chip_gen: v7x
topology: tpu7x:2x2x1
jax: 0.10.2.dev20260603
libtpu: 0.0.44.dev20260713+nightly
codegen_flags: <defaults>
</compile_context>

<pallas_src>
import functools

import jax
import jax.numpy as jnp
from jax import lax
from jax.experimental import pallas as pl
from jax.experimental.pallas import tpu as pltpu
import jax.experimental.pallas.tpu_sc as plsc

NW = 32
CHUNK = 128
GROUP = 5
NGROUP = 10
NCHUNK = GROUP * NGROUP
P = 16
ALPHA = 4
D = 64


def _sc_gather(ids3, u_table, v_table):
    T = NW * NCHUNK * CHUNK
    GC = GROUP * CHUNK
    mesh = plsc.VectorSubcoreMesh(
        core_axis_name="c", subcore_axis_name="s", num_cores=2, num_subcores=16)

    @functools.partial(
        pl.kernel,
        out_type=(jax.ShapeDtypeStruct((T, P), jnp.float32),
                  jax.ShapeDtypeStruct((T, P), jnp.float32),
                  jax.ShapeDtypeStruct((T, P * ALPHA), jnp.float32)),
        mesh=mesh,
        compiler_params=pltpu.CompilerParams(
            use_tc_tiling_on_sc=False, needs_layout_passes=False),
        scratch_types=[
            pltpu.VMEM((NCHUNK, CHUNK), jnp.int32),
            pltpu.VMEM((2, GC, P), jnp.float32),
            pltpu.VMEM((GC, P), jnp.float32),
            pltpu.VMEM((2, GC, P * ALPHA), jnp.bfloat16),
            pltpu.VMEM((GC, P * ALPHA), jnp.float32),
            pltpu.SemaphoreType.DMA,
            pltpu.SemaphoreType.DMA,
            pltpu.SemaphoreType.DMA,
            pltpu.SemaphoreType.DMA,
            pltpu.SemaphoreType.DMA,
        ],
    )
    def gather_kernel(ids_hbm, u_hbm, v_hbm, u_out, f_out, y_out,
                      ids_v, u_v, f_v, v_v, y_v, su, sv, swu, swf, swy):
        wid = lax.axis_index("s") * 2 + lax.axis_index("c")
        base = wid * (NCHUNK * CHUNK)
        lanes = lax.iota(jnp.int32, 16)
        idx_gate0 = lanes // 2
        idx_gate1 = idx_gate0 + 8
        idx_e0 = lanes * 2
        idx_o0 = idx_e0 + 1
        idx_e1 = idx_e0 + 32
        idx_o1 = idx_e1 + 1
        pltpu.sync_copy(ids_hbm.at[wid], ids_v)

        def issue_gathers(g, buf):
            for k in range(GROUP):
                idx = ids_v.at[g * GROUP + k]
                pltpu.async_copy(
                    u_hbm.at[idx], u_v.at[buf].at[pl.ds(k * CHUNK, CHUNK)], su)
                pltpu.async_copy(
                    v_hbm.at[idx], v_v.at[buf].at[pl.ds(k * CHUNK, CHUNK)], sv)

        issue_gathers(0, 0)

        def group_body(g, carry):
            buf = lax.rem(g, 2)
            for k in range(GROUP):
                idx = ids_v.at[g * GROUP + k]
                pltpu.make_async_copy(
                    u_hbm.at[idx], u_v.at[buf].at[pl.ds(k * CHUNK, CHUNK)],
                    su).wait()
                pltpu.make_async_copy(
                    v_hbm.at[idx], v_v.at[buf].at[pl.ds(k * CHUNK, CHUNK)],
                    sv).wait()
            wu = pltpu.async_copy(
                u_v.at[buf], u_out.at[pl.ds(base + g * GC, GC)], swu)

            @pl.when(g + 1 < NGROUP)
            def _():
                issue_gathers(g + 1, 1 - buf)

            u_b = u_v.at[buf]
            v_b = v_v.at[buf]

            def one_token(i):
                u = u_b[i]
                f = jnp.where(u > 0.0, jnp.float32(1.0), jnp.float32(0.0))
                f_v[i] = f
                row = jnp.full((16,), i, dtype=jnp.int32)
                g0 = plsc.load_gather(f_v, [row, idx_gate0])
                g1 = plsc.load_gather(f_v, [row, idx_gate1])
                c0 = plsc.bitcast(v_b[i, pl.ds(0, 32)], jnp.int32)
                c1 = plsc.bitcast(v_b[i, pl.ds(32, 32)], jnp.int32)
                e0 = plsc.bitcast(c0 << 16, jnp.float32)
                o0 = plsc.bitcast(c0 & jnp.int32(-65536), jnp.float32)
                e1 = plsc.bitcast(c1 << 16, jnp.float32)
                o1 = plsc.bitcast(c1 & jnp.int32(-65536), jnp.float32)
                plsc.store_scatter(y_v, [row, idx_e0], e0 * g0)
                plsc.store_scatter(y_v, [row, idx_o0], o0 * g0)
                plsc.store_scatter(y_v, [row, idx_e1], e1 * g1)
                plsc.store_scatter(y_v, [row, idx_o1], o1 * g1)

            def token_body(j, c):
                for s in range(4):
                    one_token(4 * j + s)
                return c

            lax.fori_loop(0, GC // 4, token_body, 0)
            off = base + g * GC
            wf = pltpu.async_copy(f_v, f_out.at[pl.ds(off, GC)], swf)
            wy = pltpu.async_copy(y_v, y_out.at[pl.ds(off, GC)], swy)
            wu.wait()
            wf.wait()
            wy.wait()
            return carry

        lax.fori_loop(0, NGROUP, group_body, 0)

    return gather_kernel(ids3, u_table, v_table)


def _tc_project(yf, wd, bb):
    R = yf.shape[0]
    RB = 1024

    def body(y_ref, wd_ref, b_ref, x_ref):
        x_ref[...] = jnp.dot(y_ref[...], wd_ref[...],
                             preferred_element_type=jnp.float32,
                             precision=lax.Precision.HIGHEST) + b_ref[...]

    return pl.pallas_call(
        body,
        grid=(R // RB,),
        in_specs=[pl.BlockSpec((RB, 128), lambda i: (i, 0)),
                  pl.BlockSpec((128, 128), lambda i: (0, 0)),
                  pl.BlockSpec((1, 128), lambda i: (0, 0))],
        out_specs=pl.BlockSpec((RB, 128), lambda i: (i, 0)),
        out_shape=jax.ShapeDtypeStruct((R, 128), jnp.float32),
    )(yf, wd, bb)


def kernel(input_ids, U_table, V_table, W, b):
    B, L = input_ids.shape
    T = B * L
    assert T == NW * NCHUNK * CHUNK
    ids3 = input_ids.reshape(NW, NCHUNK, CHUNK).astype(jnp.int32)
    u_flat, f_flat, y_flat = _sc_gather(
        ids3, U_table, V_table.reshape(V_table.shape[0], P * ALPHA))
    yf = y_flat.reshape(T * D // 128, 128)
    wt = W.T
    z = jnp.zeros((D, D), dtype=jnp.float32)
    wd = jnp.concatenate(
        [jnp.concatenate([wt, z], axis=1), jnp.concatenate([z, wt], axis=1)],
        axis=0)
    bb = jnp.concatenate([b, b]).reshape(1, 2 * D)
    x2 = _tc_project(yf, wd, bb)
    return (x2.reshape(B, L, D), u_flat.reshape(B, L, P),
            f_flat.reshape(B, L, P), y_flat.reshape(B, L, P, ALPHA))

# --- scband reference (transcript-rebuilt; emitter-appended) ---
"""Pipeline reference for scband-cepta-token-embedding-33062658244873 (READ-ONLY COPY).

The authoritative reference and input builder live on the scoring server;
editing this copy changes nothing except your own understanding.
"""

import math
import jax, jax.numpy as jnp
import numpy as np

VOCAB = 1000000
P = 16
ALPHA = 4
D = 64


def setup_inputs(seed: int = 0) -> dict:
    key = jax.random.key(seed)
    k1, k2, k3, k4 = jax.random.split(key, 4)
    input_ids = jax.random.randint(k1, (1024, 200), 0, VOCAB, dtype=jnp.int64 if jax.config.jax_enable_x64 else jnp.int32)
    # Gate-score table (U pre-activations), one P-vector per vocab entry
    U_table = jax.random.normal(k2, (VOCAB, P), dtype=jnp.float32) * 0.02
    # Value codes stored in bf16 per dtype_store='bf16': [vocab, P, alpha]
    V_table = (jax.random.normal(k3, (VOCAB, P, ALPHA), dtype=jnp.float32) * 0.02).astype(jnp.bfloat16)
    # Projection Linear(P*alpha -> D) with xavier_uniform init
    limit = math.sqrt(6.0 / (P * ALPHA + D))
    W = jax.random.uniform(k4, (D, P * ALPHA), minval=-limit, maxval=limit, dtype=jnp.float32)
    b = jnp.zeros((D,), dtype=jnp.float32)
    return {"input_ids": input_ids, "U_table": U_table, "V_table": V_table, "W": W, "b": b}


def reference(input_ids, U_table, V_table, W, b):
    # CeptaEmbedding (use_index=True, gate='hard'):
    #   U     = gate pre-activations gathered per token      [B, L, P]
    #   Fhard = hard binary gate (non-differentiable)        [B, L, P]
    #   Y     = gated per-slot codes (stored bf16 -> f32)    [B, L, P, alpha]
    U = jnp.take(U_table, input_ids, axis=0)
    Fhard = jax.lax.stop_gradient(jnp.where(U > 0, 1.0, 0.0).astype(jnp.float32))
    V = jnp.take(V_table, input_ids, axis=0).astype(jnp.float32)
    Y = V * Fhard[..., None]
    B, L = input_ids.shape
    x = jnp.einsum('ble,de->bld', Y.reshape(B, L, P * ALPHA), W) + b
    # dropout is identity in eval mode
    return (x, U, Fhard, Y)

if __name__ == "__main__":
    import jax
    _d = setup_inputs()
    print(jax.jit(kernel)(*tuple(_d.values())))

</pallas_src>

<mosaic_0001>
#map = affine_map<(d0, d1) -> (0, 0, 0)>
#map1 = affine_map<(d0, d1) -> (0, 0)>
module attributes {stable_mosaic.version = 14 : i64} {
  func.func @gather_kernel(%arg0: i32, %arg1: i32, %arg2: memref<32x50x128xi32, #tpu.memory_space<hbm>>, %arg3: memref<1000000x16xf32, #tpu.memory_space<hbm>>, %arg4: memref<1000000x64xbf16, #tpu.memory_space<hbm>>, %arg5: memref<204800x16xf32, #tpu.memory_space<hbm>>, %arg6: memref<204800x16xf32, #tpu.memory_space<hbm>>, %arg7: memref<204800x64xf32, #tpu.memory_space<hbm>>, %arg8: memref<50x128xi32, #tpu.memory_space<vmem>>, %arg9: memref<2x640x16xf32, #tpu.memory_space<vmem>>, %arg10: memref<640x16xf32, #tpu.memory_space<vmem>>, %arg11: memref<2x640x64xbf16, #tpu.memory_space<vmem>>, %arg12: memref<640x64xf32, #tpu.memory_space<vmem>>, %arg13: memref<!tpu.dma_semaphore, #tpu.memory_space<semaphore_mem>>, %arg14: memref<!tpu.dma_semaphore, #tpu.memory_space<semaphore_mem>>, %arg15: memref<!tpu.dma_semaphore, #tpu.memory_space<semaphore_mem>>, %arg16: memref<!tpu.dma_semaphore, #tpu.memory_space<semaphore_mem>>, %arg17: memref<!tpu.dma_semaphore, #tpu.memory_space<semaphore_mem>>) attributes {dimension_semantics = [#tpu.dimension_semantics<core_parallel>, #tpu.dimension_semantics<subcore_parallel>], iteration_bounds = array<i64: 2, 16>, scalar_prefetch = 0 : i64, scratch_operands = 10 : i64, tpu.core_type = #tpu.core_type<sc_vector_subcore>, window_params = [{transform_indices = #map}, {transform_indices = #map1}, {transform_indices = #map1}, {transform_indices = #map1}, {transform_indices = #map1}, {transform_indices = #map1}]} {
    %mul3A = arith.constant 2 : i32
    %mul3A_0 = arith.muli %arg1, %mul3A : i32
    %add3A = arith.addi %mul3A_0, %arg0 : i32
    %mul3A_1 = arith.constant 6400 : i32
    %mul3A_2 = arith.muli %add3A, %mul3A_1 : i32
    %iota3A = tpu.iota {dimensions = array<i32: 0>} : vector<16xi32>
    %jit3A = arith.constant 2 : i32
    %div3A = vector.broadcast %jit3A : i32 to vector<16xi32>
    %div3A_3 = arith.divsi %iota3A, %div3A : vector<16xi32>
    %sign3A = arith.constant 0 : i32
    %sign3A_4 = vector.broadcast %sign3A : i32 to vector<16xi32>
    %sign3A_5 = arith.cmpi sgt, %iota3A, %sign3A_4 : vector<16xi32>
    %sign3A_6 = arith.extui %sign3A_5 : vector<16xi1> to vector<16xi32>
    %sign3A_7 = arith.constant 0 : i32
    %sign3A_8 = vector.broadcast %sign3A_7 : i32 to vector<16xi32>
    %sign3A_9 = arith.cmpi slt, %iota3A, %sign3A_8 : vector<16xi32>
    %sign3A_10 = arith.extui %sign3A_9 : vector<16xi1> to vector<16xi32>
    %sign3A_11 = arith.subi %sign3A_6, %sign3A_10 : vector<16xi32>
    %sign3A_12 = arith.constant 0 : i32
    %sign3A_13 = arith.cmpi sgt, %jit3A, %sign3A_12 : i32
    %sign3A_14 = arith.extui %sign3A_13 : i1 to i32
    %sign3A_15 = arith.constant 0 : i32
    %sign3A_16 = arith.cmpi slt, %jit3A, %sign3A_15 : i32
    %sign3A_17 = arith.extui %sign3A_16 : i1 to i32
    %sign3A_18 = arith.subi %sign3A_14, %sign3A_17 : i32
    %ne3A = vector.broadcast %sign3A_18 : i32 to vector<16xi32>
    %ne3A_19 = arith.cmpi ne, %sign3A_11, %ne3A : vector<16xi32>
    %rem3A = vector.broadcast %jit3A : i32 to vector<16xi32>
    %rem3A_20 = arith.remsi %iota3A, %rem3A : vector<16xi32>
    %ne3A_21 = arith.constant 0 : i32
    %ne3A_22 = vector.broadcast %ne3A_21 : i32 to vector<16xi32>
    %ne3A_23 = arith.cmpi ne, %rem3A_20, %ne3A_22 : vector<16xi32>
    %and3A = arith.andi %ne3A_19, %ne3A_23 : vector<16xi1>
    %sub3A = arith.constant 1 : i32
    %sub3A_24 = vector.broadcast %sub3A : i32 to vector<16xi32>
    %sub3A_25 = arith.subi %div3A_3, %sub3A_24 : vector<16xi32>
    %select_n3A = arith.select %and3A, %sub3A_25, %div3A_3 : vector<16xi1>, vector<16xi32>
    %add3A_26 = arith.constant 8 : i32
    %add3A_27 = vector.broadcast %add3A_26 : i32 to vector<16xi32>
    %add3A_28 = arith.addi %select_n3A, %add3A_27 : vector<16xi32>
    %mul3A_29 = arith.constant 2 : i32
    %mul3A_30 = vector.broadcast %mul3A_29 : i32 to vector<16xi32>
    %mul3A_31 = arith.muli %iota3A, %mul3A_30 : vector<16xi32>
    %add3A_32 = arith.constant 1 : i32
    %add3A_33 = vector.broadcast %add3A_32 : i32 to vector<16xi32>
    %add3A_34 = arith.addi %mul3A_31, %add3A_33 : vector<16xi32>
    %add3A_35 = arith.constant 32 : i32
    %add3A_36 = vector.broadcast %add3A_35 : i32 to vector<16xi32>
    %add3A_37 = arith.addi %mul3A_31, %add3A_36 : vector<16xi32>
    %add3A_38 = arith.constant 1 : i32
    %add3A_39 = vector.broadcast %add3A_38 : i32 to vector<16xi32>
    %add3A_40 = arith.addi %add3A_37, %add3A_39 : vector<16xi32>
    "tpu.region"() ({
      %run_scoped3A = tpu.sem_alloc : memref<!tpu.dma_semaphore, #tpu.memory_space<semaphore_mem>>
      %dma_start3A_195 = arith.constant 0 : i32
      %dma_start3A_196 = arith.constant 0 : i32
      %dma_start3A_197 = tpu.memref_slice %arg2[%add3A, %dma_start3A_195, %dma_start3A_196] : memref<32x50x128xi32, #tpu.memory_space<hbm>> -> memref<1x50x128xi32, #tpu.memory_space<hbm>>
      %dma_start3A_198 = tpu.memref_squeeze %dma_start3A_197 : memref<1x50x128xi32, #tpu.memory_space<hbm>> -> memref<50x128xi32, #tpu.memory_space<hbm>>
      %dma_start3A_199 = arith.constant 0 : i32
      %dma_start3A_200 = arith.constant 0 : i32
      %dma_start3A_201 = tpu.memref_slice %arg2[%add3A, %dma_start3A_199, %dma_start3A_200] : memref<32x50x128xi32, #tpu.memory_space<hbm>> -> memref<1x50x128xi32, #tpu.memory_space<hbm>>
      %dma_start3A_202 = tpu.memref_squeeze %dma_start3A_201 : memref<1x50x128xi32, #tpu.memory_space<hbm>> -> memref<50x128xi32, #tpu.memory_space<hbm>>
      tpu.enqueue_dma source(%dma_start3A_202 : memref<50x128xi32, #tpu.memory_space<hbm>>) target(%arg8 : memref<50x128xi32, #tpu.memory_space<vmem>>) target_semaphore(%run_scoped3A : memref<!tpu.dma_semaphore, #tpu.memory_space<semaphore_mem>>)
      %dma_wait3A = arith.constant 0 : i32
      %dma_wait3A_203 = arith.constant 0 : i32
      %dma_wait3A_204 = tpu.memref_slice %arg2[%add3A, %dma_wait3A, %dma_wait3A_203] : memref<32x50x128xi32, #tpu.memory_space<hbm>> -> memref<1x50x128xi32, #tpu.memory_space<hbm>>
      %dma_wait3A_205 = tpu.memref_squeeze %dma_wait3A_204 : memref<1x50x128xi32, #tpu.memory_space<hbm>> -> memref<50x128xi32, #tpu.memory_space<hbm>>
      %dma_wait3A_206 = arith.constant 0 : i32
      %dma_wait3A_207 = arith.constant 0 : i32
      %dma_wait3A_208 = tpu.memref_slice %arg2[%add3A, %dma_wait3A_206, %dma_wait3A_207] : memref<32x50x128xi32, #tpu.memory_space<hbm>> -> memref<1x50x128xi32, #tpu.memory_space<hbm>>
      %dma_wait3A_209 = tpu.memref_squeeze %dma_wait3A_208 : memref<1x50x128xi32, #tpu.memory_space<hbm>> -> memref<50x128xi32, #tpu.memory_space<hbm>>
      tpu.wait_dma2 semaphore(%run_scoped3A : memref<!tpu.dma_semaphore, #tpu.memory_space<semaphore_mem>>) src(%dma_wait3A_209 : memref<50x128xi32, #tpu.memory_space<hbm>>) dst(%arg8 : memref<50x128xi32, #tpu.memory_space<vmem>>)
      tpu.yield
    }) : () -> ()
    %dma_start3A = arith.constant 0 : i32
    %dma_start3A_41 = arith.constant 0 : i32
    %dma_start3A_42 = arith.constant 0 : i32
    %dma_start3A_43 = arith.constant 0 : i32
    %dma_start3A_44 = tpu.memref_slice %arg9[%dma_start3A_41, %dma_start3A_42, %dma_start3A_43] : memref<2x640x16xf32, #tpu.memory_space<vmem>> -> memref<1x640x16xf32, #tpu.memory_space<vmem>>
    %dma_start3A_45 = tpu.memref_squeeze %dma_start3A_44 : memref<1x640x16xf32, #tpu.memory_space<vmem>> -> memref<640x16xf32, #tpu.memory_space<vmem>>
    %dma_start3A_46 = arith.constant 0 : i32
    %dma_start3A_47 = arith.constant 0 : i32
    %dma_start3A_48 = tpu.memref_slice %dma_start3A_45[%dma_start3A_46, %dma_start3A_47] : memref<640x16xf32, #tpu.memory_space<vmem>> -> memref<128x16xf32, #tpu.memory_space<vmem>>
    %dma_start3A_49 = arith.constant 0 : i32
    %dma_start3A_50 = tpu.memref_slice %arg8[%dma_start3A, %dma_start3A_49] : memref<50x128xi32, #tpu.memory_space<vmem>> -> memref<1x128xi32, #tpu.memory_space<vmem>>
    %dma_start3A_51 = tpu.memref_squeeze %dma_start3A_50 : memref<1x128xi32, #tpu.memory_space<vmem>> -> memref<128xi32, #tpu.memory_space<vmem>>
    %dma_start3A_52 = arith.constant 0 : i32
    %dma_start3A_53 = arith.constant 0 : i32
    %dma_start3A_54 = tpu.memref_slice %arg3[%dma_start3A_52, %dma_start3A_53] : memref<1000000x16xf32, #tpu.memory_space<hbm>> -> memref<1000000x16xf32, #tpu.memory_space<hbm>>
    tpu.enqueue_indirect_dma source(%dma_start3A_54 : memref<1000000x16xf32, #tpu.memory_space<hbm>>) target(%dma_start3A_48 : memref<128x16xf32, #tpu.memory_space<vmem>>) offsets(%dma_start3A_51 : memref<128xi32, #tpu.memory_space<vmem>>) semaphore(%arg13 : memref<!tpu.dma_semaphore, #tpu.memory_space<semaphore_mem>>)
    %dma_start3A_55 = arith.constant 0 : i32
    %dma_start3A_56 = arith.constant 0 : i32
    %dma_start3A_57 = arith.constant 0 : i32
    %dma_start3A_58 = arith.constant 0 : i32
    %dma_start3A_59 = tpu.memref_slice %arg11[%dma_start3A_56, %dma_start3A_57, %dma_start3A_58] : memref<2x640x64xbf16, #tpu.memory_space<vmem>> -> memref<1x640x64xbf16, #tpu.memory_space<vmem>>
    %dma_start3A_60 = tpu.memref_squeeze %dma_start3A_59 : memref<1x640x64xbf16, #tpu.memory_space<vmem>> -> memref<640x64xbf16, #tpu.memory_space<vmem>>
    %dma_start3A_61 = arith.constant 0 : i32
    %dma_start3A_62 = arith.constant 0 : i32
    %dma_start3A_63 = tpu.memref_slice %dma_start3A_60[%dma_start3A_61, %dma_start3A_62] : memref<640x64xbf16, #tpu.memory_space<vmem>> -> memref<128x64xbf16, #tpu.memory_space<vmem>>
    %dma_start3A_64 = arith.constant 0 : i32
    %dma_start3A_65 = tpu.memref_slice %arg8[%dma_start3A_55, %dma_start3A_64] : memref<50x128xi32, #tpu.memory_space<vmem>> -> memref<1x128xi32, #tpu.memory_space<vmem>>
    %dma_start3A_66 = tpu.memref_squeeze %dma_start3A_65 : memref<1x128xi32, #tpu.memory_space<vmem>> -> memref<128xi32, #tpu.memory_space<vmem>>
    %dma_start3A_67 = arith.constant 0 : i32
    %dma_start3A_68 = arith.constant 0 : i32
    %dma_start3A_69 = tpu.memref_slice %arg4[%dma_start3A_67, %dma_start3A_68] : memref<1000000x64xbf16, #tpu.memory_space<hbm>> -> memref<1000000x64xbf16, #tpu.memory_space<hbm>>
    tpu.enqueue_indirect_dma source(%dma_start3A_69 : memref<1000000x64xbf16, #tpu.memory_space<hbm>>) target(%dma_start3A_63 : memref<128x64xbf16, #tpu.memory_space<vmem>>) offsets(%dma_start3A_66 : memref<128xi32, #tpu.memory_space<vmem>>) semaphore(%arg14 : memref<!tpu.dma_semaphore, #tpu.memory_space<semaphore_mem>>)
    %dma_start3A_70 = arith.constant 1 : i32
    %dma_start3A_71 = arith.constant 0 : i32
    %dma_start3A_72 = arith.constant 0 : i32
    %dma_start3A_73 = arith.constant 0 : i32
    %dma_start3A_74 = tpu.memref_slice %arg9[%dma_start3A_71, %dma_start3A_72, %dma_start3A_73] : memref<2x640x16xf32, #tpu.memory_space<vmem>> -> memref<1x640x16xf32, #tpu.memory_space<vmem>>
    %dma_start3A_75 = tpu.memref_squeeze %dma_start3A_74 : memref<1x640x16xf32, #tpu.memory_space<vmem>> -> memref<640x16xf32, #tpu.memory_space<vmem>>
    %dma_start3A_76 = arith.constant 128 : i32
    %dma_start3A_77 = arith.constant 0 : i32
    %dma_start3A_78 = tpu.memref_slice %dma_start3A_75[%dma_start3A_76, %dma_start3A_77] : memref<640x16xf32, #tpu.memory_space<vmem>> -> memref<128x16xf32, #tpu.memory_space<vmem>>
    %dma_start3A_79 = arith.constant 0 : i32
    %dma_start3A_80 = tpu.memref_slice %arg8[%dma_start3A_70, %dma_start3A_79] : memref<50x128xi32, #tpu.memory_space<vmem>> -> memref<1x128xi32, #tpu.memory_space<vmem>>
    %dma_start3A_81 = tpu.memref_squeeze %dma_start3A_80 : memref<1x128xi32, #tpu.memory_space<vmem>> -> memref<128xi32, #tpu.memory_space<vmem>>
    %dma_start3A_82 = arith.constant 0 : i32
    %dma_start3A_83 = arith.constant 0 : i32
    %dma_start3A_84 = tpu.memref_slice %arg3[%dma_start3A_82, %dma_start3A_83] : memref<1000000x16xf32, #tpu.memory_space<hbm>> -> memref<1000000x16xf32, #tpu.memory_space<hbm>>
    tpu.enqueue_indirect_dma source(%dma_start3A_84 : memref<1000000x16xf32, #tpu.memory_space<hbm>>) target(%dma_start3A_78 : memref<128x16xf32, #tpu.memory_space<vmem>>) offsets(%dma_start3A_81 : memref<128xi32, #tpu.memory_space<vmem>>) semaphore(%arg13 : memref<!tpu.dma_semaphore, #tpu.memory_space<semaphore_mem>>)
    %dma_start3A_85 = arith.constant 1 : i32
    %dma_start3A_86 = arith.constant 0 : i32
    %dma_start3A_87 = arith.constant 0 : i32
    %dma_start3A_88 = arith.constant 0 : i32
    %dma_start3A_89 = tpu.memref_slice %arg11[%dma_start3A_86, %dma_start3A_87, %dma_start3A_88] : memref<2x640x64xbf16, #tpu.memory_space<vmem>> -> memref<1x640x64xbf16, #tpu.memory_space<vmem>>
    %dma_start3A_90 = tpu.memref_squeeze %dma_start3A_89 : memref<1x640x64xbf16, #tpu.memory_space<vmem>> -> memref<640x64xbf16, #tpu.memory_space<vmem>>
    %dma_start3A_91 = arith.constant 128 : i32
    %dma_start3A_92 = arith.constant 0 : i32
    %dma_start3A_93 = tpu.memref_slice %dma_start3A_90[%dma_start3A_91, %dma_start3A_92] : memref<640x64xbf16, #tpu.memory_space<vmem>> -> memref<128x64xbf16, #tpu.memory_space<vmem>>
    %dma_start3A_94 = arith.constant 0 : i32
    %dma_start3A_95 = tpu.memref_slice %arg8[%dma_start3A_85, %dma_start3A_94] : memref<50x128xi32, #tpu.memory_space<vmem>> -> memref<1x128xi32, #tpu.memory_space<vmem>>
    %dma_start3A_96 = tpu.memref_squeeze %dma_start3A_95 : memref<1x128xi32, #tpu.memory_space<vmem>> -> memref<128xi32, #tpu.memory_space<vmem>>
    %dma_start3A_97 = arith.constant 0 : i32
    %dma_start3A_98 = arith.constant 0 : i32
    %dma_start3A_99 = tpu.memref_slice %arg4[%dma_start3A_97, %dma_start3A_98] : memref<1000000x64xbf16, #tpu.memory_space<hbm>> -> memref<1000000x64xbf16, #tpu.memory_space<hbm>>
    tpu.enqueue_indirect_dma source(%dma_start3A_99 : memref<1000000x64xbf16, #tpu.memory_space<hbm>>) target(%dma_start3A_93 : memref<128x64xbf16, #tpu.memory_space<vmem>>) offsets(%dma_start3A_96 : memref<128xi32, #tpu.memory_space<vmem>>) semaphore(%arg14 : memref<!tpu.dma_semaphore, #tpu.memory_space<semaphore_mem>>)
    %dma_start3A_100 = arith.constant 2 : i32
    %dma_start3A_101 = arith.constant 0 : i32
    %dma_start3A_102 = arith.constant 0 : i32
    %dma_start3A_103 = arith.constant 0 : i32
    %dma_start3A_104 = tpu.memref_slice %arg9[%dma_start3A_101, %dma_start3A_102, %dma_start3A_103] : memref<2x640x16xf32, #tpu.memory_space<vmem>> -> memref<1x640x16xf32, #tpu.memory_space<vmem>>
    %dma_start3A_105 = tpu.memref_squeeze %dma_start3A_104 : memref<1x640x16xf32, #tpu.memory_space<vmem>> -> memref<640x16xf32, #tpu.memory_space<vmem>>
    %dma_start3A_106 = arith.constant 256 : i32
    %dma_start3A_107 = arith.constant 0 : i32
    %dma_start3A_108 = tpu.memref_slice %dma_start3A_105[%dma_start3A_106, %dma_start3A_107] : memref<640x16xf32, #tpu.memory_space<vmem>> -> memref<128x16xf32, #tpu.memory_space<vmem>>
    %dma_start3A_109 = arith.constant 0 : i32
    %dma_start3A_110 = tpu.memref_slice %arg8[%dma_start3A_100, %dma_start3A_109] : memref<50x128xi32, #tpu.memory_space<vmem>> -> memref<1x128xi32, #tpu.memory_space<vmem>>
    %dma_start3A_111 = tpu.memref_squeeze %dma_start3A_110 : memref<1x128xi32, #tpu.memory_space<vmem>> -> memref<128xi32, #tpu.memory_space<vmem>>
    %dma_start3A_112 = arith.constant 0 : i32
    %dma_start3A_113 = arith.constant 0 : i32
    %dma_start3A_114 = tpu.memref_slice %arg3[%dma_start3A_112, %dma_start3A_113] : memref<1000000x16xf32, #tpu.memory_space<hbm>> -> memref<1000000x16xf32, #tpu.memory_space<hbm>>
    tpu.enqueue_indirect_dma source(%dma_start3A_114 : memref<1000000x16xf32, #tpu.memory_space<hbm>>) target(%dma_start3A_108 : memref<128x16xf32, #tpu.memory_space<vmem>>) offsets(%dma_start3A_111 : memref<128xi32, #tpu.memory_space<vmem>>) semaphore(%arg13 : memref<!tpu.dma_semaphore, #tpu.memory_space<semaphore_mem>>)
    %dma_start3A_115 = arith.constant 2 : i32
    %dma_start3A_116 = arith.constant 0 : i32
    %dma_start3A_117 = arith.constant 0 : i32
    %dma_start3A_118 = arith.constant 0 : i32
    %dma_start3A_119 = tpu.memref_slice %arg11[%dma_start3A_116, %dma_start3A_117, %dma_start3A_118] : memref<2x640x64xbf16, #tpu.memory_space<vmem>> -> memref<1x640x64xbf16, #tpu.memory_space<vmem>>
    %dma_start3A_120 = tpu.memref_squeeze %dma_start3A_119 : memref<1x640x64xbf16, #tpu.memory_space<vmem>> -> memref<640x64xbf16, #tpu.memory_space<vmem>>
    %dma_start3A_121 = arith.constant 256 : i32
    %dma_start3A_122 = arith.constant 0 : i32
    %dma_start3A_123 = tpu.memref_slice %dma_start3A_120[%dma_start3A_121, %dma_start3A_122] : memref<640x64xbf16, #tpu.memory_space<vmem>> -> memref<128x64xbf16, #tpu.memory_space<vmem>>
    %dma_start3A_124 = arith.constant 0 : i32
    %dma_start3A_125 = tpu.memref_slice %arg8[%dma_start3A_115, %dma_start3A_124] : memref<50x128xi32, #tpu.memory_space<vmem>> -> memref<1x128xi32, #tpu.memory_space<vmem>>
    %dma_start3A_126 = tpu.memref_squeeze %dma_start3A_125 : memref<1x128xi32, #tpu.memory_space<vmem>> -> memref<128xi32, #tpu.memory_space<vmem>>
    %dma_start3A_127 = arith.constant 0 : i32
    %dma_start3A_128 = arith.constant 0 : i32
    %dma_start3A_129 = tpu.memref_slice %arg4[%dma_start3A_127, %dma_start3A_128] : memref<1000000x64xbf16, #tpu.memory_space<hbm>> -> memref<1000000x64xbf16, #tpu.memory_space<hbm>>
    tpu.enqueue_indirect_dma source(%dma_start3A_129 : memref<1000000x64xbf16, #tpu.memory_space<hbm>>) target(%dma_start3A_123 : memref<128x64xbf16, #tpu.memory_space<vmem>>) offsets(%dma_start3A_126 : memref<128xi32, #tpu.memory_space<vmem>>) semaphore(%arg14 : memref<!tpu.dma_semaphore, #tpu.memory_space<semaphore_mem>>)
    %dma_start3A_130 = arith.constant 3 : i32
    %dma_start3A_131 = arith.constant 0 : i32
    %dma_start3A_132 = arith.constant 0 : i32
    %dma_start3A_133 = arith.constant 0 : i32
    %dma_start3A_134 = tpu.memref_slice %arg9[%dma_start3A_131, %dma_start3A_132, %dma_start3A_133] : memref<2x640x16xf32, #tpu.memory_space<vmem>> -> memref<1x640x16xf32, #tpu.memory_space<vmem>>
    %dma_start3A_135 = tpu.memref_squeeze %dma_start3A_134 : memref<1x640x16xf32, #tpu.memory_space<vmem>> -> memref<640x16xf32, #tpu.memory_space<vmem>>
    %dma_start3A_136 = arith.constant 384 : i32
    %dma_start3A_137 = arith.constant 0 : i32
    %dma_start3A_138 = tpu.memref_slice %dma_start3A_135[%dma_start3A_136, %dma_start3A_137] : memref<640x16xf32, #tpu.memory_space<vmem>> -> memref<128x16xf32, #tpu.memory_space<vmem>>
    %dma_start3A_139 = arith.constant 0 : i32
    %dma_start3A_140 = tpu.memref_slice %arg8[%dma_start3A_130, %dma_start3A_139] : memref<50x128xi32, #tpu.memory_space<vmem>> -> memref<1x128xi32, #tpu.memory_space<vmem>>
    %dma_start3A_141 = tpu.memref_squeeze %dma_start3A_140 : memref<1x128xi32, #tpu.memory_space<vmem>> -> memref<128xi32, #tpu.memory_space<vmem>>
    %dma_start3A_142 = arith.constant 0 : i32
    %dma_start3A_143 = arith.constant 0 : i32
    %dma_start3A_144 = tpu.memref_slice %arg3[%dma_start3A_142, %dma_start3A_143] : memref<1000000x16xf32, #tpu.memory_space<hbm>> -> memref<1000000x16xf32, #tpu.memory_space<hbm>>
    tpu.enqueue_indirect_dma source(%dma_start3A_144 : memref<1000000x16xf32, #tpu.memory_space<hbm>>) target(%dma_start3A_138 : memref<128x16xf32, #tpu.memory_space<vmem>>) offsets(%dma_start3A_141 : memref<128xi32, #tpu.memory_space<vmem>>) semaphore(%arg13 : memref<!tpu.dma_semaphore, #tpu.memory_space<semaphore_mem>>)
    %dma_start3A_145 = arith.constant 3 : i32
    %dma_start3A_146 = arith.constant 0 : i32
    %dma_start3A_147 = arith.constant 0 : i32
    %dma_start3A_148 = arith.constant 0 : i32
    %dma_start3A_149 = tpu.memref_slice %arg11[%dma_start3A_146, %dma_start3A_147, %dma_start3A_148] : memref<2x640x64xbf16, #tpu.memory_space<vmem>> -> memref<1x640x64xbf16, #tpu.memory_space<vmem>>
    %dma_start3A_150 = tpu.memref_squeeze %dma_start3A_149 : memref<1x640x64xbf16, #tpu.memory_space<vmem>> -> memref<640x64xbf16, #tpu.memory_space<vmem>>
    %dma_start3A_151 = arith.constant 384 : i32
    %dma_start3A_152 = arith.constant 0 : i32
    %dma_start3A_153 = tpu.memref_slice %dma_start3A_150[%dma_start3A_151, %dma_start3A_152] : memref<640x64xbf16, #tpu.memory_space<vmem>> -> memref<128x64xbf16, #tpu.memory_space<vmem>>
    %dma_start3A_154 = arith.constant 0 : i32
    %dma_start3A_155 = tpu.memref_slice %arg8[%dma_start3A_145, %dma_start3A_154] : memref<50x128xi32, #tpu.memory_space<vmem>> -> memref<1x128xi32, #tpu.memory_space<vmem>>
    %dma_start3A_156 = tpu.memref_squeeze %dma_start3A_155 : memref<1x128xi32, #tpu.memory_space<vmem>> -> memref<128xi32, #tpu.memory_space<vmem>>
    %dma_start3A_157 = arith.constant 0 : i32
    %dma_start3A_158 = arith.constant 0 : i32
    %dma_start3A_159 = tpu.memref_slice %arg4[%dma_start3A_157, %dma_start3A_158] : memref<1000000x64xbf16, #tpu.memory_space<hbm>> -> memref<1000000x64xbf16, #tpu.memory_space<hbm>>
    tpu.enqueue_indirect_dma source(%dma_start3A_159 : memref<1000000x64xbf16, #tpu.memory_space<hbm>>) target(%dma_start3A_153 : memref<128x64xbf16, #tpu.memory_space<vmem>>) offsets(%dma_start3A_156 : memref<128xi32, #tpu.memory_space<vmem>>) semaphore(%arg14 : memref<!tpu.dma_semaphore, #tpu.memory_space<semaphore_mem>>)
    %dma_start3A_160 = arith.constant 4 : i32
    %dma_start3A_161 = arith.constant 0 : i32
    %dma_start3A_162 = arith.constant 0 : i32
    %dma_start3A_163 = arith.constant 0 : i32
    %dma_start3A_164 = tpu.memref_slice %arg9[%dma_start3A_161, %dma_start3A_162, %dma_start3A_163] : memref<2x640x16xf32, #tpu.memory_space<vmem>> -> memref<1x640x16xf32, #tpu.memory_space<vmem>>
    %dma_start3A_165 = tpu.memref_squeeze %dma_start3A_164 : memref<1x640x16xf32, #tpu.memory_space<vmem>> -> memref<640x16xf32, #tpu.memory_space<vmem>>
    %dma_start3A_166 = arith.constant 512 : i32
    %dma_start3A_167 = arith.constant 0 : i32
    %dma_start3A_168 = tpu.memref_slice %dma_start3A_165[%dma_start3A_166, %dma_start3A_167] : memref<640x16xf32, #tpu.memory_space<vmem>> -> memref<128x16xf32, #tpu.memory_space<vmem>>
    %dma_start3A_169 = arith.constant 0 : i32
    %dma_start3A_170 = tpu.memref_slice %arg8[%dma_start3A_160, %dma_start3A_169] : memref<50x128xi32, #tpu.memory_space<vmem>> -> memref<1x128xi32, #tpu.memory_space<vmem>>
    %dma_start3A_171 = tpu.memref_squeeze %dma_start3A_170 : memref<1x128xi32, #tpu.memory_space<vmem>> -> memref<128xi32, #tpu.memory_space<vmem>>
    %dma_start3A_172 = arith.constant 0 : i32
    %dma_start3A_173 = arith.constant 0 : i32
    %dma_start3A_174 = tpu.memref_slice %arg3[%dma_start3A_172, %dma_start3A_173] : memref<1000000x16xf32, #tpu.memory_space<hbm>> -> memref<1000000x16xf32, #tpu.memory_space<hbm>>
    tpu.enqueue_indirect_dma source(%dma_start3A_174 : memref<1000000x16xf32, #tpu.memory_space<hbm>>) target(%dma_start3A_168 : memref<128x16xf32, #tpu.memory_space<vmem>>) offsets(%dma_start3A_171 : memref<128xi32, #tpu.memory_space<vmem>>) semaphore(%arg13 : memref<!tpu.dma_semaphore, #tpu.memory_space<semaphore_mem>>)
    %dma_start3A_175 = arith.constant 4 : i32
    %dma_start3A_176 = arith.constant 0 : i32
    %dma_start3A_177 = arith.constant 0 : i32
    %dma_start3A_178 = arith.constant 0 : i32
    %dma_start3A_179 = tpu.memref_slice %arg11[%dma_start3A_176, %dma_start3A_177, %dma_start3A_178] : memref<2x640x64xbf16, #tpu.memory_space<vmem>> -> memref<1x640x64xbf16, #tpu.memory_space<vmem>>
    %dma_start3A_180 = tpu.memref_squeeze %dma_start3A_179 : memref<1x640x64xbf16, #tpu.memory_space<vmem>> -> memref<640x64xbf16, #tpu.memory_space<vmem>>
    %dma_start3A_181 = arith.constant 512 : i32
    %dma_start3A_182 = arith.constant 0 : i32
    %dma_start3A_183 = tpu.memref_slice %dma_start3A_180[%dma_start3A_181, %dma_start3A_182] : memref<640x64xbf16, #tpu.memory_space<vmem>> -> memref<128x64xbf16, #tpu.memory_space<vmem>>
    %dma_start3A_184 = arith.constant 0 : i32
    %dma_start3A_185 = tpu.memref_slice %arg8[%dma_start3A_175, %dma_start3A_184] : memref<50x128xi32, #tpu.memory_space<vmem>> -> memref<1x128xi32, #tpu.memory_space<vmem>>
    %dma_start3A_186 = tpu.memref_squeeze %dma_start3A_185 : memref<1x128xi32, #tpu.memory_space<vmem>> -> memref<128xi32, #tpu.memory_space<vmem>>
    %dma_start3A_187 = arith.constant 0 : i32
    %dma_start3A_188 = arith.constant 0 : i32
    %dma_start3A_189 = tpu.memref_slice %arg4[%dma_start3A_187, %dma_start3A_188] : memref<1000000x64xbf16, #tpu.memory_space<hbm>> -> memref<1000000x64xbf16, #tpu.memory_space<hbm>>
    tpu.enqueue_indirect_dma source(%dma_start3A_189 : memref<1000000x64xbf16, #tpu.memory_space<hbm>>) target(%dma_start3A_183 : memref<128x64xbf16, #tpu.memory_space<vmem>>) offsets(%dma_start3A_186 : memref<128xi32, #tpu.memory_space<vmem>>) semaphore(%arg14 : memref<!tpu.dma_semaphore, #tpu.memory_space<semaphore_mem>>)
    %scan3A = arith.constant 0 : i32
    %scan3A_190 = arith.constant 0 : i32
    %scan3A_191 = arith.constant 10 : i32
    %scan3A_192 = arith.addi %scan3A_190, %scan3A_191 : i32
    %scan3A_193 = arith.constant 1 : i32
    scf.for %scan3A_195 = %scan3A_190 to %scan3A_192 step %scan3A_193  : i32 {
      %rem3A_196 = arith.constant 2 : i32
      %rem3A_197 = arith.remsi %scan3A_195, %rem3A_196 : i32
      %mul3A_198 = arith.constant 5 : i32
      %mul3A_199 = arith.muli %scan3A_195, %mul3A_198 : i32
      %add3A_200 = arith.constant 0 : i32
      %add3A_201 = arith.addi %mul3A_199, %add3A_200 : i32
      %dma_wait3A = arith.constant 0 : i32
      %dma_wait3A_202 = arith.constant 0 : i32
      %dma_wait3A_203 = tpu.memref_slice %arg9[%rem3A_197, %dma_wait3A, %dma_wait3A_202] : memref<2x640x16xf32, #tpu.memory_space<vmem>> -> memref<1x640x16xf32, #tpu.memory_space<vmem>>
      %dma_wait3A_204 = tpu.memref_squeeze %dma_wait3A_203 : memref<1x640x16xf32, #tpu.memory_space<vmem>> -> memref<640x16xf32, #tpu.memory_space<vmem>>
      %dma_wait3A_205 = arith.constant 0 : i32
      %dma_wait3A_206 = arith.constant 0 : i32
      %dma_wait3A_207 = tpu.memref_slice %dma_wait3A_204[%dma_wait3A_205, %dma_wait3A_206] : memref<640x16xf32, #tpu.memory_space<vmem>> -> memref<128x16xf32, #tpu.memory_space<vmem>>
      %dma_wait3A_208 = arith.constant 0 : i32
      %dma_wait3A_209 = tpu.memref_slice %arg8[%add3A_201, %dma_wait3A_208] : memref<50x128xi32, #tpu.memory_space<vmem>> -> memref<1x128xi32, #tpu.memory_space<vmem>>
      %dma_wait3A_210 = tpu.memref_squeeze %dma_wait3A_209 : memref<1x128xi32, #tpu.memory_space<vmem>> -> memref<128xi32, #tpu.memory_space<vmem>>
      %dma_wait3A_211 = arith.constant 0 : i32
      %dma_wait3A_212 = arith.constant 0 : i32
      %dma_wait3A_213 = tpu.memref_slice %arg3[%dma_wait3A_211, %dma_wait3A_212] : memref<1000000x16xf32, #tpu.memory_space<hbm>> -> memref<1000000x16xf32, #tpu.memory_space<hbm>>
      tpu.wait_indirect_dma semaphore(%arg13 : memref<!tpu.dma_semaphore, #tpu.memory_space<semaphore_mem>>) src(%dma_wait3A_213 : memref<1000000x16xf32, #tpu.memory_space<hbm>>) dst(%dma_wait3A_207 : memref<128x16xf32, #tpu.memory_space<vmem>>)
      %dma_wait3A_214 = arith.constant 0 : i32
      %dma_wait3A_215 = arith.constant 0 : i32
      %dma_wait3A_216 = tpu.memref_slice %arg11[%rem3A_197, %dma_wait3A_214, %dma_wait3A_215] : memref<2x640x64xbf16, #tpu.memory_space<vmem>> -> memref<1x640x64xbf16, #tpu.memory_space<vmem>>
      %dma_wait3A_217 = tpu.memref_squeeze %dma_wait3A_216 : memref<1x640x64xbf16, #tpu.memory_space<vmem>> -> memref<640x64xbf16, #tpu.memory_space<vmem>>
      %dma_wait3A_218 = arith.constant 0 : i32
      %dma_wait3A_219 = arith.constant 0 : i32
      %dma_wait3A_220 = tpu.memref_slice %dma_wait3A_217[%dma_wait3A_218, %dma_wait3A_219] : memref<640x64xbf16, #tpu.memory_space<vmem>> -> memref<128x64xbf16, #tpu.memory_space<vmem>>
      %dma_wait3A_221 = arith.constant 0 : i32
      %dma_wait3A_222 = tpu.memref_slice %arg8[%add3A_201, %dma_wait3A_221] : memref<50x128xi32, #tpu.memory_space<vmem>> -> memref<1x128xi32, #tpu.memory_space<vmem>>
      %dma_wait3A_223 = tpu.memref_squeeze %dma_wait3A_222 : memref<1x128xi32, #tpu.memory_space<vmem>> -> memref<128xi32, #tpu.memory_space<vmem>>
      %dma_wait3A_224 = arith.constant 0 : i32
      %dma_wait3A_225 = arith.constant 0 : i32
      %dma_wait3A_226 = tpu.memref_slice %arg4[%dma_wait3A_224, %dma_wait3A_225] : memref<1000000x64xbf16, #tpu.memory_space<hbm>> -> memref<1000000x64xbf16, #tpu.memory_space<hbm>>
      tpu.wait_indirect_dma semaphore(%arg14 : memref<!tpu.dma_semaphore, #tpu.memory_space<semaphore_mem>>) src(%dma_wait3A_226 : memref<1000000x64xbf16, #tpu.memory_space<hbm>>) dst(%dma_wait3A_220 : memref<128x64xbf16, #tpu.memory_space<vmem>>)
      %mul3A_227 = arith.constant 5 : i32
      %mul3A_228 = arith.muli %scan3A_195, %mul3A_227 : i32
      %add3A_229 = arith.constant 1 : i32
      %add3A_230 = arith.addi %mul3A_228, %add3A_229 : i32
      %dma_wait3A_231 = arith.constant 0 : i32
      %dma_wait3A_232 = arith.constant 0 : i32
      %dma_wait3A_233 = tpu.memref_slice %arg9[%rem3A_197, %dma_wait3A_231, %dma_wait3A_232] : memref<2x640x16xf32, #tpu.memory_space<vmem>> -> memref<1x640x16xf32, #tpu.memory_space<vmem>>
      %dma_wait3A_234 = tpu.memref_squeeze %dma_wait3A_233 : memref<1x640x16xf32, #tpu.memory_space<vmem>> -> memref<640x16xf32, #tpu.memory_space<vmem>>
      %dma_wait3A_235 = arith.constant 128 : i32
      %dma_wait3A_236 = arith.constant 0 : i32
      %dma_wait3A_237 = tpu.memref_slice %dma_wait3A_234[%dma_wait3A_235, %dma_wait3A_236] : memref<640x16xf32, #tpu.memory_space<vmem>> -> memref<128x16xf32, #tpu.memory_space<vmem>>
      %dma_wait3A_238 = arith.constant 0 : i32
      %dma_wait3A_239 = tpu.memref_slice %arg8[%add3A_230, %dma_wait3A_238] : memref<50x128xi32, #tpu.memory_space<vmem>> -> memref<1x128xi32, #tpu.memory_space<vmem>>
      %dma_wait3A_240 = tpu.memref_squeeze %dma_wait3A_239 : memref<1x128xi32, #tpu.memory_space<vmem>> -> memref<128xi32, #tpu.memory_space<vmem>>
      %dma_wait3A_241 = arith.constant 0 : i32
      %dma_wait3A_242 = arith.constant 0 : i32
      %dma_wait3A_243 = tpu.memref_slice %arg3[%dma_wait3A_241, %dma_wait3A_242] : memref<1000000x16xf32, #tpu.memory_space<hbm>> -> memref<1000000x16xf32, #tpu.memory_space<hbm>>
      tpu.wait_indirect_dma semaphore(%arg13 : memref<!tpu.dma_semaphore, #tpu.memory_space<semaphore_mem>>) src(%dma_wait3A_243 : memref<1000000x16xf32, #tpu.memory_space<hbm>>) dst(%dma_wait3A_237 : memref<128x16xf32, #tpu.memory_space<vmem>>)
      %dma_wait3A_244 = arith.constant 0 : i32
      %dma_wait3A_245 = arith.constant 0 : i32
      %dma_wait3A_246 = tpu.memref_slice %arg11[%rem3A_197, %dma_wait3A_244, %dma_wait3A_245] : memref<2x640x64xbf16, #tpu.memory_space<vmem>> -> memref<1x640x64xbf16, #tpu.memory_space<vmem>>
      %dma_wait3A_247 = tpu.memref_squeeze %dma_wait3A_246 : memref<1x640x64xbf16, #tpu.memory_space<vmem>> -> memref<640x64xbf16, #tpu.memory_space<vmem>>
      %dma_wait3A_248 = arith.constant 128 : i32
      %dma_wait3A_249 = arith.constant 0 : i32
      %dma_wait3A_250 = tpu.memref_slice %dma_wait3A_247[%dma_wait3A_248, %dma_wait3A_249] : memref<640x64xbf16, #tpu.memory_space<vmem>> -> memref<128x64xbf16, #tpu.memory_space<vmem>>
      %dma_wait3A_251 = arith.constant 0 : i32
      %dma_wait3A_252 = tpu.memref_slice %arg8[%add3A_230, %dma_wait3A_251] : memref<50x128xi32, #tpu.memory_space<vmem>> -> memref<1x128xi32, #tpu.memory_space<vmem>>
      %dma_wait3A_253 = tpu.memref_squeeze %dma_wait3A_252 : memref<1x128xi32, #tpu.memory_space<vmem>> -> memref<128xi32, #tpu.memory_space<vmem>>
      %dma_wait3A_254 = arith.constant 0 : i32
      %dma_wait3A_255 = arith.constant 0 : i32
      %dma_wait3A_256 = tpu.memref_slice %arg4[%dma_wait3A_254, %dma_wait3A_255] : memref<1000000x64xbf16, #tpu.memory_space<hbm>> -> memref<1000000x64xbf16, #tpu.memory_space<hbm>>
      tpu.wait_indirect_dma semaphore(%arg14 : memref<!tpu.dma_semaphore, #tpu.memory_space<semaphore_mem>>) src(%dma_wait3A_256 : memref<1000000x64xbf16, #tpu.memory_space<hbm>>) dst(%dma_wait3A_250 : memref<128x64xbf16, #tpu.memory_space<vmem>>)
      %mul3A_257 = arith.constant 5 : i32
      %mul3A_258 = arith.muli %scan3A_195, %mul3A_257 : i32
      %add3A_259 = arith.constant 2 : i32
      %add3A_260 = arith.addi %mul3A_258, %add3A_259 : i32
      %dma_wait3A_261 = arith.constant 0 : i32
      %dma_wait3A_262 = arith.constant 0 : i32
      %dma_wait3A_263 = tpu.memref_slice %arg9[%rem3A_197, %dma_wait3A_261, %dma_wait3A_262] : memref<2x640x16xf32, #tpu.memory_space<vmem>> -> memref<1x640x16xf32, #tpu.memory_space<vmem>>
      %dma_wait3A_264 = tpu.memref_squeeze %dma_wait3A_263 : memref<1x640x16xf32, #tpu.memory_space<vmem>> -> memref<640x16xf32, #tpu.memory_space<vmem>>
      %dma_wait3A_265 = arith.constant 256 : i32
      %dma_wait3A_266 = arith.constant 0 : i32
      %dma_wait3A_267 = tpu.memref_slice %dma_wait3A_264[%dma_wait3A_265, %dma_wait3A_266] : memref<640x16xf32, #tpu.memory_space<vmem>> -> memref<128x16xf32, #tpu.memory_space<vmem>>
      %dma_wait3A_268 = arith.constant 0 : i32
      %dma_wait3A_269 = tpu.memref_slice %arg8[%add3A_260, %dma_wait3A_268] : memref<50x128xi32, #tpu.memory_space<vmem>> -> memref<1x128xi32, #tpu.memory_space<vmem>>
      %dma_wait3A_270 = tpu.memref_squeeze %dma_wait3A_269 : memref<1x128xi32, #tpu.memory_space<vmem>> -> memref<128xi32, #tpu.memory_space<vmem>>
      %dma_wait3A_271 = arith.constant 0 : i32
      %dma_wait3A_272 = arith.constant 0 : i32
      %dma_wait3A_273 = tpu.memref_slice %arg3[%dma_wait3A_271, %dma_wait3A_272] : memref<1000000x16xf32, #tpu.memory_space<hbm>> -> memref<1000000x16xf32, #tpu.memory_space<hbm>>
      tpu.wait_indirect_dma semaphore(%arg13 : memref<!tpu.dma_semaphore, #tpu.memory_space<semaphore_mem>>) src(%dma_wait3A_273 : memref<1000000x16xf32, #tpu.memory_space<hbm>>) dst(%dma_wait3A_267 : memref<128x16xf32, #tpu.memory_space<vmem>>)
      %dma_wait3A_274 = arith.constant 0 : i32
      %dma_wait3A_275 = arith.constant 0 : i32
      %dma_wait3A_276 = tpu.memref_slice %arg11[%rem3A_197, %dma_wait3A_274, %dma_wait3A_275] : memref<2x640x64xbf16, #tpu.memory_space<vmem>> -> memref<1x640x64xbf16, #tpu.memory_space<vmem>>
      %dma_wait3A_277 = tpu.memref_squeeze %dma_wait3A_276 : memref<1x640x64xbf16, #tpu.memory_space<vmem>> -> memref<640x64xbf16, #tpu.memory_space<vmem>>
      %dma_wait3A_278 = arith.constant 256 : i32
      %dma_wait3A_279 = arith.constant 0 : i32
      %dma_wait3A_280 = tpu.memref_slice %dma_wait3A_277[%dma_wait3A_278, %dma_wait3A_279] : memref<640x64xbf16, #tpu.memory_space<vmem>> -> memref<128x64xbf16, #tpu.memory_space<vmem>>
      %dma_wait3A_281 = arith.constant 0 : i32
      %dma_wait3A_282 = tpu.memref_slice %arg8[%add3A_260, %dma_wait3A_281] : memref<50x128xi32, #tpu.memory_space<vmem>> -> memref<1x128xi32, #tpu.memory_space<vmem>>
      %dma_wait3A_283 = tpu.memref_squeeze %dma_wait3A_282 : memref<1x128xi32, #tpu.memory_space<vmem>> -> memref<128xi32, #tpu.memory_space<vmem>>
      %dma_wait3A_284 = arith.constant 0 : i32
      %dma_wait3A_285 = arith.constant 0 : i32
      %dma_wait3A_286 = tpu.memref_slice %arg4[%dma_wait3A_284, %dma_wait3A_285] : memref<1000000x64xbf16, #tpu.memory_space<hbm>> -> memref<1000000x64xbf16, #tpu.memory_space<hbm>>
      tpu.wait_indirect_dma semaphore(%arg14 : memref<!tpu.dma_semaphore, #tpu.memory_space<semaphore_mem>>) src(%dma_wait3A_286 : memref<1000000x64xbf16, #tpu.memory_space<hbm>>) dst(%dma_wait3A_280 : memref<128x64xbf16, #tpu.memory_space<vmem>>)
      %mul3A_287 = arith.constant 5 : i32
      %mul3A_288 = arith.muli %scan3A_195, %mul3A_287 : i32
      %add3A_289 = arith.constant 3 : i32
      %add3A_290 = arith.addi %mul3A_288, %add3A_289 : i32
      %dma_wait3A_291 = arith.constant 0 : i32
      %dma_wait3A_292 = arith.constant 0 : i32
      %dma_wait3A_293 = tpu.memref_slice %arg9[%rem3A_197, %dma_wait3A_291, %dma_wait3A_292] : memref<2x640x16xf32, #tpu.memory_space<vmem>> -> memref<1x640x16xf32, #tpu.memory_space<vmem>>
      %dma_wait3A_294 = tpu.memref_squeeze %dma_wait3A_293 : memref<1x640x16xf32, #tpu.memory_space<vmem>> -> memref<640x16xf32, #tpu.memory_space<vmem>>
      %dma_wait3A_295 = arith.constant 384 : i32
      %dma_wait3A_296 = arith.constant 0 : i32
      %dma_wait3A_297 = tpu.memref_slice %dma_wait3A_294[%dma_wait3A_295, %dma_wait3A_296] : memref<640x16xf32, #tpu.memory_space<vmem>> -> memref<128x16xf32, #tpu.memory_space<vmem>>
      %dma_wait3A_298 = arith.constant 0 : i32
      %dma_wait3A_299 = tpu.memref_slice %arg8[%add3A_290, %dma_wait3A_298] : memref<50x128xi32, #tpu.memory_space<vmem>> -> memref<1x128xi32, #tpu.memory_space<vmem>>
      %dma_wait3A_300 = tpu.memref_squeeze %dma_wait3A_299 : memref<1x128xi32, #tpu.memory_space<vmem>> -> memref<128xi32, #tpu.memory_space<vmem>>
      %dma_wait3A_301 = arith.constant 0 : i32
      %dma_wait3A_302 = arith.constant 0 : i32
      %dma_wait3A_303 = tpu.memref_slice %arg3[%dma_wait3A_301, %dma_wait3A_302] : memref<1000000x16xf32, #tpu.memory_space<hbm>> -> memref<1000000x16xf32, #tpu.memory_space<hbm>>
      tpu.wait_indirect_dma semaphore(%arg13 : memref<!tpu.dma_semaphore, #tpu.memory_space<semaphore_mem>>) src(%dma_wait3A_303 : memref<1000000x16xf32, #tpu.memory_space<hbm>>) dst(%dma_wait3A_297 : memref<128x16xf32, #tpu.memory_space<vmem>>)
      %dma_wait3A_304 = arith.constant 0 : i32
      %dma_wait3A_305 = arith.constant 0 : i32
      %dma_wait3A_306 = tpu.memref_slice %arg11[%rem3A_197, %dma_wait3A_304, %dma_wait3A_305] : memref<2x640x64xbf16, #tpu.memory_space<vmem>> -> memref<1x640x64xbf16, #tpu.memory_space<vmem>>
      %dma_wait3A_307 = tpu.memref_squeeze %dma_wait3A_306 : memref<1x640x64xbf16, #tpu.memory_space<vmem>> -> memref<640x64xbf16, #tpu.memory_space<vmem>>
      %dma_wait3A_308 = arith.constant 384 : i32
      %dma_wait3A_309 = arith.constant 0 : i32
      %dma_wait3A_310 = tpu.memref_slice %dma_wait3A_307[%dma_wait3A_308, %dma_wait3A_309] : memref<640x64xbf16, #tpu.memory_space<vmem>> -> memref<128x64xbf16, #tpu.memory_space<vmem>>
      %dma_wait3A_311 = arith.constant 0 : i32
      %dma_wait3A_312 = tpu.memref_slice %arg8[%add3A_290, %dma_wait3A_311] : memref<50x128xi32, #tpu.memory_space<vmem>> -> memref<1x128xi32, #tpu.memory_space<vmem>>
      %dma_wait3A_313 = tpu.memref_squeeze %dma_wait3A_312 : memref<1x128xi32, #tpu.memory_space<vmem>> -> memref<128xi32, #tpu.memory_space<vmem>>
      %dma_wait3A_314 = arith.constant 0 : i32
      %dma_wait3A_315 = arith.constant 0 : i32
      %dma_wait3A_316 = tpu.memref_slice %arg4[%dma_wait3A_314, %dma_wait3A_315] : memref<1000000x64xbf16, #tpu.memory_space<hbm>> -> memref<1000000x64xbf16, #tpu.memory_space<hbm>>
      tpu.wait_indirect_dma semaphore(%arg14 : memref<!tpu.dma_semaphore, #tpu.memory_space<semaphore_mem>>) src(%dma_wait3A_316 : memref<1000000x64xbf16, #tpu.memory_space<hbm>>) dst(%dma_wait3A_310 : memref<128x64xbf16, #tpu.memory_space<vmem>>)
      %mul3A_317 = arith.constant 5 : i32
      %mul3A_318 = arith.muli %scan3A_195, %mul3A_317 : i32
      %add3A_319 = arith.constant 4 : i32
      %add3A_320 = arith.addi %mul3A_318, %add3A_319 : i32
      %dma_wait3A_321 = arith.constant 0 : i32
      %dma_wait3A_322 = arith.constant 0 : i32
      %dma_wait3A_323 = tpu.memref_slice %arg9[%rem3A_197, %dma_wait3A_321, %dma_wait3A_322] : memref<2x640x16xf32, #tpu.memory_space<vmem>> -> memref<1x640x16xf32, #tpu.memory_space<vmem>>
      %dma_wait3A_324 = tpu.memref_squeeze %dma_wait3A_323 : memref<1x640x16xf32, #tpu.memory_space<vmem>> -> memref<640x16xf32, #tpu.memory_space<vmem>>
      %dma_wait3A_325 = arith.constant 512 : i32
      %dma_wait3A_326 = arith.constant 0 : i32
      %dma_wait3A_327 = tpu.memref_slice %dma_wait3A_324[%dma_wait3A_325, %dma_wait3A_326] : memref<640x16xf32, #tpu.memory_space<vmem>> -> memref<128x16xf32, #tpu.memory_space<vmem>>
      %dma_wait3A_328 = arith.constant 0 : i32
      %dma_wait3A_329 = tpu.memref_slice %arg8[%add3A_320, %dma_wait3A_328] : memref<50x128xi32, #tpu.memory_space<vmem>> -> memref<1x128xi32, #tpu.memory_space<vmem>>
      %dma_wait3A_330 = tpu.memref_squeeze %dma_wait3A_329 : memref<1x128xi32, #tpu.memory_space<vmem>> -> memref<128xi32, #tpu.memory_space<vmem>>
      %dma_wait3A_331 = arith.constant 0 : i32
      %dma_wait3A_332 = arith.constant 0 : i32
      %dma_wait3A_333 = tpu.memref_slice %arg3[%dma_wait3A_331, %dma_wait3A_332] : memref<1000000x16xf32, #tpu.memory_space<hbm>> -> memref<1000000x16xf32, #tpu.memory_space<hbm>>
      tpu.wait_indirect_dma semaphore(%arg13 : memref<!tpu.dma_semaphore, #tpu.memory_space<semaphore_mem>>) src(%dma_wait3A_333 : memref<1000000x16xf32, #tpu.memory_space<hbm>>) dst(%dma_wait3A_327 : memref<128x16xf32, #tpu.memory_space<vmem>>)
      %dma_wait3A_334 = arith.constant 0 : i32
      %dma_wait3A_335 = arith.constant 0 : i32
      %dma_wait3A_336 = tpu.memref_slice %arg11[%rem3A_197, %dma_wait3A_334, %dma_wait3A_335] : memref<2x640x64xbf16, #tpu.memory_space<vmem>> -> memref<1x640x64xbf16, #tpu.memory_space<vmem>>
      %dma_wait3A_337 = tpu.memref_squeeze %dma_wait3A_336 : memref<1x640x64xbf16, #tpu.memory_space<vmem>> -> memref<640x64xbf16, #tpu.memory_space<vmem>>
      %dma_wait3A_338 = arith.constant 512 : i32
      %dma_wait3A_339 = arith.constant 0 : i32
      %dma_wait3A_340 = tpu.memref_slice %dma_wait3A_337[%dma_wait3A_338, %dma_wait3A_339] : memref<640x64xbf16, #tpu.memory_space<vmem>> -> memref<128x64xbf16, #tpu.memory_space<vmem>>
      %dma_wait3A_341 = arith.constant 0 : i32
      %dma_wait3A_342 = tpu.memref_slice %arg8[%add3A_320, %dma_wait3A_341] : memref<50x128xi32, #tpu.memory_space<vmem>> -> memref<1x128xi32, #tpu.memory_space<vmem>>
      %dma_wait3A_343 = tpu.memref_squeeze %dma_wait3A_342 : memref<1x128xi32, #tpu.memory_space<vmem>> -> memref<128xi32, #tpu.memory_space<vmem>>
      %dma_wait3A_344 = arith.constant 0 : i32
      %dma_wait3A_345 = arith.constant 0 : i32
      %dma_wait3A_346 = tpu.memref_slice %arg4[%dma_wait3A_344, %dma_wait3A_345] : memref<1000000x64xbf16, #tpu.memory_space<hbm>> -> memref<1000000x64xbf16, #tpu.memory_space<hbm>>
      tpu.wait_indirect_dma semaphore(%arg14 : memref<!tpu.dma_semaphore, #tpu.memory_space<semaphore_mem>>) src(%dma_wait3A_346 : memref<1000000x64xbf16, #tpu.memory_space<hbm>>) dst(%dma_wait3A_340 : memref<128x64xbf16, #tpu.memory_space<vmem>>)
      %mul3A_347 = arith.constant 640 : i32
      %mul3A_348 = arith.muli %scan3A_195, %mul3A_347 : i32
      %add3A_349 = arith.addi %mul3A_2, %mul3A_348 : i32
      %dma_start3A_350 = arith.constant 0 : i32
      %dma_start3A_351 = arith.constant 0 : i32
      %dma_start3A_352 = tpu.memref_slice %arg9[%rem3A_197, %dma_start3A_350, %dma_start3A_351] : memref<2x640x16xf32, #tpu.memory_space<vmem>> -> memref<1x640x16xf32, #tpu.memory_space<vmem>>
      %dma_start3A_353 = tpu.memref_squeeze %dma_start3A_352 : memref<1x640x16xf32, #tpu.memory_space<vmem>> -> memref<640x16xf32, #tpu.memory_space<vmem>>
      %dma_start3A_354 = arith.constant 0 : i32
      %dma_start3A_355 = tpu.memref_slice %arg5[%add3A_349, %dma_start3A_354] : memref<204800x16xf32, #tpu.memory_space<hbm>> -> memref<640x16xf32, #tpu.memory_space<hbm>>
      %dma_start3A_356 = arith.constant 0 : i32
      %dma_start3A_357 = tpu.memref_slice %arg5[%add3A_349, %dma_start3A_356] : memref<204800x16xf32, #tpu.memory_space<hbm>> -> memref<640x16xf32, #tpu.memory_space<hbm>>
      %dma_start3A_358 = arith.constant 0 : i32
      %dma_start3A_359 = arith.constant 0 : i32
      %dma_start3A_360 = tpu.memref_slice %arg9[%rem3A_197, %dma_start3A_358, %dma_start3A_359] : memref<2x640x16xf32, #tpu.memory_space<vmem>> -> memref<1x640x16xf32, #tpu.memory_space<vmem>>
      %dma_start3A_361 = tpu.memref_squeeze %dma_start3A_360 : memref<1x640x16xf32, #tpu.memory_space<vmem>> -> memref<640x16xf32, #tpu.memory_space<vmem>>
      tpu.enqueue_dma source(%dma_start3A_361 : memref<640x16xf32, #tpu.memory_space<vmem>>) target(%dma_start3A_357 : memref<640x16xf32, #tpu.memory_space<hbm>>) target_semaphore(%arg15 : memref<!tpu.dma_semaphore, #tpu.memory_space<semaphore_mem>>)
      %add3A_362 = arith.constant 1 : i32
      %add3A_363 = arith.addi %scan3A_195, %add3A_362 : i32
      %lt3A = arith.constant 10 : i32
      %lt3A_364 = arith.cmpi slt, %add3A_363, %lt3A : i32
      %convert_element_type3A = arith.extui %lt3A_364 : i1 to i32
      %cond3A = arith.constant 0 : i32
      %cond3A_365 = arith.cmpi ne, %convert_element_type3A, %cond3A : i32
      scf.if %cond3A_365 {
        %add3A_403 = arith.constant 1 : i32
        %add3A_404 = arith.addi %scan3A_195, %add3A_403 : i32
        %sub3A_405 = arith.constant 1 : i32
        %sub3A_406 = arith.subi %sub3A_405, %rem3A_197 : i32
        %mul3A_407 = arith.constant 5 : i32
        %mul3A_408 = arith.muli %add3A_404, %mul3A_407 : i32
        %add3A_409 = arith.constant 0 : i32
        %add3A_410 = arith.addi %mul3A_408, %add3A_409 : i32
        %dma_start3A_411 = arith.constant 0 : i32
        %dma_start3A_412 = arith.constant 0 : i32
        %dma_start3A_413 = tpu.memref_slice %arg9[%sub3A_406, %dma_start3A_411, %dma_start3A_412] : memref<2x640x16xf32, #tpu.memory_space<vmem>> -> memref<1x640x16xf32, #tpu.memory_space<vmem>>
        %dma_start3A_414 = tpu.memref_squeeze %dma_start3A_413 : memref<1x640x16xf32, #tpu.memory_space<vmem>> -> memref<640x16xf32, #tpu.memory_space<vmem>>
        %dma_start3A_415 = arith.constant 0 : i32
        %dma_start3A_416 = arith.constant 0 : i32
        %dma_start3A_417 = tpu.memref_slice %dma_start3A_414[%dma_start3A_415, %dma_start3A_416] : memref<640x16xf32, #tpu.memory_space<vmem>> -> memref<128x16xf32, #tpu.memory_space<vmem>>
        %dma_start3A_418 = arith.constant 0 : i32
        %dma_start3A_419 = tpu.memref_slice %arg8[%add3A_410, %dma_start3A_418] : memref<50x128xi32, #tpu.memory_space<vmem>> -> memref<1x128xi32, #tpu.memory_space<vmem>>
        %dma_start3A_420 = tpu.memref_squeeze %dma_start3A_419 : memref<1x128xi32, #tpu.memory_space<vmem>> -> memref<128xi32, #tpu.memory_space<vmem>>
        %dma_start3A_421 = arith.constant 0 : i32
        %dma_start3A_422 = arith.constant 0 : i32
        %dma_start3A_423 = tpu.memref_slice %arg3[%dma_start3A_421, %dma_start3A_422] : memref<1000000x16xf32, #tpu.memory_space<hbm>> -> memref<1000000x16xf32, #tpu.memory_space<hbm>>
        tpu.enqueue_indirect_dma source(%dma_start3A_423 : memref<1000000x16xf32, #tpu.memory_space<hbm>>) target(%dma_start3A_417 : memref<128x16xf32, #tpu.memory_space<vmem>>) offsets(%dma_start3A_420 : memref<128xi32, #tpu.memory_space<vmem>>) semaphore(%arg13 : memref<!tpu.dma_semaphore, #tpu.memory_space<semaphore_mem>>)
        %dma_start3A_424 = arith.constant 0 : i32
        %dma_start3A_425 = arith.constant 0 : i32
        %dma_start3A_426 = tpu.memref_slice %arg11[%sub3A_406, %dma_start3A_424, %dma_start3A_425] : memref<2x640x64xbf16, #tpu.memory_space<vmem>> -> memref<1x640x64xbf16, #tpu.memory_space<vmem>>
        %dma_start3A_427 = tpu.memref_squeeze %dma_start3A_426 : memref<1x640x64xbf16, #tpu.memory_space<vmem>> -> memref<640x64xbf16, #tpu.memory_space<vmem>>
        %dma_start3A_428 = arith.constant 0 : i32
        %dma_start3A_429 = arith.constant 0 : i32
        %dma_start3A_430 = tpu.memref_slice %dma_start3A_427[%dma_start3A_428, %dma_start3A_429] : memref<640x64xbf16, #tpu.memory_space<vmem>> -> memref<128x64xbf16, #tpu.memory_space<vmem>>
        %dma_start3A_431 = arith.constant 0 : i32
        %dma_start3A_432 = tpu.memref_slice %arg8[%add3A_410, %dma_start3A_431] : memref<50x128xi32, #tpu.memory_space<vmem>> -> memref<1x128xi32, #tpu.memory_space<vmem>>
        %dma_start3A_433 = tpu.memref_squeeze %dma_start3A_432 : memref<1x128xi32, #tpu.memory_space<vmem>> -> memref<128xi32, #tpu.memory_space<vmem>>
        %dma_start3A_434 = arith.constant 0 : i32
        %dma_start3A_435 = arith.constant 0 : i32
        %dma_start3A_436 = tpu.memref_slice %arg4[%dma_start3A_434, %dma_start3A_435] : memref<1000000x64xbf16, #tpu.memory_space<hbm>> -> memref<1000000x64xbf16, #tpu.memory_space<hbm>>
        tpu.enqueue_indirect_dma source(%dma_start3A_436 : memref<1000000x64xbf16, #tpu.memory_space<hbm>>) target(%dma_start3A_430 : memref<128x64xbf16, #tpu.memory_space<vmem>>) offsets(%dma_start3A_433 : memref<128xi32, #tpu.memory_space<vmem>>) semaphore(%arg14 : memref<!tpu.dma_semaphore, #tpu.memory_space<semaphore_mem>>)
        %mul3A_437 = arith.constant 5 : i32
        %mul3A_438 = arith.muli %add3A_404, %mul3A_437 : i32
        %add3A_439 = arith.constant 1 : i32
        %add3A_440 = arith.addi %mul3A_438, %add3A_439 : i32
        %dma_start3A_441 = arith.constant 0 : i32
        %dma_start3A_442 = arith.constant 0 : i32
        %dma_start3A_443 = tpu.memref_slice %arg9[%sub3A_406, %dma_start3A_441, %dma_start3A_442] : memref<2x640x16xf32, #tpu.memory_space<vmem>> -> memref<1x640x16xf32, #tpu.memory_space<vmem>>
        %dma_start3A_444 = tpu.memref_squeeze %dma_start3A_443 : memref<1x640x16xf32, #tpu.memory_space<vmem>> -> memref<640x16xf32, #tpu.memory_space<vmem>>
        %dma_start3A_445 = arith.constant 128 : i32
        %dma_start3A_446 = arith.constant 0 : i32
        %dma_start3A_447 = tpu.memref_slice %dma_start3A_444[%dma_start3A_445, %dma_start3A_446] : memref<640x16xf32, #tpu.memory_space<vmem>> -> memref<128x16xf32, #tpu.memory_space<vmem>>
        %dma_start3A_448 = arith.constant 0 : i32
        %dma_start3A_449 = tpu.memref_slice %arg8[%add3A_440, %dma_start3A_448] : memref<50x128xi32, #tpu.memory_space<vmem>> -> memref<1x128xi32, #tpu.memory_space<vmem>>
        %dma_start3A_450 = tpu.memref_squeeze %dma_start3A_449 : memref<1x128xi32, #tpu.memory_space<vmem>> -> memref<128xi32, #tpu.memory_space<vmem>>
        %dma_start3A_451 = arith.constant 0 : i32
        %dma_start3A_452 = arith.constant 0 : i32
        %dma_start3A_453 = tpu.memref_slice %arg3[%dma_start3A_451, %dma_start3A_452] : memref<1000000x16xf32, #tpu.memory_space<hbm>> -> memref<1000000x16xf32, #tpu.memory_space<hbm>>
        tpu.enqueue_indirect_dma source(%dma_start3A_453 : memref<1000000x16xf32, #tpu.memory_space<hbm>>) target(%dma_start3A_447 : memref<128x16xf32, #tpu.memory_space<vmem>>) offsets(%dma_start3A_450 : memref<128xi32, #tpu.memory_space<vmem>>) semaphore(%arg13 : memref<!tpu.dma_semaphore, #tpu.memory_space<semaphore_mem>>)
        %dma_start3A_454 = arith.constant 0 : i32
        %dma_start3A_455 = arith.constant 0 : i32
        %dma_start3A_456 = tpu.memref_slice %arg11[%sub3A_406, %dma_start3A_454, %dma_start3A_455] : memref<2x640x64xbf16, #tpu.memory_space<vmem>> -> memref<1x640x64xbf16, #tpu.memory_space<vmem>>
        %dma_start3A_457 = tpu.memref_squeeze %dma_start3A_456 : memref<1x640x64xbf16, #tpu.memory_space<vmem>> -> memref<640x64xbf16, #tpu.memory_space<vmem>>
        %dma_start3A_458 = arith.constant 128 : i32
        %dma_start3A_459 = arith.constant 0 : i32
        %dma_start3A_460 = tpu.memref_slice %dma_start3A_457[%dma_start3A_458, %dma_start3A_459] : memref<640x64xbf16, #tpu.memory_space<vmem>> -> memref<128x64xbf16, #tpu.memory_space<vmem>>
        %dma_start3A_461 = arith.constant 0 : i32
        %dma_start3A_462 = tpu.memref_slice %arg8[%add3A_440, %dma_start3A_461] : memref<50x128xi32, #tpu.memory_space<vmem>> -> memref<1x128xi32, #tpu.memory_space<vmem>>
        %dma_start3A_463 = tpu.memref_squeeze %dma_start3A_462 : memref<1x128xi32, #tpu.memory_space<vmem>> -> memref<128xi32, #tpu.memory_space<vmem>>
        %dma_start3A_464 = arith.constant 0 : i32
        %dma_start3A_465 = arith.constant 0 : i32
        %dma_start3A_466 = tpu.memref_slice %arg4[%dma_start3A_464, %dma_start3A_465] : memref<1000000x64xbf16, #tpu.memory_space<hbm>> -> memref<1000000x64xbf16, #tpu.memory_space<hbm>>
        tpu.enqueue_indirect_dma source(%dma_start3A_466 : memref<1000000x64xbf16, #tpu.memory_space<hbm>>) target(%dma_start3A_460 : memref<128x64xbf16, #tpu.memory_space<vmem>>) offsets(%dma_start3A_463 : memref<128xi32, #tpu.memory_space<vmem>>) semaphore(%arg14 : memref<!tpu.dma_semaphore, #tpu.memory_space<semaphore_mem>>)
        %mul3A_467 = arith.constant 5 : i32
        %mul3A_468 = arith.muli %add3A_404, %mul3A_467 : i32
        %add3A_469 = arith.constant 2 : i32
        %add3A_470 = arith.addi %mul3A_468, %add3A_469 : i32
        %dma_start3A_471 = arith.constant 0 : i32
        %dma_start3A_472 = arith.constant 0 : i32
        %dma_start3A_473 = tpu.memref_slice %arg9[%sub3A_406, %dma_start3A_471, %dma_start3A_472] : memref<2x640x16xf32, #tpu.memory_space<vmem>> -> memref<1x640x16xf32, #tpu.memory_space<vmem>>
        %dma_start3A_474 = tpu.memref_squeeze %dma_start3A_473 : memref<1x640x16xf32, #tpu.memory_space<vmem>> -> memref<640x16xf32, #tpu.memory_space<vmem>>
        %dma_start3A_475 = arith.constant 256 : i32
        %dma_start3A_476 = arith.constant 0 : i32
        %dma_start3A_477 = tpu.memref_slice %dma_start3A_474[%dma_start3A_475, %dma_start3A_476] : memref<640x16xf32, #tpu.memory_space<vmem>> -> memref<128x16xf32, #tpu.memory_space<vmem>>
        %dma_start3A_478 = arith.constant 0 : i32
        %dma_start3A_479 = tpu.memref_slice %arg8[%add3A_470, %dma_start3A_478] : memref<50x128xi32, #tpu.memory_space<vmem>> -> memref<1x128xi32, #tpu.memory_space<vmem>>
        %dma_start3A_480 = tpu.memref_squeeze %dma_start3A_479 : memref<1x128xi32, #tpu.memory_space<vmem>> -> memref<128xi32, #tpu.memory_space<vmem>>
        %dma_start3A_481 = arith.constant 0 : i32
        %dma_start3A_482 = arith.constant 0 : i32
        %dma_start3A_483 = tpu.memref_slice %arg3[%dma_start3A_481, %dma_start3A_482] : memref<1000000x16xf32, #tpu.memory_space<hbm>> -> memref<1000000x16xf32, #tpu.memory_space<hbm>>
        tpu.enqueue_indirect_dma source(%dma_start3A_483 : memref<1000000x16xf32, #tpu.memory_space<hbm>>) target(%dma_start3A_477 : memref<128x16xf32, #tpu.memory_space<vmem>>) offsets(%dma_start3A_480 : memref<128xi32, #tpu.memory_space<vmem>>) semaphore(%arg13 : memref<!tpu.dma_semaphore, #tpu.memory_space<semaphore_mem>>)
        %dma_start3A_484 = arith.constant 0 : i32
        %dma_start3A_485 = arith.constant 0 : i32
        %dma_start3A_486 = tpu.memref_slice %arg11[%sub3A_406, %dma_start3A_484, %dma_start3A_485] : memref<2x640x64xbf16, #tpu.memory_space<vmem>> -> memref<1x640x64xbf16, #tpu.memory_space<vmem>>
        %dma_start3A_487 = tpu.memref_squeeze %dma_start3A_486 : memref<1x640x64xbf16, #tpu.memory_space<vmem>> -> memref<640x64xbf16, #tpu.memory_space<vmem>>
        %dma_start3A_488 = arith.constant 256 : i32
        %dma_start3A_489 = arith.constant 0 : i32
        %dma_start3A_490 = tpu.memref_slice %dma_start3A_487[%dma_start3A_488, %dma_start3A_489] : memref<640x64xbf16, #tpu.memory_space<vmem>> -> memref<128x64xbf16, #tpu.memory_space<vmem>>
        %dma_start3A_491 = arith.constant 0 : i32
        %dma_start3A_492 = tpu.memref_slice %arg8[%add3A_470, %dma_start3A_491] : memref<50x128xi32, #tpu.memory_space<vmem>> -> memref<1x128xi32, #tpu.memory_space<vmem>>
        %dma_start3A_493 = tpu.memref_squeeze %dma_start3A_492 : memref<1x128xi32, #tpu.memory_space<vmem>> -> memref<128xi32, #tpu.memory_space<vmem>>
        %dma_start3A_494 = arith.constant 0 : i32
        %dma_start3A_495 = arith.constant 0 : i32
        %dma_start3A_496 = tpu.memref_slice %arg4[%dma_start3A_494, %dma_start3A_495] : memref<1000000x64xbf16, #tpu.memory_space<hbm>> -> memref<1000000x64xbf16, #tpu.memory_space<hbm>>
        tpu.enqueue_indirect_dma source(%dma_start3A_496 : memref<1000000x64xbf16, #tpu.memory_space<hbm>>) target(%dma_start3A_490 : memref<128x64xbf16, #tpu.memory_space<vmem>>) offsets(%dma_start3A_493 : memref<128xi32, #tpu.memory_space<vmem>>) semaphore(%arg14 : memref<!tpu.dma_semaphore, #tpu.memory_space<semaphore_mem>>)
        %mul3A_497 = arith.constant 5 : i32
        %mul3A_498 = arith.muli %add3A_404, %mul3A_497 : i32
        %add3A_499 = arith.constant 3 : i32
        %add3A_500 = arith.addi %mul3A_498, %add3A_499 : i32
        %dma_start3A_501 = arith.constant 0 : i32
        %dma_start3A_502 = arith.constant 0 : i32
        %dma_start3A_503 = tpu.memref_slice %arg9[%sub3A_406, %dma_start3A_501, %dma_start3A_502] : memref<2x640x16xf32, #tpu.memory_space<vmem>> -> memref<1x640x16xf32, #tpu.memory_space<vmem>>
        %dma_start3A_504 = tpu.memref_squeeze %dma_start3A_503 : memref<1x640x16xf32, #tpu.memory_space<vmem>> -> memref<640x16xf32, #tpu.memory_space<vmem>>
        %dma_start3A_505 = arith.constant 384 : i32
        %dma_start3A_506 = arith.constant 0 : i32
        %dma_start3A_507 = tpu.memref_slice %dma_start3A_504[%dma_start3A_505, %dma_start3A_506] : memref<640x16xf32, #tpu.memory_space<vmem>> -> memref<128x16xf32, #tpu.memory_space<vmem>>
        %dma_start3A_508 = arith.constant 0 : i32
        %dma_start3A_509 = tpu.memref_slice %arg8[%add3A_500, %dma_start3A_508] : memref<50x128xi32, #tpu.memory_space<vmem>> -> memref<1x128xi32, #tpu.memory_space<vmem>>
        %dma_start3A_510 = tpu.memref_squeeze %dma_start3A_509 : memref<1x128xi32, #tpu.memory_space<vmem>> -> memref<128xi32, #tpu.memory_space<vmem>>
        %dma_start3A_511 = arith.constant 0 : i32
        %dma_start3A_512 = arith.constant 0 : i32
        %dma_start3A_513 = tpu.memref_slice %arg3[%dma_start3A_511, %dma_start3A_512] : memref<1000000x16xf32, #tpu.memory_space<hbm>> -> memref<1000000x16xf32, #tpu.memory_space<hbm>>
        tpu.enqueue_indirect_dma source(%dma_start3A_513 : memref<1000000x16xf32, #tpu.memory_space<hbm>>) target(%dma_start3A_507 : memref<128x16xf32, #tpu.memory_space<vmem>>) offsets(%dma_start3A_510 : memref<128xi32, #tpu.memory_space<vmem>>) semaphore(%arg13 : memref<!tpu.dma_semaphore, #tpu.memory_space<semaphore_mem>>)
        %dma_start3A_514 = arith.constant 0 : i32
        %dma_start3A_515 = arith.constant 0 : i32
        %dma_start3A_516 = tpu.memref_slice %arg11[%sub3A_406, %dma_start3A_514, %dma_start3A_515] : memref<2x640x64xbf16, #tpu.memory_space<vmem>> -> memref<1x640x64xbf16, #tpu.memory_space<vmem>>
        %dma_start3A_517 = tpu.memref_squeeze %dma_start3A_516 : memref<1x640x64xbf16, #tpu.memory_space<vmem>> -> memref<640x64xbf16, #tpu.memory_space<vmem>>
        %dma_start3A_518 = arith.constant 384 : i32
        %dma_start3A_519 = arith.constant 0 : i32
        %dma_start3A_520 = tpu.memref_slice %dma_start3A_517[%dma_start3A_518, %dma_start3A_519] : memref<640x64xbf16, #tpu.memory_space<vmem>> -> memref<128x64xbf16, #tpu.memory_space<vmem>>
        %dma_start3A_521 = arith.constant 0 : i32
        %dma_start3A_522 = tpu.memref_slice %arg8[%add3A_500, %dma_start3A_521] : memref<50x128xi32, #tpu.memory_space<vmem>> -> memref<1x128xi32, #tpu.memory_space<vmem>>
        %dma_start3A_523 = tpu.memref_squeeze %dma_start3A_522 : memref<1x128xi32, #tpu.memory_space<vmem>> -> memref<128xi32, #tpu.memory_space<vmem>>
        %dma_start3A_524 = arith.constant 0 : i32
        %dma_start3A_525 = arith.constant 0 : i32
        %dma_start3A_526 = tpu.memref_slice %arg4[%dma_start3A_524, %dma_start3A_525] : memref<1000000x64xbf16, #tpu.memory_space<hbm>> -> memref<1000000x64xbf16, #tpu.memory_space<hbm>>
        tpu.enqueue_indirect_dma source(%dma_start3A_526 : memref<1000000x64xbf16, #tpu.memory_space<hbm>>) target(%dma_start3A_520 : memref<128x64xbf16, #tpu.memory_space<vmem>>) offsets(%dma_start3A_523 : memref<128xi32, #tpu.memory_space<vmem>>) semaphore(%arg14 : memref<!tpu.dma_semaphore, #tpu.memory_space<semaphore_mem>>)
        %mul3A_527 = arith.constant 5 : i32
        %mul3A_528 = arith.muli %add3A_404, %mul3A_527 : i32
        %add3A_529 = arith.constant 4 : i32
        %add3A_530 = arith.addi %mul3A_528, %add3A_529 : i32
        %dma_start3A_531 = arith.constant 0 : i32
        %dma_start3A_532 = arith.constant 0 : i32
        %dma_start3A_533 = tpu.memref_slice %arg9[%sub3A_406, %dma_start3A_531, %dma_start3A_532] : memref<2x640x16xf32, #tpu.memory_space<vmem>> -> memref<1x640x16xf32, #tpu.memory_space<vmem>>
        %dma_start3A_534 = tpu.memref_squeeze %dma_start3A_533 : memref<1x640x16xf32, #tpu.memory_space<vmem>> -> memref<640x16xf32, #tpu.memory_space<vmem>>
        %dma_start3A_535 = arith.constant 512 : i32
        %dma_start3A_536 = arith.constant 0 : i32
        %dma_start3A_537 = tpu.memref_slice %dma_start3A_534[%dma_start3A_535, %dma_start3A_536] : memref<640x16xf32, #tpu.memory_space<vmem>> -> memref<128x16xf32, #tpu.memory_space<vmem>>
        %dma_start3A_538 = arith.constant 0 : i32
        %dma_start3A_539 = tpu.memref_slice %arg8[%add3A_530, %dma_start3A_538] : memref<50x128xi32, #tpu.memory_space<vmem>> -> memref<1x128xi32, #tpu.memory_space<vmem>>
        %dma_start3A_540 = tpu.memref_squeeze %dma_start3A_539 : memref<1x128xi32, #tpu.memory_space<vmem>> -> memref<128xi32, #tpu.memory_space<vmem>>
        %dma_start3A_541 = arith.constant 0 : i32
        %dma_start3A_542 = arith.constant 0 : i32
        %dma_start3A_543 = tpu.memref_slice %arg3[%dma_start3A_541, %dma_start3A_542] : memref<1000000x16xf32, #tpu.memory_space<hbm>> -> memref<1000000x16xf32, #tpu.memory_space<hbm>>
        tpu.enqueue_indirect_dma source(%dma_start3A_543 : memref<1000000x16xf32, #tpu.memory_space<hbm>>) target(%dma_start3A_537 : memref<128x16xf32, #tpu.memory_space<vmem>>) offsets(%dma_start3A_540 : memref<128xi32, #tpu.memory_space<vmem>>) semaphore(%arg13 : memref<!tpu.dma_semaphore, #tpu.memory_space<semaphore_mem>>)
        %dma_start3A_544 = arith.constant 0 : i32
        %dma_start3A_545 = arith.constant 0 : i32
        %dma_start3A_546 = tpu.memref_slice %arg11[%sub3A_406, %dma_start3A_544, %dma_start3A_545] : memref<2x640x64xbf16, #tpu.memory_space<vmem>> -> memref<1x640x64xbf16, #tpu.memory_space<vmem>>
        %dma_start3A_547 = tpu.memref_squeeze %dma_start3A_546 : memref<1x640x64xbf16, #tpu.memory_space<vmem>> -> memref<640x64xbf16, #tpu.memory_space<vmem>>
        %dma_start3A_548 = arith.constant 512 : i32
        %dma_start3A_549 = arith.constant 0 : i32
        %dma_start3A_550 = tpu.memref_slice %dma_start3A_547[%dma_start3A_548, %dma_start3A_549] : memref<640x64xbf16, #tpu.memory_space<vmem>> -> memref<128x64xbf16, #tpu.memory_space<vmem>>
        %dma_start3A_551 = arith.constant 0 : i32
        %dma_start3A_552 = tpu.memref_slice %arg8[%add3A_530, %dma_start3A_551] : memref<50x128xi32, #tpu.memory_space<vmem>> -> memref<1x128xi32, #tpu.memory_space<vmem>>
        %dma_start3A_553 = tpu.memref_squeeze %dma_start3A_552 : memref<1x128xi32, #tpu.memory_space<vmem>> -> memref<128xi32, #tpu.memory_space<vmem>>
        %dma_start3A_554 = arith.constant 0 : i32
        %dma_start3A_555 = arith.constant 0 : i32
        %dma_start3A_556 = tpu.memref_slice %arg4[%dma_start3A_554, %dma_start3A_555] : memref<1000000x64xbf16, #tpu.memory_space<hbm>> -> memref<1000000x64xbf16, #tpu.memory_space<hbm>>
        tpu.enqueue_indirect_dma source(%dma_start3A_556 : memref<1000000x64xbf16, #tpu.memory_space<hbm>>) target(%dma_start3A_550 : memref<128x64xbf16, #tpu.memory_space<vmem>>) offsets(%dma_start3A_553 : memref<128xi32, #tpu.memory_space<vmem>>) semaphore(%arg14 : memref<!tpu.dma_semaphore, #tpu.memory_space<semaphore_mem>>)
      } else {
      }
      %scan3A_366 = arith.constant 0 : i32
      %scan3A_367 = arith.constant 0 : i32
      %scan3A_368 = arith.constant 160 : i32
      %scan3A_369 = arith.addi %scan3A_367, %scan3A_368 : i32
      %scan3A_370 = arith.constant 1 : i32
      scf.for %scan3A_403 = %scan3A_367 to %scan3A_369 step %scan3A_370  : i32 {
        %mul3A_404 = arith.constant 4 : i32
        %mul3A_405 = arith.muli %mul3A_404, %scan3A_403 : i32
        %add3A_406 = arith.constant 0 : i32
        %add3A_407 = arith.addi %mul3A_405, %add3A_406 : i32
        %get3A = arith.constant 0 : i32
        %get3A_408 = arith.constant 0 : i32
        %get3A_409 = tpu.memref_slice %arg9[%rem3A_197, %get3A, %get3A_408] : memref<2x640x16xf32, #tpu.memory_space<vmem>> -> memref<1x640x16xf32, #tpu.memory_space<vmem>>
        %get3A_410 = tpu.memref_squeeze %get3A_409 : memref<1x640x16xf32, #tpu.memory_space<vmem>> -> memref<640x16xf32, #tpu.memory_space<vmem>>
        %get3A_411 = arith.index_cast %add3A_407 : i32 to index
        %get3A_412 = arith.constant 0 : index
        %get3A_413 = tpu.vector_load %get3A_410[%get3A_411, %get3A_412] {strides = array<i32>} : memref<640x16xf32, #tpu.memory_space<vmem>>, vector<16xf32>,
        %gt3A = arith.constant 0.000000e+00 : f32
        %gt3A_414 = vector.broadcast %gt3A : f32 to vector<16xf32>
        %gt3A_415 = arith.cmpf ogt, %get3A_413, %gt3A_414 : vector<16xf32>
        %jit3A_416 = arith.constant 1.000000e+00 : f32
        %jit3A_417 = arith.constant 0.000000e+00 : f32
        %broadcast_in_dim3A = vector.broadcast %jit3A_416 : f32 to vector<16xf32>
        %broadcast_in_dim3A_418 = vector.broadcast %jit3A_417 : f32 to vector<16xf32>
        %select_n3A_419 = arith.select %gt3A_415, %broadcast_in_dim3A, %broadcast_in_dim3A_418 : vector<16xi1>, vector<16xf32>
        %swap3A = arith.index_cast %add3A_407 : i32 to index
        %swap3A_420 = arith.constant 0 : index
        %swap3A_421 = tpu.vector_load %arg10[%swap3A, %swap3A_420] {strides = array<i32>} : memref<640x16xf32, #tpu.memory_space<vmem>>, vector<16xf32>,
        tpu.vector_store %arg10[%swap3A, %swap3A_420], %select_n3A_419 {strides = array<i32>} : memref<640x16xf32, #tpu.memory_space<vmem>>, vector<16xf32>,
        %broadcast_in_dim3A_422 = vector.broadcast %add3A_407 : i32 to vector<16xi32>
        %gather3A = tpu.vector_load_idx %arg10[%broadcast_in_dim3A_422, %select_n3A] : memref<640x16xf32, #tpu.memory_space<vmem>>[vector<16xi32>, vector<16xi32>], vector<16xf32>,
        %gather3A_423 = tpu.vector_load_idx %arg10[%broadcast_in_dim3A_422, %add3A_28] : memref<640x16xf32, #tpu.memory_space<vmem>>[vector<16xi32>, vector<16xi32>], vector<16xf32>,
        %get3A_424 = arith.constant 0 : i32
        %get3A_425 = arith.constant 0 : i32
        %get3A_426 = tpu.memref_slice %arg11[%rem3A_197, %get3A_424, %get3A_425] : memref<2x640x64xbf16, #tpu.memory_space<vmem>> -> memref<1x640x64xbf16, #tpu.memory_space<vmem>>
        %get3A_427 = tpu.memref_squeeze %get3A_426 : memref<1x640x64xbf16, #tpu.memory_space<vmem>> -> memref<640x64xbf16, #tpu.memory_space<vmem>>
        %get3A_428 = arith.index_cast %add3A_407 : i32 to index
        %get3A_429 = arith.constant 0 : index
        %get3A_430 = tpu.vector_load %get3A_427[%get3A_428, %get3A_429] {strides = array<i32>} : memref<640x64xbf16, #tpu.memory_space<vmem>>, vector<32xbf16>,
        %bitcast3A = vector.bitcast %get3A_430 : vector<32xbf16> to vector<16xi32>
        %get3A_431 = arith.constant 0 : i32
        %get3A_432 = arith.constant 0 : i32
        %get3A_433 = tpu.memref_slice %arg11[%rem3A_197, %get3A_431, %get3A_432] : memref<2x640x64xbf16, #tpu.memory_space<vmem>> -> memref<1x640x64xbf16, #tpu.memory_space<vmem>>
        %get3A_434 = tpu.memref_squeeze %get3A_433 : memref<1x640x64xbf16, #tpu.memory_space<vmem>> -> memref<640x64xbf16, #tpu.memory_space<vmem>>
        %get3A_435 = arith.index_cast %add3A_407 : i32 to index
        %get3A_436 = arith.constant 32 : index
        %get3A_437 = tpu.vector_load %get3A_434[%get3A_435, %get3A_436] {strides = array<i32>} : memref<640x64xbf16, #tpu.memory_space<vmem>>, vector<32xbf16>,
        %bitcast3A_438 = vector.bitcast %get3A_437 : vector<32xbf16> to vector<16xi32>
        %shift_left3A = arith.constant 16 : i32
        %shift_left3A_439 = vector.broadcast %shift_left3A : i32 to vector<16xi32>
        %shift_left3A_440 = arith.shli %bitcast3A, %shift_left3A_439 : vector<16xi32>
        %bitcast3A_441 = vector.bitcast %shift_left3A_440 : vector<16xi32> to vector<16xf32>
        %and3A_442 = arith.constant -65536 : i32
        %and3A_443 = vector.broadcast %and3A_442 : i32 to vector<16xi32>
        %and3A_444 = arith.andi %bitcast3A, %and3A_443 : vector<16xi32>
        %bitcast3A_445 = vector.bitcast %and3A_444 : vector<16xi32> to vector<16xf32>
        %shift_left3A_446 = arith.constant 16 : i32
        %shift_left3A_447 = vector.broadcast %shift_left3A_446 : i32 to vector<16xi32>
        %shift_left3A_448 = arith.shli %bitcast3A_438, %shift_left3A_447 : vector<16xi32>
        %bitcast3A_449 = vector.bitcast %shift_left3A_448 : vector<16xi32> to vector<16xf32>
        %and3A_450 = arith.constant -65536 : i32
        %and3A_451 = vector.broadcast %and3A_450 : i32 to vector<16xi32>
        %and3A_452 = arith.andi %bitcast3A_438, %and3A_451 : vector<16xi32>
        %bitcast3A_453 = vector.bitcast %and3A_452 : vector<16xi32> to vector<16xf32>
        %mul3A_454 = arith.mulf %bitcast3A_441, %gather3A : vector<16xf32>
        tpu.vector_store_idx %arg12[%broadcast_in_dim3A_422, %mul3A_31], %mul3A_454 : memref<640x64xf32, #tpu.memory_space<vmem>>[vector<16xi32>, vector<16xi32>], vector<16xf32>,
        %mul3A_455 = arith.mulf %bitcast3A_445, %gather3A : vector<16xf32>
        tpu.vector_store_idx %arg12[%broadcast_in_dim3A_422, %add3A_34], %mul3A_455 : memref<640x64xf32, #tpu.memory_space<vmem>>[vector<16xi32>, vector<16xi32>], vector<16xf32>,
        %mul3A_456 = arith.mulf %bitcast3A_449, %gather3A_423 : vector<16xf32>
        tpu.vector_store_idx %arg12[%broadcast_in_dim3A_422, %add3A_37], %mul3A_456 : memref<640x64xf32, #tpu.memory_space<vmem>>[vector<16xi32>, vector<16xi32>], vector<16xf32>,
        %mul3A_457 = arith.mulf %bitcast3A_453, %gather3A_423 : vector<16xf32>
        tpu.vector_store_idx %arg12[%broadcast_in_dim3A_422, %add3A_40], %mul3A_457 : memref<640x64xf32, #tpu.memory_space<vmem>>[vector<16xi32>, vector<16xi32>], vector<16xf32>,
        %mul3A_458 = arith.constant 4 : i32
        %mul3A_459 = arith.muli %mul3A_458, %scan3A_403 : i32
        %add3A_460 = arith.constant 1 : i32
        %add3A_461 = arith.addi %mul3A_459, %add3A_460 : i32
        %get3A_462 = arith.constant 0 : i32
        %get3A_463 = arith.constant 0 : i32
        %get3A_464 = tpu.memref_slice %arg9[%rem3A_197, %get3A_462, %get3A_463] : memref<2x640x16xf32, #tpu.memory_space<vmem>> -> memref<1x640x16xf32, #tpu.memory_space<vmem>>
        %get3A_465 = tpu.memref_squeeze %get3A_464 : memref<1x640x16xf32, #tpu.memory_space<vmem>> -> memref<640x16xf32, #tpu.memory_space<vmem>>
        %get3A_466 = arith.index_cast %add3A_461 : i32 to index
        %get3A_467 = arith.constant 0 : index
        %get3A_468 = tpu.vector_load %get3A_465[%get3A_466, %get3A_467] {strides = array<i32>} : memref<640x16xf32, #tpu.memory_space<vmem>>, vector<16xf32>,
        %gt3A_469 = arith.constant 0.000000e+00 : f32
        %gt3A_470 = vector.broadcast %gt3A_469 : f32 to vector<16xf32>
        %gt3A_471 = arith.cmpf ogt, %get3A_468, %gt3A_470 : vector<16xf32>
        %jit3A_472 = arith.constant 1.000000e+00 : f32
        %jit3A_473 = arith.constant 0.000000e+00 : f32
        %broadcast_in_dim3A_474 = vector.broadcast %jit3A_472 : f32 to vector<16xf32>
        %broadcast_in_dim3A_475 = vector.broadcast %jit3A_473 : f32 to vector<16xf32>
        %select_n3A_476 = arith.select %gt3A_471, %broadcast_in_dim3A_474, %broadcast_in_dim3A_475 : vector<16xi1>, vector<16xf32>
        %swap3A_477 = arith.index_cast %add3A_461 : i32 to index
        %swap3A_478 = arith.constant 0 : index
        %swap3A_479 = tpu.vector_load %arg10[%swap3A_477, %swap3A_478] {strides = array<i32>} : memref<640x16xf32, #tpu.memory_space<vmem>>, vector<16xf32>,
        tpu.vector_store %arg10[%swap3A_477, %swap3A_478], %select_n3A_476 {strides = array<i32>} : memref<640x16xf32, #tpu.memory_space<vmem>>, vector<16xf32>,
        %broadcast_in_dim3A_480 = vector.broadcast %add3A_461 : i32 to vector<16xi32>
        %gather3A_481 = tpu.vector_load_idx %arg10[%broadcast_in_dim3A_480, %select_n3A] : memref<640x16xf32, #tpu.memory_space<vmem>>[vector<16xi32>, vector<16xi32>], vector<16xf32>,
        %gather3A_482 = tpu.vector_load_idx %arg10[%broadcast_in_dim3A_480, %add3A_28] : memref<640x16xf32, #tpu.memory_space<vmem>>[vector<16xi32>, vector<16xi32>], vector<16xf32>,
        %get3A_483 = arith.constant 0 : i32
        %get3A_484 = arith.constant 0 : i32
        %get3A_485 = tpu.memref_slice %arg11[%rem3A_197, %get3A_483, %get3A_484] : memref<2x640x64xbf16, #tpu.memory_space<vmem>> -> memref<1x640x64xbf16, #tpu.memory_space<vmem>>
        %get3A_486 = tpu.memref_squeeze %get3A_485 : memref<1x640x64xbf16, #tpu.memory_space<vmem>> -> memref<640x64xbf16, #tpu.memory_space<vmem>>
        %get3A_487 = arith.index_cast %add3A_461 : i32 to index
        %get3A_488 = arith.constant 0 : index
        %get3A_489 = tpu.vector_load %get3A_486[%get3A_487, %get3A_488] {strides = array<i32>} : memref<640x64xbf16, #tpu.memory_space<vmem>>, vector<32xbf16>,
        %bitcast3A_490 = vector.bitcast %get3A_489 : vector<32xbf16> to vector<16xi32>
        %get3A_491 = arith.constant 0 : i32
        %get3A_492 = arith.constant 0 : i32
        %get3A_493 = tpu.memref_slice %arg11[%rem3A_197, %get3A_491, %get3A_492] : memref<2x640x64xbf16, #tpu.memory_space<vmem>> -> memref<1x640x64xbf16, #tpu.memory_space<vmem>>
        %get3A_494 = tpu.memref_squeeze %get3A_493 : memref<1x640x64xbf16, #tpu.memory_space<vmem>> -> memref<640x64xbf16, #tpu.memory_space<vmem>>
        %get3A_495 = arith.index_cast %add3A_461 : i32 to index
        %get3A_496 = arith.constant 32 : index
        %get3A_497 = tpu.vector_load %get3A_494[%get3A_495, %get3A_496] {strides = array<i32>} : memref<640x64xbf16, #tpu.memory_space<vmem>>, vector<32xbf16>,
        %bitcast3A_498 = vector.bitcast %get3A_497 : vector<32xbf16> to vector<16xi32>
        %shift_left3A_499 = arith.constant 16 : i32
        %shift_left3A_500 = vector.broadcast %shift_left3A_499 : i32 to vector<16xi32>
        %shift_left3A_501 = arith.shli %bitcast3A_490, %shift_left3A_500 : vector<16xi32>
        %bitcast3A_502 = vector.bitcast %shift_left3A_501 : vector<16xi32> to vector<16xf32>
        %and3A_503 = arith.constant -65536 : i32
        %and3A_504 = vector.broadcast %and3A_503 : i32 to vector<16xi32>
        %and3A_505 = arith.andi %bitcast3A_490, %and3A_504 : vector<16xi32>
        %bitcast3A_506 = vector.bitcast %and3A_505 : vector<16xi32> to vector<16xf32>
        %shift_left3A_507 = arith.constant 16 : i32
        %shift_left3A_508 = vector.broadcast %shift_left3A_507 : i32 to vector<16xi32>
        %shift_left3A_509 = arith.shli %bitcast3A_498, %shift_left3A_508 : vector<16xi32>
        %bitcast3A_510 = vector.bitcast %shift_left3A_509 : vector<16xi32> to vector<16xf32>
        %and3A_511 = arith.constant -65536 : i32
        %and3A_512 = vector.broadcast %and3A_511 : i32 to vector<16xi32>
        %and3A_513 = arith.andi %bitcast3A_498, %and3A_512 : vector<16xi32>
        %bitcast3A_514 = vector.bitcast %and3A_513 : vector<16xi32> to vector<16xf32>
        %mul3A_515 = arith.mulf %bitcast3A_502, %gather3A_481 : vector<16xf32>
        tpu.vector_store_idx %arg12[%broadcast_in_dim3A_480, %mul3A_31], %mul3A_515 : memref<640x64xf32, #tpu.memory_space<vmem>>[vector<16xi32>, vector<16xi32>], vector<16xf32>,
        %mul3A_516 = arith.mulf %bitcast3A_506, %gather3A_481 : vector<16xf32>
        tpu.vector_store_idx %arg12[%broadcast_in_dim3A_480, %add3A_34], %mul3A_516 : memref<640x64xf32, #tpu.memory_space<vmem>>[vector<16xi32>, vector<16xi32>], vector<16xf32>,
        %mul3A_517 = arith.mulf %bitcast3A_510, %gather3A_482 : vector<16xf32>
        tpu.vector_store_idx %arg12[%broadcast_in_dim3A_480, %add3A_37], %mul3A_517 : memref<640x64xf32, #tpu.memory_space<vmem>>[vector<16xi32>, vector<16xi32>], vector<16xf32>,
        %mul3A_518 = arith.mulf %bitcast3A_514, %gather3A_482 : vector<16xf32>
        tpu.vector_store_idx %arg12[%broadcast_in_dim3A_480, %add3A_40], %mul3A_518 : memref<640x64xf32, #tpu.memory_space<vmem>>[vector<16xi32>, vector<16xi32>], vector<16xf32>,
        %mul3A_519 = arith.constant 4 : i32
        %mul3A_520 = arith.muli %mul3A_519, %scan3A_403 : i32
        %add3A_521 = arith.constant 2 : i32
        %add3A_522 = arith.addi %mul3A_520, %add3A_521 : i32
        %get3A_523 = arith.constant 0 : i32
        %get3A_524 = arith.constant 0 : i32
        %get3A_525 = tpu.memref_slice %arg9[%rem3A_197, %get3A_523, %get3A_524] : memref<2x640x16xf32, #tpu.memory_space<vmem>> -> memref<1x640x16xf32, #tpu.memory_space<vmem>>
        %get3A_526 = tpu.memref_squeeze %get3A_525 : memref<1x640x16xf32, #tpu.memory_space<vmem>> -> memref<640x16xf32, #tpu.memory_space<vmem>>
        %get3A_527 = arith.index_cast %add3A_522 : i32 to index
        %get3A_528 = arith.constant 0 : index
        %get3A_529 = tpu.vector_load %get3A_526[%get3A_527, %get3A_528] {strides = array<i32>} : memref<640x16xf32, #tpu.memory_space<vmem>>, vector<16xf32>,
        %gt3A_530 = arith.constant 0.000000e+00 : f32
        %gt3A_531 = vector.broadcast %gt3A_530 : f32 to vector<16xf32>
        %gt3A_532 = arith.cmpf ogt, %get3A_529, %gt3A_531 : vector<16xf32>
        %jit3A_533 = arith.constant 1.000000e+00 : f32
        %jit3A_534 = arith.constant 0.000000e+00 : f32
        %broadcast_in_dim3A_535 = vector.broadcast %jit3A_533 : f32 to vector<16xf32>
        %broadcast_in_dim3A_536 = vector.broadcast %jit3A_534 : f32 to vector<16xf32>
        %select_n3A_537 = arith.select %gt3A_532, %broadcast_in_dim3A_535, %broadcast_in_dim3A_536 : vector<16xi1>, vector<16xf32>
        %swap3A_538 = arith.index_cast %add3A_522 : i32 to index
        %swap3A_539 = arith.constant 0 : index
        %swap3A_540 = tpu.vector_load %arg10[%swap3A_538, %swap3A_539] {strides = array<i32>} : memref<640x16xf32, #tpu.memory_space<vmem>>, vector<16xf32>,
        tpu.vector_store %arg10[%swap3A_538, %swap3A_539], %select_n3A_537 {strides = array<i32>} : memref<640x16xf32, #tpu.memory_space<vmem>>, vector<16xf32>,
        %broadcast_in_dim3A_541 = vector.broadcast %add3A_522 : i32 to vector<16xi32>
        %gather3A_542 = tpu.vector_load_idx %arg10[%broadcast_in_dim3A_541, %select_n3A] : memref<640x16xf32, #tpu.memory_space<vmem>>[vector<16xi32>, vector<16xi32>], vector<16xf32>,
        %gather3A_543 = tpu.vector_load_idx %arg10[%broadcast_in_dim3A_541, %add3A_28] : memref<640x16xf32, #tpu.memory_space<vmem>>[vector<16xi32>, vector<16xi32>], vector<16xf32>,
        %get3A_544 = arith.constant 0 : i32
        %get3A_545 = arith.constant 0 : i32
        %get3A_546 = tpu.memref_slice %arg11[%rem3A_197, %get3A_544, %get3A_545] : memref<2x640x64xbf16, #tpu.memory_space<vmem>> -> memref<1x640x64xbf16, #tpu.memory_space<vmem>>
        %get3A_547 = tpu.memref_squeeze %get3A_546 : memref<1x640x64xbf16, #tpu.memory_space<vmem>> -> memref<640x64xbf16, #tpu.memory_space<vmem>>
        %get3A_548 = arith.index_cast %add3A_522 : i32 to index
        %get3A_549 = arith.constant 0 : index
        %get3A_550 = tpu.vector_load %get3A_547[%get3A_548, %get3A_549] {strides = array<i32>} : memref<640x64xbf16, #tpu.memory_space<vmem>>, vector<32xbf16>,
        %bitcast3A_551 = vector.bitcast %get3A_550 : vector<32xbf16> to vector<16xi32>
        %get3A_552 = arith.constant 0 : i32
        %get3A_553 = arith.constant 0 : i32
        %get3A_554 = tpu.memref_slice %arg11[%rem3A_197, %get3A_552, %get3A_553] : memref<2x640x64xbf16, #tpu.memory_space<vmem>> -> memref<1x640x64xbf16, #tpu.memory_space<vmem>>
        %get3A_555 = tpu.memref_squeeze %get3A_554 : memref<1x640x64xbf16, #tpu.memory_space<vmem>> -> memref<640x64xbf16, #tpu.memory_space<vmem>>
        %get3A_556 = arith.index_cast %add3A_522 : i32 to index
        %get3A_557 = arith.constant 32 : index
        %get3A_558 = tpu.vector_load %get3A_555[%get3A_556, %get3A_557] {strides = array<i32>} : memref<640x64xbf16, #tpu.memory_space<vmem>>, vector<32xbf16>,
        %bitcast3A_559 = vector.bitcast %get3A_558 : vector<32xbf16> to vector<16xi32>
        %shift_left3A_560 = arith.constant 16 : i32
        %shift_left3A_561 = vector.broadcast %shift_left3A_560 : i32 to vector<16xi32>
        %shift_left3A_562 = arith.shli %bitcast3A_551, %shift_left3A_561 : vector<16xi32>
        %bitcast3A_563 = vector.bitcast %shift_left3A_562 : vector<16xi32> to vector<16xf32>
        %and3A_564 = arith.constant -65536 : i32
        %and3A_565 = vector.broadcast %and3A_564 : i32 to vector<16xi32>
        %and3A_566 = arith.andi %bitcast3A_551, %and3A_565 : vector<16xi32>
        %bitcast3A_567 = vector.bitcast %and3A_566 : vector<16xi32> to vector<16xf32>
        %shift_left3A_568 = arith.constant 16 : i32
        %shift_left3A_569 = vector.broadcast %shift_left3A_568 : i32 to vector<16xi32>
        %shift_left3A_570 = arith.shli %bitcast3A_559, %shift_left3A_569 : vector<16xi32>
        %bitcast3A_571 = vector.bitcast %shift_left3A_570 : vector<16xi32> to vector<16xf32>
        %and3A_572 = arith.constant -65536 : i32
        %and3A_573 = vector.broadcast %and3A_572 : i32 to vector<16xi32>
        %and3A_574 = arith.andi %bitcast3A_559, %and3A_573 : vector<16xi32>
        %bitcast3A_575 = vector.bitcast %and3A_574 : vector<16xi32> to vector<16xf32>
        %mul3A_576 = arith.mulf %bitcast3A_563, %gather3A_542 : vector<16xf32>
        tpu.vector_store_idx %arg12[%broadcast_in_dim3A_541, %mul3A_31], %mul3A_576 : memref<640x64xf32, #tpu.memory_space<vmem>>[vector<16xi32>, vector<16xi32>], vector<16xf32>,
        %mul3A_577 = arith.mulf %bitcast3A_567, %gather3A_542 : vector<16xf32>
        tpu.vector_store_idx %arg12[%broadcast_in_dim3A_541, %add3A_34], %mul3A_577 : memref<640x64xf32, #tpu.memory_space<vmem>>[vector<16xi32>, vector<16xi32>], vector<16xf32>,
        %mul3A_578 = arith.mulf %bitcast3A_571, %gather3A_543 : vector<16xf32>
        tpu.vector_store_idx %arg12[%broadcast_in_dim3A_541, %add3A_37], %mul3A_578 : memref<640x64xf32, #tpu.memory_space<vmem>>[vector<16xi32>, vector<16xi32>], vector<16xf32>,
        %mul3A_579 = arith.mulf %bitcast3A_575, %gather3A_543 : vector<16xf32>
        tpu.vector_store_idx %arg12[%broadcast_in_dim3A_541, %add3A_40], %mul3A_579 : memref<640x64xf32, #tpu.memory_space<vmem>>[vector<16xi32>, vector<16xi32>], vector<16xf32>,
        %mul3A_580 = arith.constant 4 : i32
        %mul3A_581 = arith.muli %mul3A_580, %scan3A_403 : i32
        %add3A_582 = arith.constant 3 : i32
        %add3A_583 = arith.addi %mul3A_581, %add3A_582 : i32
        %get3A_584 = arith.constant 0 : i32
        %get3A_585 = arith.constant 0 : i32
        %get3A_586 = tpu.memref_slice %arg9[%rem3A_197, %get3A_584, %get3A_585] : memref<2x640x16xf32, #tpu.memory_space<vmem>> -> memref<1x640x16xf32, #tpu.memory_space<vmem>>
        %get3A_587 = tpu.memref_squeeze %get3A_586 : memref<1x640x16xf32, #tpu.memory_space<vmem>> -> memref<640x16xf32, #tpu.memory_space<vmem>>
        %get3A_588 = arith.index_cast %add3A_583 : i32 to index
        %get3A_589 = arith.constant 0 : index
        %get3A_590 = tpu.vector_load %get3A_587[%get3A_588, %get3A_589] {strides = array<i32>} : memref<640x16xf32, #tpu.memory_space<vmem>>, vector<16xf32>,
        %gt3A_591 = arith.constant 0.000000e+00 : f32
        %gt3A_592 = vector.broadcast %gt3A_591 : f32 to vector<16xf32>
        %gt3A_593 = arith.cmpf ogt, %get3A_590, %gt3A_592 : vector<16xf32>
        %jit3A_594 = arith.constant 1.000000e+00 : f32
        %jit3A_595 = arith.constant 0.000000e+00 : f32
        %broadcast_in_dim3A_596 = vector.broadcast %jit3A_594 : f32 to vector<16xf32>
        %broadcast_in_dim3A_597 = vector.broadcast %jit3A_595 : f32 to vector<16xf32>
        %select_n3A_598 = arith.select %gt3A_593, %broadcast_in_dim3A_596, %broadcast_in_dim3A_597 : vector<16xi1>, vector<16xf32>
        %swap3A_599 = arith.index_cast %add3A_583 : i32 to index
        %swap3A_600 = arith.constant 0 : index
        %swap3A_601 = tpu.vector_load %arg10[%swap3A_599, %swap3A_600] {strides = array<i32>} : memref<640x16xf32, #tpu.memory_space<vmem>>, vector<16xf32>,
        tpu.vector_store %arg10[%swap3A_599, %swap3A_600], %select_n3A_598 {strides = array<i32>} : memref<640x16xf32, #tpu.memory_space<vmem>>, vector<16xf32>,
        %broadcast_in_dim3A_602 = vector.broadcast %add3A_583 : i32 to vector<16xi32>
        %gather3A_603 = tpu.vector_load_idx %arg10[%broadcast_in_dim3A_602, %select_n3A] : memref<640x16xf32, #tpu.memory_space<vmem>>[vector<16xi32>, vector<16xi32>], vector<16xf32>,
        %gather3A_604 = tpu.vector_load_idx %arg10[%broadcast_in_dim3A_602, %add3A_28] : memref<640x16xf32, #tpu.memory_space<vmem>>[vector<16xi32>, vector<16xi32>], vector<16xf32>,
        %get3A_605 = arith.constant 0 : i32
        %get3A_606 = arith.constant 0 : i32
        %get3A_607 = tpu.memref_slice %arg11[%rem3A_197, %get3A_605, %get3A_606] : memref<2x640x64xbf16, #tpu.memory_space<vmem>> -> memref<1x640x64xbf16, #tpu.memory_space<vmem>>
        %get3A_608 = tpu.memref_squeeze %get3A_607 : memref<1x640x64xbf16, #tpu.memory_space<vmem>> -> memref<640x64xbf16, #tpu.memory_space<vmem>>
        %get3A_609 = arith.index_cast %add3A_583 : i32 to index
        %get3A_610 = arith.constant 0 : index
        %get3A_611 = tpu.vector_load %get3A_608[%get3A_609, %get3A_610] {strides = array<i32>} : memref<640x64xbf16, #tpu.memory_space<vmem>>, vector<32xbf16>,
        %bitcast3A_612 = vector.bitcast %get3A_611 : vector<32xbf16> to vector<16xi32>
        %get3A_613 = arith.constant 0 : i32
        %get3A_614 = arith.constant 0 : i32
        %get3A_615 = tpu.memref_slice %arg11[%rem3A_197, %get3A_613, %get3A_614] : memref<2x640x64xbf16, #tpu.memory_space<vmem>> -> memref<1x640x64xbf16, #tpu.memory_space<vmem>>
        %get3A_616 = tpu.memref_squeeze %get3A_615 : memref<1x640x64xbf16, #tpu.memory_space<vmem>> -> memref<640x64xbf16, #tpu.memory_space<vmem>>
        %get3A_617 = arith.index_cast %add3A_583 : i32 to index
        %get3A_618 = arith.constant 32 : index
        %get3A_619 = tpu.vector_load %get3A_616[%get3A_617, %get3A_618] {strides = array<i32>} : memref<640x64xbf16, #tpu.memory_space<vmem>>, vector<32xbf16>,
        %bitcast3A_620 = vector.bitcast %get3A_619 : vector<32xbf16> to vector<16xi32>
        %shift_left3A_621 = arith.constant 16 : i32
        %shift_left3A_622 = vector.broadcast %shift_left3A_621 : i32 to vector<16xi32>
        %shift_left3A_623 = arith.shli %bitcast3A_612, %shift_left3A_622 : vector<16xi32>
        %bitcast3A_624 = vector.bitcast %shift_left3A_623 : vector<16xi32> to vector<16xf32>
        %and3A_625 = arith.constant -65536 : i32
        %and3A_626 = vector.broadcast %and3A_625 : i32 to vector<16xi32>
        %and3A_627 = arith.andi %bitcast3A_612, %and3A_626 : vector<16xi32>
        %bitcast3A_628 = vector.bitcast %and3A_627 : vector<16xi32> to vector<16xf32>
        %shift_left3A_629 = arith.constant 16 : i32
        %shift_left3A_630 = vector.broadcast %shift_left3A_629 : i32 to vector<16xi32>
        %shift_left3A_631 = arith.shli %bitcast3A_620, %shift_left3A_630 : vector<16xi32>
        %bitcast3A_632 = vector.bitcast %shift_left3A_631 : vector<16xi32> to vector<16xf32>
        %and3A_633 = arith.constant -65536 : i32
        %and3A_634 = vector.broadcast %and3A_633 : i32 to vector<16xi32>
        %and3A_635 = arith.andi %bitcast3A_620, %and3A_634 : vector<16xi32>
        %bitcast3A_636 = vector.bitcast %and3A_635 : vector<16xi32> to vector<16xf32>
        %mul3A_637 = arith.mulf %bitcast3A_624, %gather3A_603 : vector<16xf32>
        tpu.vector_store_idx %arg12[%broadcast_in_dim3A_602, %mul3A_31], %mul3A_637 : memref<640x64xf32, #tpu.memory_space<vmem>>[vector<16xi32>, vector<16xi32>], vector<16xf32>,
        %mul3A_638 = arith.mulf %bitcast3A_628, %gather3A_603 : vector<16xf32>
        tpu.vector_store_idx %arg12[%broadcast_in_dim3A_602, %add3A_34], %mul3A_638 : memref<640x64xf32, #tpu.memory_space<vmem>>[vector<16xi32>, vector<16xi32>], vector<16xf32>,
        %mul3A_639 = arith.mulf %bitcast3A_632, %gather3A_604 : vector<16xf32>
        tpu.vector_store_idx %arg12[%broadcast_in_dim3A_602, %add3A_37], %mul3A_639 : memref<640x64xf32, #tpu.memory_space<vmem>>[vector<16xi32>, vector<16xi32>], vector<16xf32>,
        %mul3A_640 = arith.mulf %bitcast3A_636, %gather3A_604 : vector<16xf32>
        tpu.vector_store_idx %arg12[%broadcast_in_dim3A_602, %add3A_40], %mul3A_640 : memref<640x64xf32, #tpu.memory_space<vmem>>[vector<16xi32>, vector<16xi32>], vector<16xf32>,
      }
      %scan3A_371 = arith.constant 160 : i32
      %mul3A_372 = arith.constant 640 : i32
      %mul3A_373 = arith.muli %scan3A_195, %mul3A_372 : i32
      %add3A_374 = arith.addi %mul3A_2, %mul3A_373 : i32
      %dma_start3A_375 = arith.constant 0 : i32
      %dma_start3A_376 = tpu.memref_slice %arg6[%add3A_374, %dma_start3A_375] : memref<204800x16xf32, #tpu.memory_space<hbm>> -> memref<640x16xf32, #tpu.memory_space<hbm>>
      %dma_start3A_377 = arith.constant 0 : i32
      %dma_start3A_378 = tpu.memref_slice %arg6[%add3A_374, %dma_start3A_377] : memref<204800x16xf32, #tpu.memory_space<hbm>> -> memref<640x16xf32, #tpu.memory_space<hbm>>
      tpu.enqueue_dma source(%arg10 : memref<640x16xf32, #tpu.memory_space<vmem>>) target(%dma_start3A_378 : memref<640x16xf32, #tpu.memory_space<hbm>>) target_semaphore(%arg16 : memref<!tpu.dma_semaphore, #tpu.memory_space<semaphore_mem>>)
      %dma_start3A_379 = arith.constant 0 : i32
      %dma_start3A_380 = tpu.memref_slice %arg7[%add3A_374, %dma_start3A_379] : memref<204800x64xf32, #tpu.memory_space<hbm>> -> memref<640x64xf32, #tpu.memory_space<hbm>>
      %dma_start3A_381 = arith.constant 0 : i32
      %dma_start3A_382 = tpu.memref_slice %arg7[%add3A_374, %dma_start3A_381] : memref<204800x64xf32, #tpu.memory_space<hbm>> -> memref<640x64xf32, #tpu.memory_space<hbm>>
      tpu.enqueue_dma source(%arg12 : memref<640x64xf32, #tpu.memory_space<vmem>>) target(%dma_start3A_382 : memref<640x64xf32, #tpu.memory_space<hbm>>) target_semaphore(%arg17 : memref<!tpu.dma_semaphore, #tpu.memory_space<semaphore_mem>>)
      %dma_wait3A_383 = arith.constant 0 : i32
      %dma_wait3A_384 = arith.constant 0 : i32
      %dma_wait3A_385 = tpu.memref_slice %arg9[%rem3A_197, %dma_wait3A_383, %dma_wait3A_384] : memref<2x640x16xf32, #tpu.memory_space<vmem>> -> memref<1x640x16xf32, #tpu.memory_space<vmem>>
      %dma_wait3A_386 = tpu.memref_squeeze %dma_wait3A_385 : memref<1x640x16xf32, #tpu.memory_space<vmem>> -> memref<640x16xf32, #tpu.memory_space<vmem>>
      %dma_wait3A_387 = arith.constant 0 : i32
      %dma_wait3A_388 = tpu.memref_slice %arg5[%add3A_349, %dma_wait3A_387] : memref<204800x16xf32, #tpu.memory_space<hbm>> -> memref<640x16xf32, #tpu.memory_space<hbm>>
      %dma_wait3A_389 = arith.constant 0 : i32
      %dma_wait3A_390 = tpu.memref_slice %arg5[%add3A_349, %dma_wait3A_389] : memref<204800x16xf32, #tpu.memory_space<hbm>> -> memref<640x16xf32, #tpu.memory_space<hbm>>
      %dma_wait3A_391 = arith.constant 0 : i32
      %dma_wait3A_392 = arith.constant 0 : i32
      %dma_wait3A_393 = tpu.memref_slice %arg9[%rem3A_197, %dma_wait3A_391, %dma_wait3A_392] : memref<2x640x16xf32, #tpu.memory_space<vmem>> -> memref<1x640x16xf32, #tpu.memory_space<vmem>>
      %dma_wait3A_394 = tpu.memref_squeeze %dma_wait3A_393 : memref<1x640x16xf32, #tpu.memory_space<vmem>> -> memref<640x16xf32, #tpu.memory_space<vmem>>
      tpu.wait_dma2 semaphore(%arg15 : memref<!tpu.dma_semaphore, #tpu.memory_space<semaphore_mem>>) src(%dma_wait3A_394 : memref<640x16xf32, #tpu.memory_space<vmem>>) dst(%dma_wait3A_390 : memref<640x16xf32, #tpu.memory_space<hbm>>)
      %dma_wait3A_395 = arith.constant 0 : i32
      %dma_wait3A_396 = tpu.memref_slice %arg6[%add3A_374, %dma_wait3A_395] : memref<204800x16xf32, #tpu.memory_space<hbm>> -> memref<640x16xf32, #tpu.memory_space<hbm>>
      %dma_wait3A_397 = arith.constant 0 : i32
      %dma_wait3A_398 = tpu.memref_slice %arg6[%add3A_374, %dma_wait3A_397] : memref<204800x16xf32, #tpu.memory_space<hbm>> -> memref<640x16xf32, #tpu.memory_space<hbm>>
      tpu.wait_dma2 semaphore(%arg16 : memref<!tpu.dma_semaphore, #tpu.memory_space<semaphore_mem>>) src(%arg10 : memref<640x16xf32, #tpu.memory_space<vmem>>) dst(%dma_wait3A_398 : memref<640x16xf32, #tpu.memory_space<hbm>>)
      %dma_wait3A_399 = arith.constant 0 : i32
      %dma_wait3A_400 = tpu.memref_slice %arg7[%add3A_374, %dma_wait3A_399] : memref<204800x64xf32, #tpu.memory_space<hbm>> -> memref<640x64xf32, #tpu.memory_space<hbm>>
      %dma_wait3A_401 = arith.constant 0 : i32
      %dma_wait3A_402 = tpu.memref_slice %arg7[%add3A_374, %dma_wait3A_401] : memref<204800x64xf32, #tpu.memory_space<hbm>> -> memref<640x64xf32, #tpu.memory_space<hbm>>
      tpu.wait_dma2 semaphore(%arg17 : memref<!tpu.dma_semaphore, #tpu.memory_space<semaphore_mem>>) src(%arg12 : memref<640x64xf32, #tpu.memory_space<vmem>>) dst(%dma_wait3A_402 : memref<640x64xf32, #tpu.memory_space<hbm>>)
    }
    %scan3A_194 = arith.constant 10 : i32
    return
  }
}

module attributes {stable_mosaic.version = 14 : i64} {
  func.func @body(%arg0: i32, %arg1: memref<1024x128xf32, #tpu.memory_space<vmem>>, %arg2: memref<128x128xf32, #tpu.memory_space<vmem>>, %arg3: memref<1x128xf32, #tpu.memory_space<vmem>>, %arg4: memref<1024x128xf32, #tpu.memory_space<vmem>>) attributes {dimension_semantics = [#tpu.dimension_semantics<arbitrary>], iteration_bounds = array<i64: 100>, scalar_prefetch = 0 : i64, scratch_operands = 0 : i64, tpu.core_type = #tpu.core_type<tc>, window_params = [{transform_indices = @transform_0, window_bounds = array<i64: 1024, 128>}, {pipeline_mode = #tpu.pipeline_mode<synchronous>, transform_indices = @transform_1, window_bounds = array<i64: 128, 128>}, {pipeline_mode = #tpu.pipeline_mode<synchronous>, transform_indices = @transform_2, window_bounds = array<i64: 1, 128>}, {transform_indices = @transform_3, window_bounds = array<i64: 1024, 128>}]} {
    %get3A = arith.constant 0 : index
    %get3A_0 = arith.constant 0 : index
    %get3A_1 = vector.load %arg1[%get3A, %get3A_0] : memref<1024x128xf32, #tpu.memory_space<vmem>>, vector<1024x128xf32>
    %get3A_2 = arith.constant 0 : index
    %get3A_3 = arith.constant 0 : index
    %get3A_4 = vector.load %arg2[%get3A_2, %get3A_3] : memref<128x128xf32, #tpu.memory_space<vmem>>, vector<128x128xf32>
    %dot_general3A = arith.constant dense<0.000000e+00> : vector<1024x128xf32>
    %dot_general3A_5 = tpu.matmul %get3A_1, %get3A_4, %dot_general3A {dimension_numbers = #tpu.dot_dimension_numbers<[1], [0], [0], [1], [0, 0, 1, 1], [], []>, precision = #tpu.contract_precision<fp32>, transpose_lhs_hint = false} : vector<1024x128xf32>, vector<128x128xf32>, vector<1024x128xf32> -> vector<1024x128xf32>
    %get3A_6 = arith.constant 0 : index
    %get3A_7 = arith.constant 0 : index
    %get3A_8 = vector.load %arg3[%get3A_6, %get3A_7] : memref<1x128xf32, #tpu.memory_space<vmem>>, vector<1x128xf32>
    %add3A = vector.broadcast %get3A_8 : vector<1x128xf32> to vector<1024x128xf32>
    %add3A_9 = arith.addf %dot_general3A_5, %add3A : vector<1024x128xf32>
    %swap3A = arith.constant 0 : index
    %swap3A_10 = arith.constant 0 : index
    %swap3A_11 = vector.load %arg4[%swap3A, %swap3A_10] : memref<1024x128xf32, #tpu.memory_space<vmem>>, vector<1024x128xf32>
    tpu.vector_store %arg4[%swap3A, %swap3A_10], %add3A_9 {strides = array<i32>} : memref<1024x128xf32, #tpu.memory_space<vmem>>, vector<1024x128xf32>,
    return
  }
  func.func @transform_0(%arg0: i32) -> (i32, i32) {
    %c0_i32 = arith.constant 0 : i32
    %c0_i32_0 = arith.constant 0 : i32
    return %arg0, %c0_i32 : i32, i32
  }
  func.func @transform_1(%arg0: i32) -> (i32, i32) {
    %c0_i32 = arith.constant 0 : i32
    %c0_i32_0 = arith.constant 0 : i32
    %c0_i32_1 = arith.constant 0 : i32
    return %c0_i32, %c0_i32_0 : i32, i32
  }
  func.func @transform_2(%arg0: i32) -> (i32, i32) {
    %c0_i32 = arith.constant 0 : i32
    %c0_i32_0 = arith.constant 0 : i32
    %c0_i32_1 = arith.constant 0 : i32
    return %c0_i32, %c0_i32_0 : i32, i32
  }
  func.func @transform_3(%arg0: i32) -> (i32, i32) {
    %c0_i32 = arith.constant 0 : i32
    %c0_i32_0 = arith.constant 0 : i32
    return %arg0, %c0_i32 : i32, i32
  }
}

</mosaic_0001>

<sc_bundles>
// kernel: kernel.4.cloned.1.call-start
scs
__scs_entry_jumppad:
0x0: {  	(pc) =	sbr.rel $0x88, $3  }
0x1: {  	(tag) =	ssettag $0x0;
	lr =	simm.s32 $0x1  }
0x2: {  	[smem:$0x3F9C] =	sst lr;
	_ =	strace $0xD0000000  }
0x3: {  	_ = 	snop  }
0x4: {  	_ = 	snop  }
0x5: {  	_ = 	snop  }
0x6: {  	_ = 	snop  }
0x7: {  	_ = 	snop  }
__scs_overlays_trampoline_lowered:
0x8: {  	[smem:$0x3FAB] =	sst s0  }
0x9: {  	[smem:$0x3FAC] =	sst s1  }
0xa: {  	[smem:$0x3FAD] =	sst s2  }
0xb: {  	[smem:$0x3FAE] =	sst s3  }
0xc: {  	[smem:$0x3FAF] =	sst s4  }
0xd: {  	[smem:$0x3FB0] =	sst s5  }
0xe: {  	[smem:$0x3FB1] =	sst s6  }
0xf: {  	[smem:$0x3FB2] =	sst s7  }
0x10: {  	[smem:$0x3FB3] =	sst s8  }
0x11: {  	[smem:$0x3FB4] =	sst s9;
	s0 =	simm.s32 @!p0 $0x0  }
0x12: {  	s1 =	sld [smem:$0x3F9A];
	s0 =	simm.s32 @p0 $0x1  }
0x13: {  	[smem:$0x3FB5] =	sst s0;
	s0 =	simm.s32 @!p1 $0x0  }
0x14: {  	s2 =	sld [smem:$0x3F99];
	s0 =	simm.s32 @p1 $0x1  }
0x15: {  	[smem:$0x3FB6] =	sst s0;
	s0 =	simm.s32 @!p2 $0x0  }
0x16: {  	s3 =	sld [smem:$0x3FDB];
	s0 =	simm.s32 @p2 $0x1  }
0x17: {  	s4 =	simm.s32 $0x1BF5;
	[smem:$0x3FB8] =	sst s0  }
0x18: {  	s0 =	sld [smem:$0x3F9B];
	_ =	swait.ge [sflag:s4], $0x0  }
0x19: {  	s7 =	sld [smem:$0x3F9C]  }
0x1a: {  	s8 =	sadd.s32 $0xFFFFE003, lr  }
0x1b: {  	s9 =	sadd.s32 $0xFFFFFEF7, lr;
	s5 =	simm.s32 $0xFFFFFFFF;
	p2 =	slt.u32 s8, $0xFFFFF086  }
0x1c: {  	p1 =	slt.u32 s9, $0xF7A;
	s5 =	simm.s32 @!p2 $0x0  }
0x1d: {  	s5 =	simm.s32 @p1 $0x1;
	p0 =	seq.s32 s7, s2  }
0x1e: {  	s7 =	smul.u32 @!p0 $0xF7A, s2;
	p2 =	seq.s32 @!p0 s5, $0x0  }
0x1f: {  	s9 =	smul.u32 $0xF7A, s1;
	s8 =	simm.s32 @!p0 $0x1BF5;
	p2 =	por !p2, p0  }
0x20: {  	[sflag:s8] =	ssyncset.s32 @!p0 $0xFFFFF086;
	s6 =	sadd.s32 @!p0 s3, s7;
	s7 =	simm.s32 @!p0 $0x108  }
0x21: {  	s3 =	sadd.s32 s3, s9;
	s6 =	sadd.s32 @!p0 $0x88, s6;
	s7 =	simm.s32 @p2 $0x1082  }
0x22: {  	[simem:s7], [sflag:s8] =	dma.local @!p0 [hbm:s6], $0xF7A  }
0x23: {  	s9 =	sor.u32 $0xD0000000, s2;
	s6 =	simm.s32 $0x108;
	_ =	swait.ge @!p0 [sflag:s8], $0x0  }
0x24: {  	s3 =	sadd.s32 $0x88, s3;
	s6 =	simm.s32 @!p1 $0x1082;
	[sflag:s4] =	ssyncset.s32 $0xFFFFF086  }
0x25: {  	[simem:s6], [sflag:s4] =	dma.local [hbm:s3], $0xF7A  }
0x26: {  	[smem:$0x3F9C] =	sst s1;
	(tag) =	ssettag s2;
	_ =	strace s9  }
0x27: {  	s1 =	sld [smem:$0x3FAC]  }
0x28: {  	s2 =	sld [smem:$0x3FAD]  }
0x29: {  	s4 =	sld [smem:$0x3FAF]  }
0x2a: {  	p0 =	seq.s32 s5, $0x0;
	s5 =	sld [smem:$0x3FB0]  }
0x2b: {  	s6 =	sld [smem:$0x3FB1]  }
0x2c: {  	s7 =	sld [smem:$0x3FB2]  }
0x2d: {  	s3 =	simm.s32 $0x108;
	s8 =	sld [smem:$0x3FB3]  }
0x2e: {  	s3 =	simm.s32 @!p0 $0x1082;
	s9 =	sld [smem:$0x3FB4]  }
0x2f: {  	lr =	sadd.s32 s0, s3;
	s0 =	sld [smem:$0x3FAB]  }
0x30: {  	s3 =	sld [smem:$0x3FAE]  }
0x31: {  	[smem:$0x3FB7] =	sst s10  }
0x32: {  	s10 =	sld [smem:$0x3FB5];
	_ =	sdelay $0x3  }
0x33: {  	p0 =	seq.s32 s10, $0x1;
	s10 =	sld [smem:$0x3FB7];
	_ =	sdelay $0x3  }
0x34: {  	[smem:$0x3FB7] =	sst s10  }
0x35: {  	s10 =	sld [smem:$0x3FB6];
	_ =	sdelay $0x3  }
0x36: {  	p1 =	seq.s32 s10, $0x1;
	s10 =	sld [smem:$0x3FB7];
	_ =	sdelay $0x3  }
0x37: {  	[smem:$0x3FB7] =	sst s10  }
0x38: {  	s10 =	sld [smem:$0x3FB8]  }
0x39: {  	_ = 	snop;
	(pc) =	sbr.ind lr, $3  }
0x3a: {  	_ = 	snop  }
0x3b: {  	_ = 	snop  }
0x3c: {  	p2 =	seq.s32 s10, $0x1;
	s10 =	sld [smem:$0x3FB7]  }
0x3d: {  	_ =	shalt  }
0x3e: {  	_ =	shalt  }
0x3f: {  	_ =	shalt  }
0x40: {  	_ =	shalt  }
0x41: {  	_ =	shalt  }
0x42: {  	_ =	shalt  }
0x43: {  	_ =	shalt  }
0x44: {  	_ =	shalt  }
0x45: {  	_ =	shalt  }
0x46: {  	_ =	shalt  }
0x47: {  	_ =	shalt  }
0x48: {  	_ =	shalt  }
0x49: {  	_ =	shalt  }
0x4a: {  	_ =	shalt  }
0x4b: {  	_ =	shalt  }
0x4c: {  	_ =	shalt  }
0x4d: {  	_ =	shalt  }
0x4e: {  	_ =	shalt  }
0x4f: {  	_ =	shalt  }
0x50: {  	_ =	shalt  }
0x51: {  	_ =	shalt  }
0x52: {  	_ =	shalt  }
0x53: {  	_ =	shalt  }
0x54: {  	_ =	shalt  }
0x55: {  	_ =	shalt  }
0x56: {  	_ =	shalt  }
0x57: {  	_ =	shalt  }
0x58: {  	_ =	shalt  }
0x59: {  	_ =	shalt  }
0x5a: {  	_ =	shalt  }
0x5b: {  	_ =	shalt  }
0x5c: {  	_ =	shalt  }
0x5d: {  	_ =	shalt  }
0x5e: {  	_ =	shalt  }
0x5f: {  	_ =	shalt  }
0x60: {  	_ =	shalt  }
0x61: {  	_ =	shalt  }
0x62: {  	_ =	shalt  }
0x63: {  	_ =	shalt  }
0x64: {  	_ =	shalt  }
0x65: {  	_ =	shalt  }
0x66: {  	_ =	shalt  }
0x67: {  	_ =	shalt  }
0x68: {  	_ =	shalt  }
0x69: {  	_ =	shalt  }
0x6a: {  	_ =	shalt  }
0x6b: {  	_ =	shalt  }
0x6c: {  	_ =	shalt  }
0x6d: {  	_ =	shalt  }
0x6e: {  	_ =	shalt  }
0x6f: {  	_ =	shalt  }
0x70: {  	_ =	shalt  }
0x71: {  	_ =	shalt  }
0x72: {  	_ =	shalt  }
0x73: {  	_ =	shalt  }
0x74: {  	_ =	shalt  }
0x75: {  	_ =	shalt  }
0x76: {  	_ =	shalt  }
0x77: {  	_ =	shalt  }
0x78: {  	_ =	shalt  }
0x79: {  	_ =	shalt  }
0x7a: {  	_ =	shalt  }
0x7b: {  	_ =	shalt  }
0x7c: {  	_ =	shalt  }
0x7d: {  	_ =	shalt  }
0x7e: {  	_ =	shalt  }
0x7f: {  	_ =	shalt  }
0x80: {  	_ =	shalt  }
0x81: {  	_ =	shalt  }
0x82: {  	_ =	shalt  }
0x83: {  	_ =	shalt  }
0x84: {  	_ =	shalt  }
0x85: {  	_ =	shalt  }
0x86: {  	_ =	shalt  }
0x87: {  	_ =	shalt  }
.Lfunc_end0:
.L_simem_size_0:
called_computation.5_lowered:
.L_overlay_start_0:
0x88: {  	s2 =	sld [smem:$0x3FD9]  }
0x89: {  	s3 =	sld [smem:$0x3FFE];
	_ =	sdelay $0x1  }
0x8a: {  	s1 =	srdreg.scid  }
0x8b: {  	s0 =	sand.u32 $0x1, s1  }
0x8c: {  	s14 =	sshll.u32 s0, $0xA;
	s2 =	sadd.s32 s3, s2  }
0x8d: {  	s2 =	sadd.s32 s2, s14  }
0x8e: {  	[smem:$0x3FC3] =	sst s2  }
0x8f: {  	_ = 	snop  }
0x90: {  	s2 =	sld [smem:$0x3FD0];
	_ =	sdelay $0x2  }
0x91: {  	s15 =	simm.s32 $0xB;
	s4 =	simm.s32 $0x10  }
0x92: {  	[smem:s4], [sflag:s15] =	dma.local [hbm:s2], $0x1  }
0x93: {  	_ =	swait.eq [sflag:s15], $0x1  }
0x94: {  	[sflag:s15] =	ssyncset.done $0x0  }
0x95: {  	s16 =	sld [smem:$0x11];
	[sflag:s15] =	ssyncadd.s32 $0xFFFFFFFF  }
0x96: {  	s17 =	sld [smem:$0x12];
	(tm) =	ssettm $0x1  }
0x97: {  	s18 =	sld [smem:$0x3FFB];
	_ =	sdelay $0x3  }
0x98: {  	_ =	strace s18  }
0x99: {  	s4 =	sld [smem:$0x3FFC];
	_ =	sdelay $0x3  }
0x9a: {  	_ =	strace s4  }
0x9b: {  	s4 =	sld [smem:$0x3FFD];
	_ =	sdelay $0x3  }
0x9c: {  	_ =	strace s4  }
0x9d: {  	_ =	strace $0x8FFFFFFF  }
0x9e: {  	s19 =	sld [smem:$0x3FDB];
	_ =	sdelay $0x1  }
0x9f: {  	s5 =	simm.s32 $_scs_section_size  }
0xa0: {  	s6 =	simm.s32 $_size__tile_overlayer_lowered;
	s7 =	simm.s32 $_tile_overlayer_lowered  }
0xa1: {  	s22 =	simm.s32 $0x1BFF;
	s21 =	sshll.u32 s7, $0x1;
	s4 =	sadd.s32 s5, s19  }
0xa2: {  	s8 =	simm.s32 $0x0;
	s20 =	sshll.u32 s6, $0x1;
	s6 =	sadd.s32 s21, s4  }
0xa3: {  	[timem:s8], [sflag:s22] =	dma.local [hbm:s6], s20  }
0xa4: {  	_ =	swait.ge [sflag:s22], s20  }
0xa5: {  	s5 =	ssub.s32 $0x0, s20;
	[sflag:s22] =	ssyncset.done $0x0  }
0xa6: {  	[sflag:s22] =	ssyncadd.s32 s5;
	_ =	sdelay $0x1  }
0xa7: {  	s23 =	simm.s32 $0x1B8B  }
0xa8: {  	_ =	swait.ge [sflag:s23], $0x1  }
0xa9: {  	[sflag:s23] =	ssyncset.done $0x0  }
0xaa: {  	s25 =	simm.s32 $0x1B8E;
	s24 =	sld [smem:$0x3FFE];
	[sflag:s23] =	ssyncadd.s32 $0xFFFFFFFF  }
0xab: {  	s26 =	simm.s32 $execute0_lowered;
	[smem:$0x3FD2] =	sst s25  }
0xac: {  	s6 =	sshll.u32 s26, $0x1;
	_ =	strace $0x8000004C;
	[dreg:$0x1] =	wrdreg $0xFFFFFFFF  }
0xad: {  	s28 =	simm.s32 $_size_execute0_lowered;
	s4 =	sadd.s32 s4, s6;
	[dreg:$0x0] =	wrdreg $0x0  }
0xae: {  	s6 =	sshll.u32 s28, $0x1;
	[dreg:$0x2] =	wrdreg s4  }
0xaf: {  	[dreg:$0x3] =	wrdreg s6  }
0xb0: {  	[dreg:$0x4] =	wrdreg $0xC0  }
0xb1: {  	_ =	task [dreg:s8], $0x5FFFF  }
0xb2: {  	[dreg:$0x1] =	wrdreg $0xFFFFFFFF  }
0xb3: {  	[dreg:$0x0] =	wrdreg $0x60  }
0xb4: {  	[dreg:$0x2] =	wrdreg s16  }
0xb5: {  	[dreg:$0x3] =	wrdreg s24  }
0xb6: {  	[dreg:$0x4] =	wrdreg s17  }
0xb7: {  	[dreg:$0x5] =	wrdreg $0x9  }
0xb8: {  	_ =	task.clear_ibuf [dreg:s8], $0x6FFFF;
	_ =	strace $0x9000004C  }
0xb9: {  	s29 =	simm.s32 $0x9;
	_ =	strace $0x8000004E  }
0xba: {  	_ =	swait.ge [sflag:s29], $0x1  }
0xbb: {  	[sflag:s29] =	ssyncadd.s32 $0xFFFFFFFF  }
0xbc: {  	_ =	strace $0x9000004E  }
0xbd: {  	_ =	sfence  }
0xbe: {  	s30 =	sld [smem:$0x0];
	_ =	sdelay $0x2  }
0xbf: {  	s31 =	sshll.u32 s1, $0xD;
	s1 =	sshrl.u32 s1, $0x2  }
0xc0: {  	s3 =	sand.u32 $0x4000, s31;
	s1 =	sadd.s32 s1, s30  }
0xc1: {  	s0 =	sor.u32 s3, s0;
	s1 =	sshll.u32 s1, $0x11  }
0xc2: {  	s0 =	sor.u32 s1, s0  }
0xc3: {  	s0 =	sadd.s32 $0x8F2B, s0  }
0xc4: {  	[sflag:s0] =	ssyncadd.remote.s32 $0x1  }
0xc5: {  	_ =	sfence.sel $0xFFFF  }
0xc6: {  	[dreg:$0x0] =	wrdreg $0xFFFFFFFF;
	(pc) =	sbr.abs _section_cstart, $3  }
0xc7: {  	[dreg:$0x1] =	wrdreg $0xFFFFFFFF  }
0xc8: {  	_ =	task.clear_ibuf [dreg:s8], $0x2FFFF;
	_ =	strace $0x9FFFFFFF  }
0xc9: {  	(tm) =	ssettm $0x7FFFFFFF  }
tec
execute0_lowered:
.L_overlay_start_1:
0x0: {  	(tag) =	ssettag $0x1  }
0x1: {  	s0 =	rddreg [dreg:$0x0]  }
0x2: {  	s1 =	rddreg [dreg:$0x1]  }
0x3: {  	s2 =	rddreg [dreg:$0x2]  }
0x4: {  	s4 =	srdreg.scid;
	s5 =	stileid.u32  }
0x5: {  	s3 =	simm.s32 $0x0;
	s12 =	simm.s32 $0x80;
	s20 =	simm.s32 $0x180  }
0x6: {  	s23 =	simm.s32 $0x200;
	s28 =	simm.s32 $0x2;
	s29 =	simm.s32 $0x6900  }
0x7: {  	s30 =	simm.s32 $0x13100;
	s31 =	simm.s32 $0x3;
	s13 =	simm.s32 $0x0  }
0x8: {  	s7 =	sand.u32 $0x1, s4;
	s25 =	sshll.u32 s5, $0x1;
	[smem:$0x7FF] =	sst s3  }
0x9: {  	s5 =	sadd.s32 $0x16E5E00, s1;
	s6 =	sadd.s32 $0x2600, s1;
	s4 =	sor.u32 s7, s25  }
0xa: {  	s8 =	sadd.s32 $0x3D3000, s1;
	s9 =	ssub.s32 $0x2, s7;
	s4 =	smul.u32 $0x1900, s4  }
0xb: {  	v1 =	vlaneseq.u32;
	_ =	strace $0x8000004D;
	s7 =	sadd.s32 $0x563000, s1;
	s10 =	sshrl.u32 s9, $0x1  }
0xc: {  	v0 =	vshrl.u32 v1, $0x1;
	v1 =	vmul.u32 $0x2, v1;
	s1 =	simm.s32 $0x5;
	s26 =	ssub.s32 s9, s10;
	s11 =	sshrl.u32 s4, $0x3  }
0xd: {  	v2 =	vimm.f32 $0.0e+00;
	v3 =	vor.u32 $0x8, v0;
	s10 =	smax.u32 s26, $0x1;
	s26 =	simm.s32 $0x1;
	s0 =	sadd.s32 s0, s11  }
0xe: {  	v4 =	vor.u32 $0x1, v1;
	v5 =	vor.u32 $0x20, v1;
	v6 =	vor.u32 $0x21, v1;
	s11 =	simm.s32 $0x6;
	[dreg:$0x4] =	wrdreg s0;
	s0 =	simm.s32 $0x4  }
.LBB2_1:
0xf: {  	s9 =	rddreg [dreg:$0x4]  }
0x10: {  	[tilespmem:s3], [sflag:$0x6] =	stream.linear.gather [hbm4b:s9+s3], $0x1900, $0x38;
	[tilespmem:$0x1D100] =	vst v63  }
0x11: {  	_ =	swait.ge [sflag:s11], $0x1900  }
0x12: {  	[sflag:s11] =	ssyncset.done $0x0  }
0x13: {  	s14 =	simm.s32 $0x1900;
	[sflag:s11] =	ssyncadd.s32 $0xFFFFE700  }
0x14: {  	[tilespmem:s14], [sflag:$0x1] =	stream.indirect.gather [hbm4b:s5+s12], $0x10, s3, s12, $0xb8;
	[tilespmem:$0x1D100] =	vst v63  }
0x15: {  	s15 =	simm.s32 $0x9100  }
0x16: {  	[tilespmem:s15], [sflag:$0x2] =	stream.indirect.gather [hbm4b:s6+s12], $0x20, s3, s12, $0xb8;
	[tilespmem:$0x1D100] =	vst v63  }
0x17: {  	s16 =	simm.s32 $0x2100  }
0x18: {  	[tilespmem:s16], [sflag:$0x1] =	stream.indirect.gather [hbm4b:s5+s12], $0x10, s12, s12, $0xb8;
	[tilespmem:$0x1D100] =	vst v63  }
0x19: {  	s17 =	simm.s32 $0xA100  }
0x1a: {  	[tilespmem:s17], [sflag:$0x2] =	stream.indirect.gather [hbm4b:s6+s12], $0x20, s12, s12, $0xb8;
	[tilespmem:$0x1D100] =	vst v63  }
0x1b: {  	s18 =	simm.s32 $0x100;
	s14 =	simm.s32 $0x2900  }
0x1c: {  	[tilespmem:s14], [sflag:$0x1] =	stream.indirect.gather [hbm4b:s5+s12], $0x10, s18, s12, $0xb8;
	[tilespmem:$0x1D100] =	vst v63  }
0x1d: {  	s19 =	simm.s32 $0xB100  }
0x1e: {  	[tilespmem:s19], [sflag:$0x2] =	stream.indirect.gather [hbm4b:s6+s12], $0x20, s18, s12, $0xb8;
	[tilespmem:$0x1D100] =	vst v63  }
0x1f: {  	s21 =	simm.s32 $0x3100  }
0x20: {  	[tilespmem:s21], [sflag:$0x1] =	stream.indirect.gather [hbm4b:s5+s12], $0x10, s20, s12, $0xb8;
	[tilespmem:$0x1D100] =	vst v63  }
0x21: {  	s22 =	simm.s32 $0xC100  }
0x22: {  	[tilespmem:s22], [sflag:$0x2] =	stream.indirect.gather [hbm4b:s6+s12], $0x20, s20, s12, $0xb8;
	[tilespmem:$0x1D100] =	vst v63  }
0x23: {  	s24 =	simm.s32 $0x3900  }
0x24: {  	[tilespmem:s24], [sflag:$0x1] =	stream.indirect.gather [hbm4b:s5+s12], $0x10, s23, s12, $0xb8;
	[tilespmem:$0x1D100] =	vst v63  }
0x25: {  	s25 =	simm.s32 $0xD100;
	p0 =	por $0x0, $0x0;
	s14 =	simm.s32 $0x0  }
0x26: {  	[tilespmem:s25], [sflag:$0x2] =	stream.indirect.gather [hbm4b:s6+s12], $0x20, s23, s12, $0xb8;
	[tilespmem:$0x1D100] =	vst v63  }
.LBB2_2:
0x27: {  	_ =	swait.ge [sflag:s26], $0x800  }
0x28: {  	[sflag:s26] =	ssyncset.done $0x0  }
0x29: {  	[sflag:s26] =	ssyncadd.s32 $0xFFFFF800  }
0x2a: {  	_ =	swait.ge [sflag:s28], $0x1000  }
0x2b: {  	[sflag:s28] =	ssyncset.done $0x0  }
0x2c: {  	[sflag:s28] =	ssyncadd.s32 $0xFFFFF000  }
0x2d: {  	_ =	swait.ge [sflag:s26], $0x800  }
0x2e: {  	[sflag:s26] =	ssyncset.done $0x0  }
0x2f: {  	[sflag:s26] =	ssyncadd.s32 $0xFFFFF800  }
0x30: {  	_ =	swait.ge [sflag:s28], $0x1000  }
0x31: {  	[sflag:s28] =	ssyncset.done $0x0  }
0x32: {  	[sflag:s28] =	ssyncadd.s32 $0xFFFFF000  }
0x33: {  	_ =	swait.ge [sflag:s26], $0x800  }
0x34: {  	[sflag:s26] =	ssyncset.done $0x0  }
0x35: {  	[sflag:s26] =	ssyncadd.s32 $0xFFFFF800  }
0x36: {  	_ =	swait.ge [sflag:s28], $0x1000  }
0x37: {  	[sflag:s28] =	ssyncset.done $0x0  }
0x38: {  	[sflag:s28] =	ssyncadd.s32 $0xFFFFF000  }
0x39: {  	_ =	swait.ge [sflag:s26], $0x800  }
0x3a: {  	[sflag:s26] =	ssyncset.done $0x0  }
0x3b: {  	[sflag:s26] =	ssyncadd.s32 $0xFFFFF800  }
0x3c: {  	_ =	swait.ge [sflag:s28], $0x1000  }
0x3d: {  	[sflag:s28] =	ssyncset.done $0x0  }
0x3e: {  	[sflag:s28] =	ssyncadd.s32 $0xFFFFF000  }
0x3f: {  	_ =	swait.ge [sflag:s26], $0x800  }
0x40: {  	s18 =	sand.u32 $0x1, s14;
	s15 =	smul.u32 $0x280, s14;
	[sflag:s26] =	ssyncset.done $0x0  }
0x41: {  	p1 =	seq.s32 s14, $0x9;
	s19 =	smul.u32 $0xA000, s18;
	[sflag:s26] =	ssyncadd.s32 $0xFFFFF800  }
0x42: {  	s18 =	sxor.u32 @!p1 $0x1, s18;
	s15 =	sadd.s32 s4, s15;
	_ =	swait.ge [sflag:s28], $0x1000  }
0x43: {  	s16 =	sshll.u32 s15, $0x1;
	s19 =	sshrl.u32 s19, $0x2;
	[sflag:s28] =	ssyncset.done $0x0  }
0x44: {  	s21 =	sadd.s32 s2, s16;
	s19 =	sadd.s32 $0x1900, s19;
	[sflag:s28] =	ssyncadd.s32 $0xFFFFF000  }
0x45: {  	[hbm4b:s21+s3] =	stream.linear.scatter [tilespmem:s19], [sflag:$0x3], $0x2800, $0x38;
	[tilespmem:$0x1D100] =	vst v63  }
0x46: {  	s14 =	sadd.s32 $0x1, s14;
	s19 =	smul.u32 @!p1 $0xA000, s18  }
0x47: {  	s21 =	smul.u32 @!p1 $0xA00, s14  }
0x48: {  	s24 =	simm.s32 @!p1 $0x80;
	s19 =	sshrl.u32 @!p1 s19, $0x2  }
0x49: {  	s18 =	smul.u32 @!p1 $0x14000, s18;
	s21 =	sshra.s32 @!p1 s21, $0x2;
	s22 =	sadd.s32 @!p1 $0x1900, s19  }
0x4a: {  	[tilespmem:s22], [sflag:$0x1] =	stream.indirect.gather @!p1 [hbm4b:s5+s24], $0x10, s21, s24, $0xb8;
	[tilespmem:$0x1D100] =	vst v63  }
0x4b: {  	s22 =	sshrl.u32 @!p1 s18, $0x2  }
0x4c: {  	s18 =	sadd.s32 @!p1 $0x9100, s22  }
0x4d: {  	[tilespmem:s18], [sflag:$0x2] =	stream.indirect.gather @!p1 [hbm4b:s6+s24], $0x20, s21, s24, $0xb8;
	[tilespmem:$0x1D100] =	vst v63  }
0x4e: {  	s25 =	sadd.s32 @!p1 $0x80, s21;
	s18 =	sadd.s32 @!p1 $0x2100, s19  }
0x4f: {  	[tilespmem:s18], [sflag:$0x1] =	stream.indirect.gather @!p1 [hbm4b:s5+s24], $0x10, s25, s24, $0xb8;
	[tilespmem:$0x1D100] =	vst v63  }
0x50: {  	s18 =	sadd.s32 @!p1 $0xA100, s22  }
0x51: {  	[tilespmem:s18], [sflag:$0x2] =	stream.indirect.gather @!p1 [hbm4b:s6+s24], $0x20, s25, s24, $0xb8;
	[tilespmem:$0x1D100] =	vst v63  }
0x52: {  	s18 =	sadd.s32 @!p1 $0x2900, s19;
	s25 =	sadd.s32 @!p1 $0x100, s21  }
0x53: {  	[tilespmem:s18], [sflag:$0x1] =	stream.indirect.gather @!p1 [hbm4b:s5+s24], $0x10, s25, s24, $0xb8;
	[tilespmem:$0x1D100] =	vst v63  }
0x54: {  	s9 =	simm.s32 $0x1;
	s18 =	sadd.s32 @!p1 $0xB100, s22  }
0x55: {  	[tilespmem:s18], [sflag:$0x2] =	stream.indirect.gather @!p1 [hbm4b:s6+s24], $0x20, s25, s24, $0xb8;
	[tilespmem:$0x1D100] =	vst v63  }
0x56: {  	s9 =	simm.s32 @!p0 $0x0;
	s18 =	sadd.s32 @!p1 $0x3100, s19;
	s25 =	sadd.s32 @!p1 $0x180, s21  }
0x57: {  	[tilespmem:s18], [sflag:$0x1] =	stream.indirect.gather @!p1 [hbm4b:s5+s24], $0x10, s25, s24, $0xb8;
	[tilespmem:$0x1D100] =	vst v63  }
0x58: {  	s17 =	sadd.s32 @!p1 $0xC100, s22;
	s18 =	smul.u32 $0xA000, s9  }
0x59: {  	[tilespmem:s17], [sflag:$0x2] =	stream.indirect.gather @!p1 [hbm4b:s6+s24], $0x20, s25, s24, $0xb8;
	[tilespmem:$0x1D100] =	vst v63  }
0x5a: {  	s25 =	sshrl.u32 s18, $0x2;
	s18 =	sadd.s32 @!p1 $0x3900, s19;
	s19 =	sadd.s32 @!p1 $0x200, s21  }
0x5b: {  	[tilespmem:s18], [sflag:$0x1] =	stream.indirect.gather @!p1 [hbm4b:s5+s24], $0x10, s19, s24, $0xb8;
	[tilespmem:$0x1D100] =	vst v63  }
0x5c: {  	s17 =	sadd.s32 @!p1 $0xD100, s22;
	s18 =	sadd.s32 $0x1920, s25  }
0x5d: {  	[tilespmem:s17], [sflag:$0x2] =	stream.indirect.gather @!p1 [hbm4b:s6+s24], $0x20, s19, s24, $0xb8;
	[tilespmem:$0x1D100] =	vst v63  }
0x5e: {  	v7 =	vld [tilespmem:s18+$0xFFFFFFE0]  }
0x5f: {  	s21 =	simm.s32 $0x0  }
0x60: {  	v8 =	vmov s21  }
0x61: {  	v9 =	vshll.u32 v8, $0x4  }
0x62: {  	s9 =	smul.u32 $0x14000, s9;
	v10 =	vor.u32 v0, v9  }
0x63: {  	vm0 =	vgt.f32 v7, $0.0e+00  }
0x64: {  	s9 =	sshrl.u32 s9, $0x2;
	s19 =	simm.s32 $0x6920;
	v7 =	vor.u32 v3, v9;
	v9 =	vsel vm0, $0x3F800000, v2  }
0x65: {  	s21 =	sadd.s32 $0x9140, s9;
	[tilespmem:s19+$0xFFFFFFE0] =	vst v9  }
0x66: {  	v9 =	vld [tilespmem:s21+$0xFFFFFFC0]  }
0x67: {  	v10 =	vld.idx.msk [tilespmem:v10+s29+$0x0], $0xffff  }
0x68: {  	v8 =	vshll.u32 v8, $0x6;
	v11 =	vld [tilespmem:s21+$0xFFFFFFD0]  }
0x69: {  	v12 =	vor.u32 v1, v8;
	v7 =	vld.idx.msk [tilespmem:v7+s29+$0x0], $0xffff  }
0x6a: {  	v13 =	vor.u32 v4, v8  }
0x6b: {  	v15 =	vor.u32 v5, v8;
	v14 =	vshll.u32 v9, $0x10  }
0x6c: {  	v8 =	vor.u32 v6, v8;
	v9 =	vand.u32 $0xFFFF0000, v9;
	v14 =	vmul.f32 v14, v10  }
0x6d: {  	v16 =	vshll.u32 v11, $0x10;
	v9 =	vmul.f32 v9, v10  }
0x6e: {  	v10 =	vand.u32 $0xFFFF0000, v11;
	v11 =	vmul.f32 v16, v7;
	[tilespmem:v12+s30+$0x0] =	vst.idx.msk $0xffff, v14  }
0x6f: {  	v7 =	vmul.f32 v10, v7;
	[tilespmem:v13+s30+$0x0] =	vst.idx.msk $0xffff, v9  }
0x70: {  	[tilespmem:v15+s30+$0x0] =	vst.idx.msk $0xffff, v11  }
0x71: {  	[tilespmem:v8+s30+$0x0] =	vst.idx.msk $0xffff, v7  }
0x72: {  	v7 =	vld [tilespmem:s18+$0xFFFFFFF0]  }
0x73: {  	s22 =	simm.s32 $0x1  }
0x74: {  	v8 =	vmov s22  }
0x75: {  	v9 =	vshll.u32 v8, $0x4  }
0x76: {  	v10 =	vor.u32 v0, v9  }
0x77: {  	vm13 =	vgt.f32 v7, $0.0e+00  }
0x78: {  	v9 =	vor.u32 v3, v9;
	v7 =	vsel vm13, $0x3F800000, v2  }
0x79: {  	[tilespmem:s19+$0xFFFFFFF0] =	vst v7  }
0x7a: {  	v7 =	vld [tilespmem:s21+$0xFFFFFFE0]  }
0x7b: {  	v10 =	vld.idx.msk [tilespmem:v10+s29+$0x0], $0xffff  }
0x7c: {  	v8 =	vshll.u32 v8, $0x6;
	v11 =	vld [tilespmem:s21+$0xFFFFFFF0]  }
0x7d: {  	v12 =	vor.u32 v1, v8;
	v9 =	vld.idx.msk [tilespmem:v9+s29+$0x0], $0xffff  }
0x7e: {  	v13 =	vor.u32 v4, v8  }
0x7f: {  	v15 =	vor.u32 v5, v8;
	v14 =	vshll.u32 v7, $0x10  }
0x80: {  	v8 =	vor.u32 v6, v8;
	v7 =	vand.u32 $0xFFFF0000, v7;
	v14 =	vmul.f32 v14, v10  }
0x81: {  	v16 =	vshll.u32 v11, $0x10;
	v7 =	vmul.f32 v7, v10  }
0x82: {  	v10 =	vand.u32 $0xFFFF0000, v11;
	v11 =	vmul.f32 v16, v9;
	[tilespmem:v12+s30+$0x0] =	vst.idx.msk $0xffff, v14  }
0x83: {  	v9 =	vmul.f32 v10, v9;
	[tilespmem:v13+s30+$0x0] =	vst.idx.msk $0xffff, v7  }
0x84: {  	[tilespmem:v15+s30+$0x0] =	vst.idx.msk $0xffff, v11  }
0x85: {  	[tilespmem:v8+s30+$0x0] =	vst.idx.msk $0xffff, v9  }
0x86: {  	v7 =	vld [tilespmem:s18+$0x0]  }
0x87: {  	s24 =	simm.s32 $0x2  }
0x88: {  	v8 =	vmov s24  }
0x89: {  	v9 =	vshll.u32 v8, $0x4  }
0x8a: {  	v10 =	vor.u32 v0, v9  }
0x8b: {  	vm14 =	vgt.f32 v7, $0.0e+00  }
0x8c: {  	v7 =	vor.u32 v3, v9;
	v9 =	vsel vm14, $0x3F800000, v2  }
0x8d: {  	[tilespmem:s19+$0x0] =	vst v9  }
0x8e: {  	v9 =	vld [tilespmem:s21+$0x0]  }
0x8f: {  	v10 =	vld.idx.msk [tilespmem:v10+s29+$0x0], $0xffff  }
0x90: {  	v8 =	vshll.u32 v8, $0x6;
	v11 =	vld [tilespmem:s21+$0x10]  }
0x91: {  	v12 =	vor.u32 v1, v8;
	v7 =	vld.idx.msk [tilespmem:v7+s29+$0x0], $0xffff  }
0x92: {  	v13 =	vor.u32 v4, v8  }
0x93: {  	v15 =	vor.u32 v5, v8;
	v14 =	vshll.u32 v9, $0x10  }
0x94: {  	v8 =	vor.u32 v6, v8;
	v9 =	vand.u32 $0xFFFF0000, v9;
	v14 =	vmul.f32 v14, v10  }
0x95: {  	v16 =	vshll.u32 v11, $0x10;
	v9 =	vmul.f32 v9, v10  }
0x96: {  	v10 =	vand.u32 $0xFFFF0000, v11;
	v11 =	vmul.f32 v16, v7;
	[tilespmem:v12+s30+$0x0] =	vst.idx.msk $0xffff, v14  }
0x97: {  	v7 =	vmul.f32 v10, v7;
	[tilespmem:v13+s30+$0x0] =	vst.idx.msk $0xffff, v9  }
0x98: {  	[tilespmem:v15+s30+$0x0] =	vst.idx.msk $0xffff, v11  }
0x99: {  	[tilespmem:v8+s30+$0x0] =	vst.idx.msk $0xffff, v7  }
0x9a: {  	v7 =	vld [tilespmem:s18+$0x10];
	_ =	sdelay $0x1  }
0x9b: {  	s25 =	simm.s32 $0x3  }
0x9c: {  	v8 =	vmov s25  }
0x9d: {  	v9 =	vshll.u32 v8, $0x4  }
0x9e: {  	vm15 =	vgt.f32 v7, $0.0e+00;
	v7 =	vor.u32 v0, v9;
	_ =	sdelay $0x1  }
0x9f: {  	v11 =	vor.u32 v3, v9;
	v10 =	vsel vm15, $0x3F800000, v2  }
0xa0: {  	[tilespmem:s19+$0x10] =	vst v10  }
0xa1: {  	v12 =	vld [tilespmem:s21+$0x20]  }
0xa2: {  	v9 =	vld.idx.msk [tilespmem:v7+s29+$0x0], $0xffff  }
0xa3: {  	v16 =	vshll.u32 v8, $0x6;
	v13 =	vld [tilespmem:s21+$0x30]  }
0xa4: {  	v8 =	vld.idx.msk [tilespmem:v11+s29+$0x0], $0xffff;
	v11 =	vor.u32 v1, v16  }
0xa5: {  	v10 =	vor.u32 v4, v16;
	v7 =	vor.u32 v6, v16  }
0xa6: {  	s22 =	simm.s32 $0x7;
	v15 =	vshll.u32 v12, $0x10;
	v14 =	vand.u32 $0xFFFF0000, v12;
	v12 =	vor.u32 v5, v16  }
.LBB2_3:
0xa7: {  	v15 =	vmul.f32 v15, v9;
	s21 =	sadd.s32 $0x80, s21;
	s18 =	sadd.s32 $0x40, s18;
	s19 =	sadd.s32 $0x40, s19  }
0xa8: {  	p1 =	sne.s32 s22, $0x27F;
	v9 =	vmul.f32 v14, v9;
	s24 =	smov.u32 s22;
	s22 =	sadd.s32 $0x4, s22;
	v16 =	vshll.u32 v13, $0x10;
	v13 =	vand.u32 $0xFFFF0000, v13  }
0xa9: {  	[tilespmem:v11+s30+$0x0] =	vst.idx.msk $0xffff, v15;
	v11 =	vmul.f32 v16, v8;
	v8 =	vmul.f32 v13, v8  }
0xaa: {  	[tilespmem:v10+s30+$0x0] =	vst.idx.msk $0xffff, v9  }
0xab: {  	[tilespmem:v12+s30+$0x0] =	vst.idx.msk $0xffff, v11  }
0xac: {  	[tilespmem:v7+s30+$0x0] =	vst.idx.msk $0xffff, v8  }
0xad: {  	s9 =	sadd.s32 $0xFFFFFFFD, s24;
	v7 =	vld [tilespmem:s18+$0xFFFFFFE0]  }
0xae: {  	v8 =	vmov s9  }
0xaf: {  	v9 =	vshll.u32 v8, $0x4;
	v8 =	vshll.u32 v8, $0x6  }
0xb0: {  	v10 =	vor.u32 v0, v9;
	v9 =	vor.u32 v3, v9;
	_ =	sdelay $0x1  }
0xb1: {  	vm0 =	vgt.f32 v7, $0.0e+00  }
0xb2: {  	v7 =	vsel vm0, $0x3F800000, v2  }
0xb3: {  	[tilespmem:s19+$0xFFFFFFE0] =	vst v7  }
0xb4: {  	v7 =	vld [tilespmem:s21+$0xFFFFFFD0]  }
0xb5: {  	v10 =	vld.idx.msk [tilespmem:v10+s29+$0x0], $0xffff  }
0xb6: {  	v11 =	vld [tilespmem:s21+$0xFFFFFFC0];
	_ =	sdelay $0x1  }
0xb7: {  	v9 =	vld.idx.msk [tilespmem:v9+s29+$0x0], $0xffff  }
0xb8: {  	v12 =	vor.u32 v1, v8  }
0xb9: {  	v13 =	vor.u32 v4, v8  }
0xba: {  	v15 =	vor.u32 v5, v8;
	v14 =	vshll.u32 v11, $0x10  }
0xbb: {  	v8 =	vor.u32 v6, v8;
	v11 =	vand.u32 $0xFFFF0000, v11;
	v14 =	vmul.f32 v14, v10  }
0xbc: {  	v16 =	vshll.u32 v7, $0x10;
	v10 =	vmul.f32 v11, v10  }
0xbd: {  	v7 =	vand.u32 $0xFFFF0000, v7;
	v11 =	vmul.f32 v16, v9;
	[tilespmem:v12+s30+$0x0] =	vst.idx.msk $0xffff, v14  }
0xbe: {  	v7 =	vmul.f32 v7, v9;
	[tilespmem:v13+s30+$0x0] =	vst.idx.msk $0xffff, v10  }
0xbf: {  	[tilespmem:v15+s30+$0x0] =	vst.idx.msk $0xffff, v11  }
0xc0: {  	[tilespmem:v8+s30+$0x0] =	vst.idx.msk $0xffff, v7  }
0xc1: {  	s9 =	sadd.s32 $0xFFFFFFFE, s24;
	v7 =	vld [tilespmem:s18+$0xFFFFFFF0]  }
0xc2: {  	v8 =	vmov s9  }
0xc3: {  	v9 =	vshll.u32 v8, $0x4;
	v8 =	vshll.u32 v8, $0x6  }
0xc4: {  	v10 =	vor.u32 v0, v9;
	_ =	sdelay $0x1  }
0xc5: {  	vm0 =	vgt.f32 v7, $0.0e+00  }
0xc6: {  	v9 =	vor.u32 v3, v9;
	v7 =	vsel vm0, $0x3F800000, v2  }
0xc7: {  	[tilespmem:s19+$0xFFFFFFF0] =	vst v7  }
0xc8: {  	v7 =	vld.idx.msk [tilespmem:v10+s29+$0x0], $0xffff  }
0xc9: {  	v10 =	vld [tilespmem:s21+$0xFFFFFFE0]  }
0xca: {  	v11 =	vld [tilespmem:s21+$0xFFFFFFF0]  }
0xcb: {  	v9 =	vld.idx.msk [tilespmem:v9+s29+$0x0], $0xffff  }
0xcc: {  	v12 =	vor.u32 v1, v8  }
0xcd: {  	v13 =	vor.u32 v4, v8;
	v14 =	vor.u32 v6, v8  }
0xce: {  	v8 =	vor.u32 v5, v8;
	v15 =	vshll.u32 v10, $0x10;
	v10 =	vand.u32 $0xFFFF0000, v10  }
0xcf: {  	v16 =	vshll.u32 v11, $0x10;
	v15 =	vmul.f32 v15, v7;
	v7 =	vmul.f32 v10, v7  }
0xd0: {  	v10 =	vand.u32 $0xFFFF0000, v11  }
0xd1: {  	v11 =	vmul.f32 v16, v9;
	v9 =	vmul.f32 v10, v9;
	[tilespmem:v12+s30+$0x0] =	vst.idx.msk $0xffff, v15  }
0xd2: {  	[tilespmem:v13+s30+$0x0] =	vst.idx.msk $0xffff, v7  }
0xd3: {  	[tilespmem:v8+s30+$0x0] =	vst.idx.msk $0xffff, v11  }
0xd4: {  	[tilespmem:v14+s30+$0x0] =	vst.idx.msk $0xffff, v9  }
0xd5: {  	s9 =	sadd.s32 $0xFFFFFFFF, s24;
	v7 =	vld [tilespmem:s18+$0x0]  }
0xd6: {  	v8 =	vmov s9  }
0xd7: {  	v9 =	vshll.u32 v8, $0x4;
	v8 =	vshll.u32 v8, $0x6  }
0xd8: {  	v10 =	vor.u32 v0, v9;
	_ =	sdelay $0x1  }
0xd9: {  	vm0 =	vgt.f32 v7, $0.0e+00;
	v7 =	vor.u32 v3, v9  }
0xda: {  	v9 =	vsel vm0, $0x3F800000, v2  }
0xdb: {  	[tilespmem:s19+$0x0] =	vst v9  }
0xdc: {  	v9 =	vld.idx.msk [tilespmem:v10+s29+$0x0], $0xffff  }
0xdd: {  	v10 =	vld [tilespmem:s21+$0x0]  }
0xde: {  	v7 =	vld.idx.msk [tilespmem:v7+s29+$0x0], $0xffff  }
0xdf: {  	v11 =	vld [tilespmem:s21+$0x10]  }
0xe0: {  	v12 =	vor.u32 v1, v8  }
0xe1: {  	v13 =	vor.u32 v4, v8  }
0xe2: {  	v15 =	vor.u32 v5, v8;
	v14 =	vshll.u32 v10, $0x10  }
0xe3: {  	v8 =	vor.u32 v6, v8;
	v10 =	vand.u32 $0xFFFF0000, v10;
	v14 =	vmul.f32 v14, v9  }
0xe4: {  	v9 =	vmul.f32 v10, v9;
	v16 =	vshll.u32 v11, $0x10;
	v11 =	vand.u32 $0xFFFF0000, v11  }
0xe5: {  	[tilespmem:v12+s30+$0x0] =	vst.idx.msk $0xffff, v14;
	v10 =	vmul.f32 v16, v7;
	v7 =	vmul.f32 v11, v7  }
0xe6: {  	[tilespmem:v13+s30+$0x0] =	vst.idx.msk $0xffff, v9  }
0xe7: {  	[tilespmem:v15+s30+$0x0] =	vst.idx.msk $0xffff, v10  }
0xe8: {  	[tilespmem:v8+s30+$0x0] =	vst.idx.msk $0xffff, v7  }
0xe9: {  	v8 =	vld [tilespmem:s18+$0x10]  }
0xea: {  	v7 =	vmov s24  }
0xeb: {  	v9 =	vshll.u32 v7, $0x4;
	v12 =	vshll.u32 v7, $0x6  }
0xec: {  	v10 =	vor.u32 v0, v9;
	v7 =	vor.u32 v6, v12;
	_ =	sdelay $0x1  }
0xed: {  	vm0 =	vgt.f32 v8, $0.0e+00;
	v8 =	vor.u32 v3, v9  }
0xee: {  	v9 =	vsel vm0, $0x3F800000, v2  }
0xef: {  	[tilespmem:s19+$0x10] =	vst v9  }
0xf0: {  	v9 =	vld.idx.msk [tilespmem:v10+s29+$0x0], $0xffff  }
0xf1: {  	v14 =	vld [tilespmem:s21+$0x20]  }
.Ltmp0:
0xf2: {  	v8 =	vld.idx.msk [tilespmem:v8+s29+$0x0], $0xffff;
	(pc) =	sbr.rel @p1 .LBB2_3-.Ltmp0, $4  }
0xf3: {  	v13 =	vld [tilespmem:s21+$0x30]  }
0xf4: {  	v11 =	vor.u32 v1, v12  }
0xf5: {  	v10 =	vor.u32 v4, v12  }
0xf6: {  	v12 =	vor.u32 v5, v12;
	v15 =	vshll.u32 v14, $0x10;
	v14 =	vand.u32 $0xFFFF0000, v14  }
0xf7: {  	_ =	sdelay $0x1  }
0xf8: {  	v15 =	vmul.f32 v15, v9  }
0xf9: {  	v61 =	vmul.f32 v14, v9;
	v16 =	vshll.u32 v13, $0x10  }
0xfa: {  	v62 =	vand.u32 $0xFFFF0000, v13;
	[tilespmem:v11+s30+$0x0] =	vst.idx.msk $0xffff, v15;
	v63 =	vmul.f32 v16, v8  }
0xfb: {  	v8 =	vmul.f32 v62, v8;
	[tilespmem:v10+s30+$0x0] =	vst.idx.msk $0xffff, v61  }
0xfc: {  	[tilespmem:v12+s30+$0x0] =	vst.idx.msk $0xffff, v63  }
0xfd: {  	s9 =	sadd.s32 s7, s16;
	s25 =	sshll.u32 s15, $0x3;
	[tilespmem:v7+s30+$0x0] =	vst.idx.msk $0xffff, v8  }
0xfe: {  	[hbm4b:s9+s3] =	stream.linear.scatter [tilespmem:s29], [sflag:$0x4], $0x2800, $0x38;
	[tilespmem:$0x1D100] =	vst v63  }
0xff: {  	s9 =	sadd.s32 s8, s25  }
0x100: {  	[hbm4b:s9+s3] =	stream.linear.scatter [tilespmem:s30], [sflag:$0x5], $0xA000, $0x38;
	[tilespmem:$0x1D100] =	vst v63  }
0x101: {  	_ =	swait.ge [sflag:s31], $0x2800  }
0x102: {  	[sflag:s31] =	ssyncset.done $0x0  }
0x103: {  	[sflag:s31] =	ssyncadd.s32 $0xFFFFD800  }
0x104: {  	p1 =	sne.s32 s14, $0xA;
	_ =	swait.ge [sflag:s0], $0x2800  }
.Ltmp1:
0x105: {  	[sflag:s0] =	ssyncset.done $0x0;
	(pc) =	sbr.rel @p1 .LBB2_2-.Ltmp1, $4  }
0x106: {  	[sflag:s0] =	ssyncadd.s32 $0xFFFFD800  }
0x107: {  	_ =	swait.ge [sflag:s1], $0xA000  }
0x108: {  	[sflag:s1] =	ssyncset.done $0x0  }
0x109: {  	p0 =	por !p0, !p0;
	[sflag:s1] =	ssyncadd.s32 $0xFFFF6000  }
0x10a: {  	s13 =	sadd.s32 $0x1, s13  }
0x10b: {  	p0 =	sne.s32 s13, s10  }
.Ltmp2:
0x10c: {  	_ = 	snop;
	(pc) =	sbr.rel @p0 .LBB2_1-.Ltmp2, $1  }
0x10d: {  	_ =	sdelay $0x3  }
0x10e: {  	_ =	sfence.sel $0x180000  }
0x10f: {  	[bflag:$0x0] =	sbarrier.arrive $0xFFFF  }
0x110: {  	_ =	strace $0x9000004D  }
0x111: {  	s0 =	stileid.u32;
	[bflag:$0x2] =	sbarrier.arrive $0xFFFF  }
0x112: {  	p0 =	sne.s32 s0, $0x0;
	s0 =	rddreg [dreg:$0x3]  }
0x113: {  	s0 =	sadd.s32 @!p0 $0x100000, s0  }
0x114: {  	[sflag:s0] =	ssyncadd.tile.s32 @!p0 $0x1;
	_ =	shalt  }
.Lfunc_end2:
_tile_overlayer_lowered:
.L_overlay_start_2:
0x115: {  	(tag) =	ssettag $0x2  }
0x116: {  	s0 =	rddreg [dreg:$0x0];
	s2 =	stileid.u32  }
0x117: {  	s1 =	rddreg [dreg:$0x1];
	p0 =	sne.s32 s2, $0x0  }
0x118: {  	s3 =	rddreg [dreg:$0x2];
	[bflag:$0x3] =	sbarrier.arrive $0xFFFF;
	s2 =	simm.s32 @!p0 $0x1C06  }
0x119: {  	[timem:s3], [sflag:s2] =	dma.local @!p0 [hbm:s0], s1  }
0x11a: {  	s0 =	simm.s32 @!p0 $0x6  }
0x11b: {  	_ =	swait.ge @!p0 [sflag:s0], s1  }
0x11c: {  	s1 =	ssub.s32 @!p0 $0x0, s1;
	[sflag:s0] =	ssyncset.done @!p0 $0x0  }
0x11d: {  	[sflag:s0] =	ssyncadd.s32 @!p0 s1  }
0x11e: {  	[bflag:$0x3] =	sbarrier.arrive $0xFFFF  }
0x11f: {  	_ =	shalt  }

// kernel: sparse-core-data-format-call.1.cloned.1.call-start
scs
called_computation.1_lowered:
.L_overlay_start_0:
0x0: {  	s2 =	sld [smem:$0x3FD9]  }
0x1: {  	s3 =	sld [smem:$0x3FFE];
	_ =	sdelay $0x1  }
0x2: {  	s1 =	srdreg.scid  }
0x3: {  	s0 =	sand.u32 $0x1, s1  }
0x4: {  	s15 =	sshll.u32 s0, $0xA;
	s2 =	sadd.s32 s3, s2  }
0x5: {  	s2 =	sadd.s32 s2, s15  }
0x6: {  	[smem:$0x3FC3] =	sst s2  }
0x7: {  	_ = 	snop  }
0x8: {  	s2 =	sld [smem:$0x3FD0];
	_ =	sdelay $0x2  }
0x9: {  	s16 =	simm.s32 $0xB;
	s4 =	simm.s32 $0x10  }
0xa: {  	[smem:s4], [sflag:s16] =	dma.local [hbm:s2], $0x1  }
0xb: {  	_ =	swait.eq [sflag:s16], $0x1  }
0xc: {  	[sflag:s16] =	ssyncset.done $0x0  }
0xd: {  	[sflag:s16] =	ssyncadd.s32 $0xFFFFFFFF  }
0xe: {  	s17 =	sld [smem:$0x13];
	(tm) =	ssettm $0x1  }
0xf: {  	s18 =	sld [smem:$0x3FFB];
	_ =	sdelay $0x3  }
0x10: {  	_ =	strace s18  }
0x11: {  	s3 =	sld [smem:$0x3FFC];
	_ =	sdelay $0x3  }
0x12: {  	_ =	strace s3  }
0x13: {  	s3 =	sld [smem:$0x3FFD];
	_ =	sdelay $0x3  }
0x14: {  	_ =	strace s3  }
0x15: {  	_ =	strace $0x8FFFFFFF  }
0x16: {  	s19 =	sld [smem:$0x3FDB];
	_ =	sdelay $0x1  }
0x17: {  	s20 =	simm.s32 $_scs_section_size  }
0x18: {  	s5 =	simm.s32 $_size__tile_overlayer_lowered;
	s6 =	simm.s32 $_tile_overlayer_lowered  }
0x19: {  	s23 =	simm.s32 $0x1BFF;
	s22 =	sshll.u32 s6, $0x1;
	s3 =	sadd.s32 s20, s19  }
0x1a: {  	s7 =	simm.s32 $0x0;
	s21 =	sshll.u32 s5, $0x1;
	s5 =	sadd.s32 s22, s3  }
0x1b: {  	[timem:s7], [sflag:s23] =	dma.local [hbm:s5], s21  }
0x1c: {  	_ =	swait.ge [sflag:s23], s21  }
0x1d: {  	s4 =	ssub.s32 $0x0, s21;
	[sflag:s23] =	ssyncset.done $0x0  }
0x1e: {  	[sflag:s23] =	ssyncadd.s32 s4;
	_ =	sdelay $0x1  }
0x1f: {  	s24 =	simm.s32 $0x1B8B  }
0x20: {  	_ =	swait.ge [sflag:s24], $0x1  }
0x21: {  	[sflag:s24] =	ssyncset.done $0x0  }
0x22: {  	s26 =	simm.s32 $0x1B8E;
	s25 =	sld [smem:$0x3FFE];
	[sflag:s24] =	ssyncadd.s32 $0xFFFFFFFF  }
0x23: {  	s27 =	simm.s32 $execute0_lowered;
	[smem:$0x3FD2] =	sst s26  }
0x24: {  	s5 =	sshll.u32 s27, $0x1;
	_ =	strace $0x8000004F;
	[dreg:$0x1] =	wrdreg $0xFFFFFFFF  }
0x25: {  	s28 =	simm.s32 $_size_execute0_lowered;
	s3 =	sadd.s32 s3, s5;
	[dreg:$0x0] =	wrdreg $0x0  }
0x26: {  	s5 =	sshll.u32 s28, $0x1;
	[dreg:$0x2] =	wrdreg s3  }
0x27: {  	[dreg:$0x3] =	wrdreg s5  }
0x28: {  	[dreg:$0x4] =	wrdreg $0xC0  }
0x29: {  	_ =	task [dreg:s7], $0x5FFFF  }
0x2a: {  	[dreg:$0x1] =	wrdreg $0xFFFFFFFF  }
0x2b: {  	[dreg:$0x0] =	wrdreg $0x60  }
0x2c: {  	[dreg:$0x2] =	wrdreg s25  }
0x2d: {  	[dreg:$0x3] =	wrdreg s17  }
0x2e: {  	[dreg:$0x4] =	wrdreg $0xA  }
0x2f: {  	_ =	task.clear_ibuf [dreg:s7], $0x5FFFF;
	_ =	strace $0x9000004F  }
0x30: {  	s29 =	simm.s32 $0xA;
	_ =	strace $0x80000051  }
0x31: {  	_ =	swait.ge [sflag:s29], $0x1  }
0x32: {  	[sflag:s29] =	ssyncadd.s32 $0xFFFFFFFF  }
0x33: {  	_ =	strace $0x90000051  }
0x34: {  	_ =	sfence  }
0x35: {  	s30 =	sld [smem:$0x0];
	_ =	sdelay $0x2  }
0x36: {  	s31 =	sshll.u32 s1, $0xD;
	s1 =	sshrl.u32 s1, $0x2  }
0x37: {  	s3 =	sand.u32 $0x4000, s31;
	s1 =	sadd.s32 s1, s30  }
0x38: {  	s0 =	sor.u32 s3, s0;
	s1 =	sshll.u32 s1, $0x11  }
0x39: {  	s0 =	sor.u32 s1, s0  }
0x3a: {  	s0 =	sadd.s32 $0x8F2B, s0  }
0x3b: {  	[sflag:s0] =	ssyncadd.remote.s32 $0x1  }
0x3c: {  	_ =	sfence.sel $0xFFFF  }
0x3d: {  	[dreg:$0x0] =	wrdreg $0xFFFFFFFF;
	(pc) =	sbr.abs _section_cstart, $3  }
0x3e: {  	[dreg:$0x1] =	wrdreg $0xFFFFFFFF  }
0x3f: {  	_ =	task.clear_ibuf [dreg:s7], $0x2FFFF;
	_ =	strace $0x9FFFFFFF  }
0x40: {  	(tm) =	ssettm $0x7FFFFFFF  }
0x41: {  	_ =	shalt  }
tec
execute0_lowered:
.L_overlay_start_1:
0x0: {  	(tag) =	ssettag $0x1  }
0x1: {  	s0 =	srdreg.scid  }
0x2: {  	s1 =	sshll.u32 s0, $0x4  }
0x3: {  	s4 =	rddreg [dreg:$0x0];
	s0 =	stileid.u32;
	s1 =	sand.u32 $0x10, s1  }
0x4: {  	s2 =	rddreg [dreg:$0x1];
	s7 =	simm.s32 $0x1;
	s1 =	sor.u32 s0, s1  }
0x5: {  	s8 =	simm.s32 $0x2;
	s11 =	simm.s32 $0x0;
	s3 =	sshll.u32 s1, $0x7  }
0x6: {  	s10 =	simm.s32 $0x0;
	s4 =	sadd.s32 $0x2600, s4;
	s6 =	ssub.s32 $0x32000, s3  }
.Ltmp0:
0x7: {  	s1 =	rddreg [dreg:$0x2];
	s5 =	sand.u32 $0xF80, s6;
	(pc) =	sbr.rel .LBB1_1-.Ltmp0, $4  }
0x8: {  	_ =	strace $0x80000050;
	s9 =	smov.u32 s3;
	p0 =	sne.s32 s5, $0x0  }
0x9: {  	s6 =	sshrl.u32 s6, $0xC;
	s5 =	simm.s32 $0x1;
	s7 =	simm.s32 @!p0 $0x0  }
0xa: {  	[sflag:s5] =	ssyncpa.u1 $0x0;
	p0 =	por $0x0, $0x0;
	s6 =	sadd.s32 s7, s6  }
0xb: {  	[sflag:s8] =	ssyncpa.u1 $0x0;
	s8 =	simm.s32 $0x190000;
	s7 =	sadd.s32 $0x1, s6  }
.LBB1_4:
0xc: {  	s14 =	sshll.u32 s11, $0x3  }
0xd: {  	s30 =	sand.u32 $0x7F, s11;
	s15 =	sand.u32 $0xFFFFFC00, s14  }
0xe: {  	s11 =	sor.u32 s30, s15  }
0xf: {  	s15 =	smulhi.u32 $0x51EB851F, s11  }
0x10: {  	s14 =	smulhi.u32 $0x51EB851F, s14  }
0x11: {  	s15 =	sshrl.u32 s15, $0x10  }
0x12: {  	s14 =	sshrl.u32 s14, $0x10;
	s15 =	smul.u32 $0x32000, s15  }
0x13: {  	s14 =	sand.u32 $0x3F, s14  }
0x14: {  	s14 =	smul.u32 $0x6400, s14;
	s11 =	ssub.s32 s11, s15  }
0x15: {  	[tilespmem:s13+$0x810 ss:$0x81] =	vst.msk $0xffff, v2;
	s15 =	sand.u32 $0x7, s11  }
0x16: {  	[tilespmem:s13+$0x1020 ss:$0x81] =	vst.msk $0xffff, v0;
	s14 =	sadd.s32 s2, s14;
	s11 =	sshrl.u32 s11, $0x3;
	s15 =	sshll.u32 s15, $0x12  }
0x17: {  	[tilespmem:s13+$0x0 ss:$0x81] =	vst.msk $0xffff, v1;
	s11 =	sadd.s32 s11, s14;
	s31 =	sor.u32 $0x400, s15  }
0x18: {  	[hbm4b:s11+s31] =	stream.strided.scatter [tilespmem:s12], [sflag:$0x2], $0x2000, s8, s31, $0x20;
	[tilespmem:$0x8080] =	vst v63  }
.LBB1_5:
0x19: {  	s13 =	sadd.s32 $0x1000, s9  }
0x1a: {  	p2 =	sgt.s32 s13, $0x31FFF  }
0x1b: {  	s13 =	smov.u32 @p2 s3;
	p2 =	sne.s32 s10, s7  }
.Ltmp1:
0x1c: {  	p1 =	slt.u32 s10, $0x2;
	(pc) =	sbr.rel @!p2 .LBB1_6-.Ltmp1, $4  }
0x1d: {  	s12 =	simm.s32 @!p1 $0x2  }
0x1e: {  	s14 =	sadd.s32 $0x1, s10;
	_ =	swait.ge @!p1 [sflag:s12], $0x2000  }
0x1f: {  	s11 =	smov.u32 s9;
	p0 =	por !p0, !p0;
	[sflag:s12] =	ssyncset.done @!p1 $0x0  }
0x20: {  	s10 =	smov.u32 s14;
	s9 =	smov.u32 s13;
	[sflag:s12] =	ssyncadd.s32 @!p1 $0xFFFFE000  }
.LBB1_1:
0x21: {  	p1 =	sge.u32 s10, s6  }
0x22: {  	s12 =	sand.u32 @!p1 $0x1FFFFFF, s9  }
0x23: {  	s13 =	smulhi.u32 @!p1 $0x147AE15, s12;
	_ =	sdelay $0x1  }
0x24: {  	s13 =	sshrl.u32 @!p1 s13, $0xA  }
0x25: {  	s13 =	smul.u32 @!p1 $0x32000, s13;
	_ =	sdelay $0x1  }
0x26: {  	s31 =	sadd.s32 $0xFFFFFFFF, s10;
	s14 =	sxor.u32 @!p1 $0xFFFFFFFF, s10;
	s12 =	ssub.s32 @!p1 s12, s13  }
0x27: {  	s15 =	simm.s32 @!p1 $0x80;
	s14 =	sshll.u32 @!p1 s14, $0xD;
	s12 =	sshll.u32 @!p1 s12, $0x4  }
0x28: {  	s13 =	sand.u32 @!p1 $0x2000, s14;
	s14 =	simm.s32 @!p1 $0x40;
	s12 =	sadd.s32 @!p1 s4, s12  }
0x29: {  	[tilespmem:s13], [sflag:$0x1] =	stream.strided.gather @!p1 [hbm4b:s12+s14], $0x2000, s15, s14, $0x38;
	[tilespmem:$0x8080] =	vst v63  }
0x2a: {  	p1 =	sge.u32 s31, s6  }
.Ltmp2:
0x2b: {  	_ = 	snop;
	(pc) =	sbr.rel @p1 .LBB1_5-.Ltmp2, $1  }
0x2c: {  	_ =	sdelay $0x3  }
0x2d: {  	s12 =	simm.s32 $0x1  }
0x2e: {  	_ =	swait.ge [sflag:s5], $0x2000;
	s12 =	simm.s32 @!p0 $0x0  }
0x2f: {  	[sflag:s5] =	ssyncset.done $0x0;
	s13 =	sshll.u32 s12, $0xD  }
0x30: {  	[sflag:s5] =	ssyncadd.s32 $0xFFFFE000;
	s16 =	sor.u32 $0x20, s13  }
0x31: {  	s12 =	smul.u32 $0x8100, s12;
	v3 =	vld [tilespmem:s16+$0x10]  }
0x32: {  	s30 =	sand.u32 $0x1, s10;
	v2 =	vld [tilespmem:s16+$0xFFFFFFF0]  }
0x33: {  	s13 =	smul.u32 $0x8100, s30;
	s12 =	sshrl.u32 s12, $0x2;
	v0 =	vld [tilespmem:s16+$0x0]  }
0x34: {  	v1 =	vld [tilespmem:s16+$0xFFFFFFE0];
	s14 =	sor.u32 $0x4000, s12  }
0x35: {  	s31 =	sshrl.u32 s13, $0x2;
	s13 =	sadd.s32 $0x0, s14  }
0x36: {  	s15 =	simm.s32 $0x4;
	s16 =	sadd.s32 $0x40, s16;
	s12 =	sor.u32 $0x4000, s31;
	[tilespmem:s13+$0x1830 ss:$0x81] =	vst.msk $0xffff, v3  }
.LBB1_3:
0x37: {  	v3 =	vld [tilespmem:s16+$0x10];
	p1 =	sne.s32 s15, $0x1FC;
	[tilespmem:s13+$0x810 ss:$0x81] =	vst.msk $0xffff, v2;
	s17 =	smov.u32 s15;
	s15 =	sadd.s32 $0x4, s15  }
.Ltmp3:
0x38: {  	v2 =	vld [tilespmem:s16+$0xFFFFFFF0];
	[tilespmem:s13+$0x1020 ss:$0x81] =	vst.msk $0xffff, v0;
	(pc) =	sbr.rel @p1 .LBB1_3-.Ltmp3, $4  }
0x39: {  	v0 =	vld [tilespmem:s16+$0x0];
	[tilespmem:s13+$0x0 ss:$0x81] =	vst.msk $0xffff, v1  }
0x3a: {  	s13 =	sshra.s32 s17, $0x2;
	v1 =	vld [tilespmem:s16+$0xFFFFFFE0]  }
0x3b: {  	s13 =	sadd.s32 s13, s14  }
0x3c: {  	s16 =	sadd.s32 $0x40, s16;
	[tilespmem:s13+$0x1830 ss:$0x81] =	vst.msk $0xffff, v3  }
.Ltmp4:
0x3d: {  	_ = 	snop;
	(pc) =	sbr.rel .LBB1_4-.Ltmp4, $1  }
0x3e: {  	_ =	sdelay $0x3  }
.LBB1_6:
0x3f: {  	_ =	sfence.sel $0x180000  }
0x40: {  	s2 =	simm.s32 $0x1;
	[bflag:$0x0] =	sbarrier.arrive $0xFFFF  }
0x41: {  	s31 =	simm.s32 $0x2;
	[sflag:s2] =	ssyncpa.u1 $0x1  }
0x42: {  	[sflag:s31] =	ssyncpa.u1 $0x1  }
0x43: {  	p0 =	sne.s32 s0, $0x0;
	_ =	strace $0x90000050  }
0x44: {  	s0 =	sadd.s32 @!p0 $0x100000, s1;
	[bflag:$0x2] =	sbarrier.arrive $0xFFFF  }
0x45: {  	[sflag:s0] =	ssyncadd.tile.s32 @!p0 $0x1;
	_ =	shalt  }
.Lfunc_end1:
_tile_overlayer_lowered:
.L_overlay_start_2:
0x46: {  	(tag) =	ssettag $0x2  }
0x47: {  	s0 =	rddreg [dreg:$0x0];
	s2 =	stileid.u32  }
0x48: {  	s1 =	rddreg [dreg:$0x1];
	p0 =	sne.s32 s2, $0x0  }
0x49: {  	s3 =	rddreg [dreg:$0x2];
	[bflag:$0x3] =	sbarrier.arrive $0xFFFF;
	s2 =	simm.s32 @!p0 $0x1C01  }
0x4a: {  	[timem:s3], [sflag:s2] =	dma.local @!p0 [hbm:s0], s1  }
0x4b: {  	s0 =	simm.s32 @!p0 $0x1  }
0x4c: {  	_ =	swait.ge @!p0 [sflag:s0], s1  }
0x4d: {  	s1 =	ssub.s32 @!p0 $0x0, s1;
	[sflag:s0] =	ssyncset.done @!p0 $0x0  }
0x4e: {  	[sflag:s0] =	ssyncadd.s32 @!p0 s1  }
0x4f: {  	[bflag:$0x3] =	sbarrier.arrive $0xFFFF  }
0x50: {  	_ =	shalt  }

// kernel: sparse-core-data-format-call.2.cloned.1.call-start
scs
called_computation.2_lowered:
.L_overlay_start_0:
0x0: {  	s2 =	sld [smem:$0x3FD9]  }
0x1: {  	s3 =	sld [smem:$0x3FFE];
	_ =	sdelay $0x1  }
0x2: {  	s1 =	srdreg.scid  }
0x3: {  	s0 =	sand.u32 $0x1, s1  }
0x4: {  	s16 =	sshll.u32 s0, $0xA;
	s2 =	sadd.s32 s3, s2  }
0x5: {  	s2 =	sadd.s32 s2, s16  }
0x6: {  	[smem:$0x3FC3] =	sst s2  }
0x7: {  	_ = 	snop  }
0x8: {  	s2 =	sld [smem:$0x3FD0];
	_ =	sdelay $0x2  }
0x9: {  	s17 =	simm.s32 $0xB;
	s4 =	simm.s32 $0x10  }
0xa: {  	[smem:s4], [sflag:s17] =	dma.local [hbm:s2], $0x1  }
0xb: {  	_ =	swait.eq [sflag:s17], $0x1  }
0xc: {  	[sflag:s17] =	ssyncset.done $0x0  }
0xd: {  	[sflag:s17] =	ssyncadd.s32 $0xFFFFFFFF  }
0xe: {  	s18 =	sld [smem:$0x10];
	(tm) =	ssettm $0x1  }
0xf: {  	s19 =	sld [smem:$0x3FFB];
	_ =	sdelay $0x3  }
0x10: {  	_ =	strace s19  }
0x11: {  	s2 =	sld [smem:$0x3FFC];
	_ =	sdelay $0x3  }
0x12: {  	_ =	strace s2  }
0x13: {  	s2 =	sld [smem:$0x3FFD];
	_ =	sdelay $0x3  }
0x14: {  	_ =	strace s2  }
0x15: {  	_ =	strace $0x8FFFFFFF  }
0x16: {  	s20 =	sld [smem:$0x3FDB];
	_ =	sdelay $0x1  }
0x17: {  	s21 =	simm.s32 $_scs_section_size  }
0x18: {  	s5 =	simm.s32 $_size__tile_overlayer_lowered;
	s6 =	simm.s32 $_tile_overlayer_lowered  }
0x19: {  	s7 =	simm.s32 $0x1BFF;
	s22 =	sshll.u32 s6, $0x1;
	s4 =	sadd.s32 s21, s20  }
0x1a: {  	s23 =	simm.s32 $0x0;
	s5 =	sshll.u32 s5, $0x1;
	s6 =	sadd.s32 s22, s4  }
0x1b: {  	[timem:s23], [sflag:s7] =	dma.local [hbm:s6], s5  }
0x1c: {  	_ =	swait.ge [sflag:s7], s5  }
0x1d: {  	s5 =	ssub.s32 $0x0, s5;
	[sflag:s7] =	ssyncset.done $0x0  }
0x1e: {  	[sflag:s7] =	ssyncadd.s32 s5;
	_ =	sdelay $0x1  }
0x1f: {  	s24 =	simm.s32 $0x1B8B  }
0x20: {  	_ =	swait.ge [sflag:s24], $0x1  }
0x21: {  	[sflag:s24] =	ssyncset.done $0x0  }
0x22: {  	[sflag:s24] =	ssyncadd.s32 $0xFFFFFFFF  }
0x23: {  	s5 =	sld [smem:$0x0]  }
0x24: {  	s6 =	sand.u32 $0xFFFFFFFE, s1  }
0x25: {  	p0 =	sne.s32 s1, s6  }
0x26: {  	s6 =	sshll.u32 @p0 s6, $0xE  }
0x27: {  	s6 =	sadd.s32 @p0 $0x11B8D, s6;
	s7 =	sshll.u32 @p0 s5, $0x11  }
0x28: {  	s6 =	sor.u32 @p0 s7, s6  }
0x29: {  	[sflag:s6] =	ssyncadd.remote.s32 @p0 $0x1;
	_ =	sdelay $0x1  }
0x2a: {  	s6 =	simm.s32 @p0 $0x1B8D  }
0x2b: {  	_ =	swait.eq @p0 [sflag:s6], $0x1  }
0x2c: {  	[sflag:s6] =	ssyncadd.s32 @p0 $0xFFFFFFFF  }
0x2d: {  	s7 =	sshll.u32 @!p0 s1, $0xE  }
0x2e: {  	s7 =	sor.u32 @!p0 $0x4000, s7;
	s6 =	simm.s32 @!p0 $0x1B8D  }
0x2f: {  	s5 =	sshll.u32 @!p0 s5, $0x11;
	s7 =	sadd.s32 @!p0 $0x11B8D, s7;
	_ =	swait.eq @!p0 [sflag:s6], $0x1  }
0x30: {  	s5 =	sor.u32 @!p0 s5, s7;
	[sflag:s6] =	ssyncadd.s32 @!p0 $0xFFFFFFFF  }
0x31: {  	s26 =	simm.s32 $0x1B8E;
	s25 =	sld [smem:$0x3FFE];
	[sflag:s5] =	ssyncadd.remote.s32 @!p0 $0x1  }
0x32: {  	s27 =	simm.s32 $execute0_lowered;
	[smem:$0x3FD2] =	sst s26  }
0x33: {  	s6 =	sshll.u32 s27, $0x1;
	_ =	strace $0x80000052;
	[dreg:$0x1] =	wrdreg $0xFFFFFFFF  }
0x34: {  	s28 =	simm.s32 $_size_execute0_lowered;
	s4 =	sadd.s32 s4, s6;
	[dreg:$0x0] =	wrdreg $0x0  }
0x35: {  	s6 =	sshll.u32 s28, $0x1;
	[dreg:$0x2] =	wrdreg s4  }
0x36: {  	[dreg:$0x3] =	wrdreg s6  }
0x37: {  	[dreg:$0x4] =	wrdreg $0xC0  }
0x38: {  	_ =	task [dreg:s23], $0x5FFFF  }
0x39: {  	[dreg:$0x1] =	wrdreg $0xFFFFFFFF  }
0x3a: {  	[dreg:$0x0] =	wrdreg $0x60  }
0x3b: {  	[dreg:$0x2] =	wrdreg s25  }
0x3c: {  	[dreg:$0x3] =	wrdreg s18  }
0x3d: {  	[dreg:$0x4] =	wrdreg $0x9  }
0x3e: {  	_ =	task.clear_ibuf [dreg:s23], $0x5FFFF;
	_ =	strace $0x90000052  }
0x3f: {  	s29 =	simm.s32 $0x9;
	_ =	strace $0x80000054  }
0x40: {  	_ =	swait.ge [sflag:s29], $0x1  }
0x41: {  	[sflag:s29] =	ssyncadd.s32 $0xFFFFFFFF  }
0x42: {  	_ =	strace $0x90000054  }
0x43: {  	_ =	sfence  }
0x44: {  	s30 =	sld [smem:$0x0];
	_ =	sdelay $0x2  }
0x45: {  	s31 =	sshll.u32 s1, $0xD;
	s1 =	sshrl.u32 s1, $0x2  }
0x46: {  	s4 =	sand.u32 $0x4000, s31;
	s1 =	sadd.s32 s1, s30  }
0x47: {  	s0 =	sor.u32 s4, s0;
	s1 =	sshll.u32 s1, $0x11  }
0x48: {  	s0 =	sor.u32 s1, s0  }
0x49: {  	s0 =	sadd.s32 $0x8F2B, s0  }
0x4a: {  	[sflag:s0] =	ssyncadd.remote.s32 $0x1  }
0x4b: {  	_ =	sfence.sel $0xFFFF  }
0x4c: {  	[dreg:$0x0] =	wrdreg $0xFFFFFFFF;
	(pc) =	sbr.abs _section_cstart, $3  }
0x4d: {  	[dreg:$0x1] =	wrdreg $0xFFFFFFFF  }
0x4e: {  	_ =	task.clear_ibuf [dreg:s23], $0x2FFFF;
	_ =	strace $0x9FFFFFFF  }
0x4f: {  	(tm) =	ssettm $0x7FFFFFFF  }
tec
execute0_lowered:
.L_overlay_start_1:
0x0: {  	(tag) =	ssettag $0x1  }
0x1: {  	s0 =	stileid.u32;
	s6 =	rddreg [dreg:$0x0]  }
0x2: {  	s2 =	rddreg [dreg:$0x1];
	s5 =	srdreg.scid  }
0x3: {  	s31 =	simm.s32 $0x2;
	s13 =	simm.s32 $0x0;
	s1 =	sshll.u32 s0, $0x7  }
0x4: {  	s14 =	simm.s32 $0x0;
	s12 =	simm.s32 $0x0;
	s3 =	sand.u32 $0x380, s1  }
0x5: {  	s5 =	sshll.u32 s5, $0x4;
	s6 =	sadd.s32 $0x5C7000, s6;
	s4 =	ssub.s32 $0x400, s3  }
0x6: {  	s1 =	rddreg [dreg:$0x2];
	_ =	strace $0x80000053;
	s7 =	sand.u32 $0x380, s4  }
0x7: {  	s5 =	sand.u32 $0x10, s5;
	p0 =	sne.s32 s7, $0x0;
	s7 =	simm.s32 $0x1  }
.Ltmp0:
0x8: {  	s8 =	sshrl.u32 s4, $0xA;
	s7 =	simm.s32 @!p0 $0x0;
	(pc) =	sbr.rel .LBB1_1-.Ltmp0, $4  }
0x9: {  	s9 =	sor.u32 s0, s5;
	s4 =	simm.s32 $0x1;
	s30 =	sadd.s32 s7, s8  }
0xa: {  	s11 =	smov.u32 s3;
	[sflag:s4] =	ssyncpa.u1 $0x0;
	s5 =	smul.u32 $0x32, s30  }
0xb: {  	[sflag:s31] =	ssyncpa.u1 $0x0;
	p0 =	por $0x0, $0x0;
	s7 =	sshrl.u32 s9, $0x3  }
0xc: {  	s9 =	simm.s32 $0x2000;
	s10 =	smov.u32 s7;
	s8 =	sor.u32 $0x1, s5  }
.LBB1_4:
0xd: {  	s17 =	sand.u32 $0x1F80, s14;
	s13 =	sshll.u32 s13, $0xD  }
0xe: {  	[tilespmem:s16+$0x810 ss:$0x81] =	vst.msk $0xffff, v2;
	s18 =	sshrl.u32 s14, $0x3;
	s31 =	sand.u32 $0x7, s14;
	s17 =	sadd.s32 s2, s17  }
0xf: {  	[tilespmem:s16+$0x1020 ss:$0x81] =	vst.msk $0xffff, v0;
	s18 =	sand.u32 $0xF, s18;
	s14 =	sshll.u32 s31, $0x12;
	s13 =	sadd.s32 s13, s17  }
0x10: {  	[tilespmem:s16+$0x0 ss:$0x81] =	vst.msk $0xffff, v1;
	s14 =	sor.u32 $0x400, s14;
	s13 =	sadd.s32 s18, s13  }
0x11: {  	[hbm4b:s13+s14] =	stream.strided.scatter [tilespmem:s15], [sflag:$0x2], $0x2000, s9, s14, $0x20;
	[tilespmem:$0x8080] =	vst v63  }
.LBB1_5:
0x12: {  	s15 =	sadd.s32 $0x4, s10  }
0x13: {  	s13 =	sadd.s32 $0x400, s11;
	s17 =	smov.u32 s11;
	p2 =	sgt.s32 s15, $0xC7  }
0x14: {  	s17 =	smov.u32 @p2 s13  }
0x15: {  	s15 =	smov.u32 @p2 s7;
	p2 =	sgt.s32 s17, $0x3FF  }
0x16: {  	s17 =	smov.u32 @p2 s3;
	p2 =	sne.s32 s12, s8  }
.Ltmp1:
0x17: {  	p1 =	slt.u32 s12, $0x2;
	(pc) =	sbr.rel @!p2 .LBB1_6-.Ltmp1, $4  }
0x18: {  	s16 =	simm.s32 @!p1 $0x2  }
0x19: {  	s14 =	smov.u32 s11;
	p0 =	por !p0, !p0;
	_ =	swait.ge @!p1 [sflag:s16], $0x2000  }
0x1a: {  	s13 =	smov.u32 s10;
	[sflag:s16] =	ssyncset.done @!p1 $0x0;
	s10 =	smov.u32 s15  }
0x1b: {  	s12 =	sadd.s32 $0x1, s12;
	[sflag:s16] =	ssyncadd.s32 @!p1 $0xFFFFE000;
	s11 =	smov.u32 s17  }
.LBB1_1:
0x1c: {  	p1 =	sge.u32 s12, s5  }
0x1d: {  	s15 =	sand.u32 @!p1 $0x1FFFFFF, s10  }
0x1e: {  	s16 =	smulhi.u32 @!p1 $0x147AE15, s15;
	_ =	sdelay $0x1  }
0x1f: {  	s16 =	smul.u32 @!p1 $0xC8, s16  }
0x20: {  	s17 =	sxor.u32 @!p1 $0xFFFFFFFF, s12;
	s18 =	smul.u32 @!p1 $0xC80, s11  }
0x21: {  	s31 =	sadd.s32 $0xFFFFFFFF, s12;
	s17 =	sshll.u32 @!p1 s17, $0xD;
	s15 =	ssub.s32 @!p1 s15, s16  }
0x22: {  	s16 =	sand.u32 @!p1 $0x2000, s17;
	s17 =	sadd.s32 @!p1 s6, s18;
	s15 =	sshll.u32 @!p1 s15, $0x4  }
0x23: {  	s18 =	simm.s32 @!p1 $0x6400;
	s15 =	sadd.s32 @!p1 s15, s17;
	s17 =	simm.s32 @!p1 $0x40  }
0x24: {  	[tilespmem:s16], [sflag:$0x1] =	stream.strided.gather @!p1 [hbm4b:s15+s17], $0x2000, s18, s17, $0x38;
	[tilespmem:$0x8080] =	vst v63  }
0x25: {  	p1 =	sge.u32 s31, s5  }
.Ltmp2:
0x26: {  	_ = 	snop;
	(pc) =	sbr.rel @p1 .LBB1_5-.Ltmp2, $1  }
0x27: {  	_ =	sdelay $0x3  }
0x28: {  	s15 =	simm.s32 $0x1  }
0x29: {  	_ =	swait.ge [sflag:s4], $0x2000;
	s15 =	simm.s32 @!p0 $0x0  }
0x2a: {  	[sflag:s4] =	ssyncset.done $0x0;
	s16 =	sshll.u32 s15, $0xD  }
0x2b: {  	[sflag:s4] =	ssyncadd.s32 $0xFFFFE000;
	s19 =	sor.u32 $0x20, s16  }
0x2c: {  	s15 =	smul.u32 $0x8100, s15;
	v3 =	vld [tilespmem:s19+$0x10]  }
0x2d: {  	s30 =	sand.u32 $0x1, s12;
	v2 =	vld [tilespmem:s19+$0xFFFFFFF0]  }
0x2e: {  	s16 =	smul.u32 $0x8100, s30;
	s15 =	sshrl.u32 s15, $0x2;
	v0 =	vld [tilespmem:s19+$0x0]  }
0x2f: {  	v1 =	vld [tilespmem:s19+$0xFFFFFFE0];
	s17 =	sor.u32 $0x4000, s15  }
0x30: {  	s31 =	sshrl.u32 s16, $0x2;
	s16 =	sadd.s32 $0x0, s17  }
0x31: {  	s18 =	simm.s32 $0x4;
	s19 =	sadd.s32 $0x40, s19;
	s15 =	sor.u32 $0x4000, s31;
	[tilespmem:s16+$0x1830 ss:$0x81] =	vst.msk $0xffff, v3  }
.LBB1_3:
0x32: {  	v3 =	vld [tilespmem:s19+$0x10];
	p1 =	sne.s32 s18, $0x1FC;
	[tilespmem:s16+$0x810 ss:$0x81] =	vst.msk $0xffff, v2;
	s20 =	smov.u32 s18;
	s18 =	sadd.s32 $0x4, s18  }
.Ltmp3:
0x33: {  	v2 =	vld [tilespmem:s19+$0xFFFFFFF0];
	[tilespmem:s16+$0x1020 ss:$0x81] =	vst.msk $0xffff, v0;
	(pc) =	sbr.rel @p1 .LBB1_3-.Ltmp3, $4  }
0x34: {  	v0 =	vld [tilespmem:s19+$0x0];
	[tilespmem:s16+$0x0 ss:$0x81] =	vst.msk $0xffff, v1  }
0x35: {  	s16 =	sshra.s32 s20, $0x2;
	v1 =	vld [tilespmem:s19+$0xFFFFFFE0]  }
0x36: {  	s16 =	sadd.s32 s16, s17  }
0x37: {  	s19 =	sadd.s32 $0x40, s19;
	[tilespmem:s16+$0x1830 ss:$0x81] =	vst.msk $0xffff, v3  }
.Ltmp4:
0x38: {  	_ = 	snop;
	(pc) =	sbr.rel .LBB1_4-.Ltmp4, $1  }
0x39: {  	_ =	sdelay $0x3  }
.LBB1_6:
0x3a: {  	_ =	sfence.sel $0x180000  }
0x3b: {  	s2 =	simm.s32 $0x1;
	[bflag:$0x0] =	sbarrier.arrive $0xFFFF  }
0x3c: {  	s31 =	simm.s32 $0x2;
	[sflag:s2] =	ssyncpa.u1 $0x1  }
0x3d: {  	[sflag:s31] =	ssyncpa.u1 $0x1  }
0x3e: {  	p0 =	sne.s32 s0, $0x0;
	_ =	strace $0x90000053  }
0x3f: {  	s0 =	sadd.s32 @!p0 $0x100000, s1;
	[bflag:$0x2] =	sbarrier.arrive $0xFFFF  }
0x40: {  	[sflag:s0] =	ssyncadd.tile.s32 @!p0 $0x1;
	_ =	shalt  }
.Lfunc_end1:
_tile_overlayer_lowered:
.L_overlay_start_2:
0x41: {  	(tag) =	ssettag $0x2  }
0x42: {  	s0 =	rddreg [dreg:$0x0];
	s2 =	stileid.u32  }
0x43: {  	s1 =	rddreg [dreg:$0x1];
	p0 =	sne.s32 s2, $0x0  }
0x44: {  	s3 =	rddreg [dreg:$0x2];
	[bflag:$0x3] =	sbarrier.arrive $0xFFFF;
	s2 =	simm.s32 @!p0 $0x1C01  }
0x45: {  	[timem:s3], [sflag:s2] =	dma.local @!p0 [hbm:s0], s1  }
0x46: {  	s0 =	simm.s32 @!p0 $0x1  }
0x47: {  	_ =	swait.ge @!p0 [sflag:s0], s1  }
0x48: {  	s1 =	ssub.s32 @!p0 $0x0, s1;
	[sflag:s0] =	ssyncset.done @!p0 $0x0  }
0x49: {  	[sflag:s0] =	ssyncadd.s32 @!p0 s1  }
0x4a: {  	[bflag:$0x3] =	sbarrier.arrive $0xFFFF  }
0x4b: {  	_ =	shalt  }

// kernel: sparse-core-data-format-call.3.cloned.1.call-start
scs
called_computation.3_lowered:
.L_overlay_start_0:
0x0: {  	s1 =	sld [smem:$0x3FD9]  }
0x1: {  	s2 =	sld [smem:$0x3FFE];
	_ =	sdelay $0x1  }
0x2: {  	s3 =	srdreg.scid  }
0x3: {  	s0 =	sand.u32 $0x1, s3  }
0x4: {  	s17 =	sshll.u32 s0, $0xA;
	s1 =	sadd.s32 s2, s1  }
0x5: {  	s1 =	sadd.s32 s1, s17  }
0x6: {  	[smem:$0x3FC3] =	sst s1  }
0x7: {  	_ = 	snop  }
0x8: {  	(tm) =	ssettm $0x1  }
0x9: {  	s18 =	sld [smem:$0x3FFB];
	_ =	sdelay $0x3  }
0xa: {  	_ =	strace s18  }
0xb: {  	s1 =	sld [smem:$0x3FFC];
	_ =	sdelay $0x3  }
0xc: {  	_ =	strace s1  }
0xd: {  	s1 =	sld [smem:$0x3FFD];
	_ =	sdelay $0x3  }
0xe: {  	_ =	strace s1  }
0xf: {  	_ =	strace $0x8FFFFFFF  }
0x10: {  	s19 =	sld [smem:$0x3FDB];
	_ =	sdelay $0x1  }
0x11: {  	s20 =	simm.s32 $_scs_section_size  }
0x12: {  	s4 =	simm.s32 $_size__tile_overlayer_lowered;
	s5 =	simm.s32 $_tile_overlayer_lowered  }
0x13: {  	s23 =	simm.s32 $0x1BFF;
	s22 =	sshll.u32 s5, $0x1;
	s1 =	sadd.s32 s20, s19  }
0x14: {  	s6 =	simm.s32 $0x0;
	s21 =	sshll.u32 s4, $0x1;
	s4 =	sadd.s32 s22, s1  }
0x15: {  	[timem:s6], [sflag:s23] =	dma.local [hbm:s4], s21  }
0x16: {  	_ =	swait.ge [sflag:s23], s21  }
0x17: {  	s2 =	ssub.s32 $0x0, s21;
	[sflag:s23] =	ssyncset.done $0x0  }
0x18: {  	[sflag:s23] =	ssyncadd.s32 s2;
	_ =	sdelay $0x1  }
0x19: {  	s24 =	simm.s32 $0x1B8B  }
0x1a: {  	_ =	swait.ge [sflag:s24], $0x1  }
0x1b: {  	[sflag:s24] =	ssyncset.done $0x0  }
0x1c: {  	s26 =	simm.s32 $0x1B8E;
	s25 =	sld [smem:$0x3FFE];
	[sflag:s24] =	ssyncadd.s32 $0xFFFFFFFF  }
0x1d: {  	s27 =	simm.s32 $execute0_lowered;
	[smem:$0x3FD2] =	sst s26  }
0x1e: {  	s4 =	sshll.u32 s27, $0x1;
	_ =	strace $0x80000049;
	[dreg:$0x1] =	wrdreg $0xFFFFFFFF  }
0x1f: {  	s28 =	simm.s32 $_size_execute0_lowered;
	s1 =	sadd.s32 s1, s4;
	[dreg:$0x0] =	wrdreg $0x0  }
0x20: {  	s4 =	sshll.u32 s28, $0x1;
	[dreg:$0x2] =	wrdreg s1  }
0x21: {  	[dreg:$0x3] =	wrdreg s4  }
0x22: {  	[dreg:$0x4] =	wrdreg $0xC0  }
0x23: {  	_ =	task [dreg:s6], $0x5FFFF  }
0x24: {  	[dreg:$0x1] =	wrdreg $0xFFFFFFFF  }
0x25: {  	[dreg:$0x0] =	wrdreg $0x60  }
0x26: {  	[dreg:$0x2] =	wrdreg s25  }
0x27: {  	[dreg:$0x3] =	wrdreg $0x9  }
0x28: {  	_ =	task.clear_ibuf [dreg:s6], $0x4FFFF;
	_ =	strace $0x90000049  }
0x29: {  	s29 =	simm.s32 $0x9;
	_ =	strace $0x8000004B  }
0x2a: {  	_ =	swait.ge [sflag:s29], $0x1  }
0x2b: {  	[sflag:s29] =	ssyncadd.s32 $0xFFFFFFFF  }
0x2c: {  	_ =	strace $0x9000004B  }
0x2d: {  	_ =	sfence  }
0x2e: {  	s30 =	sld [smem:$0x0];
	_ =	sdelay $0x2  }
0x2f: {  	s31 =	sshll.u32 s3, $0xD;
	s3 =	sshrl.u32 s3, $0x2  }
0x30: {  	s2 =	sand.u32 $0x4000, s31;
	s1 =	sadd.s32 s3, s30  }
0x31: {  	s0 =	sor.u32 s2, s0;
	s1 =	sshll.u32 s1, $0x11  }
0x32: {  	s0 =	sor.u32 s1, s0  }
0x33: {  	s0 =	sadd.s32 $0x8F2B, s0  }
0x34: {  	[sflag:s0] =	ssyncadd.remote.s32 $0x1  }
0x35: {  	_ =	sfence.sel $0xFFFF  }
0x36: {  	[dreg:$0x0] =	wrdreg $0xFFFFFFFF;
	(pc) =	sbr.abs _section_cstart, $3  }
0x37: {  	[dreg:$0x1] =	wrdreg $0xFFFFFFFF  }
0x38: {  	_ =	task.clear_ibuf [dreg:s6], $0x2FFFF;
	_ =	strace $0x9FFFFFFF  }
0x39: {  	(tm) =	ssettm $0x7FFFFFFF  }
tec
execute0_lowered:
.L_overlay_start_1:
0x0: {  	(tag) =	ssettag $0x1  }
0x1: {  	s0 =	srdreg.scid  }
0x2: {  	s5 =	rddreg [dreg:$0x0];
	s1 =	stileid.u32;
	s4 =	simm.s32 $0x1  }
0x3: {  	s6 =	simm.s32 $0x2;
	s8 =	simm.s32 $0x0;
	s2 =	sshll.u32 s0, $0x4  }
0x4: {  	s9 =	simm.s32 $0x0;
	s13 =	simm.s32 $0x0;
	s2 =	sand.u32 $0x10, s2  }
.Ltmp0:
0x5: {  	s10 =	simm.s32 $0x0;
	s3 =	sor.u32 s1, s2;
	(pc) =	sbr.rel .LBB1_1-.Ltmp0, $4  }
0x6: {  	s0 =	rddreg [dreg:$0x1];
	_ =	strace $0x8000004A;
	s3 =	sshll.u32 s3, $0x4  }
0x7: {  	s12 =	simm.s32 $0x0;
	[sflag:s4] =	ssyncpa.u1 $0x0;
	s7 =	ssub.s32 $0x7A10, s3  }
0x8: {  	s2 =	sadd.s32 $0x3D3000, s5;
	[sflag:s6] =	ssyncpa.u1 $0x0;
	s6 =	sshrl.u32 s7, $0x9  }
0x9: {  	s5 =	sadd.s32 $0x2600, s5;
	s11 =	smov.u32 s3;
	s7 =	sor.u32 $0x2, s6  }
.LBB1_7:
0xa: {  	s15 =	sshll.u32 s12, $0xF  }
0xb: {  	s15 =	sand.u32 $0x8000, s15  }
0xc: {  	s16 =	sshll.u32 s10, $0x7;
	s15 =	sshrl.u32 s15, $0x1  }
0xd: {  	s16 =	sadd.s32 s5, s16;
	s15 =	sor.u32 $0x8000, s15  }
0xe: {  	[hbm4b:s16+s8] =	stream.linear.scatter [tilespmem:s15], [sflag:$0x2], s14, $0x38;
	[tilespmem:$0x10000] =	vst v63  }
.LBB1_8:
0xf: {  	p0 =	slt.u32 s12, $0x2  }
0x10: {  	p1 =	sgt.s32 @!p0 s13, $0x7A02  }
0x11: {  	s14 =	smov.u32 s13;
	s15 =	sshra.s32 @!p0 s13, $0x1F;
	p1 =	por !p1, p0  }
0x12: {  	s13 =	sand.u32 @!p0 s15, s13;
	s14 =	simm.s32 @p1 $0x7A02  }
0x13: {  	s13 =	ssub.s32 @!p0 s14, s13  }
0x14: {  	s13 =	sadd.s32 @!p0 $0xFFFF85FE, s13  }
0x15: {  	s14 =	sshll.u32 @!p0 s13, $0xC  }
0x16: {  	p1 =	sgt.s32 @!p0 s13, $0xF;
	s13 =	ssub.s32 @!p0 $0x10000, s14  }
0x17: {  	s15 =	sadd.s32 $0x200, s11;
	p1 =	por !p1, p0;
	s13 =	sshrl.u32 @!p0 s13, $0x2  }
0x18: {  	s13 =	simm.s32 @!p1 $0x0;
	p1 =	sgt.s32 s15, $0x7A11  }
0x19: {  	s15 =	smov.u32 @p1 s3;
	p1 =	sne.s32 s12, s7  }
.Ltmp1:
0x1a: {  	_ = 	snop;
	(pc) =	sbr.rel @!p1 .LBB1_9-.Ltmp1, $4  }
0x1b: {  	s14 =	simm.s32 @!p0 $0x2  }
0x1c: {  	s9 =	sadd.s32 $0x8000, s9;
	_ =	swait.ge @!p0 [sflag:s14], s13;
	s16 =	ssub.s32 @!p0 $0x0, s13  }
0x1d: {  	s13 =	smov.u32 s10;
	s12 =	sadd.s32 $0x1, s12;
	[sflag:s14] =	ssyncset.done @!p0 $0x0  }
0x1e: {  	s10 =	smov.u32 s11;
	s11 =	smov.u32 s15;
	[sflag:s14] =	ssyncadd.s32 @!p0 s16  }
.LBB1_1:
0x1f: {  	p0 =	sgt.u32 s12, s6  }
0x20: {  	p1 =	sgt.s32 @!p0 s11, $0x7A02  }
0x21: {  	s14 =	smov.u32 s11;
	s15 =	sshra.s32 @!p0 s11, $0x1F;
	p1 =	por !p1, p0  }
0x22: {  	s15 =	sand.u32 @!p0 s15, s11;
	s14 =	simm.s32 @p1 $0x7A02  }
0x23: {  	s14 =	ssub.s32 @!p0 s14, s15  }
0x24: {  	s14 =	sadd.s32 @!p0 $0xFFFF85FE, s14  }
0x25: {  	s16 =	sshll.u32 @!p0 s11, $0x7;
	s17 =	simm.s32 @!p0 $0x0;
	s15 =	sshll.u32 @!p0 s14, $0xC  }
0x26: {  	p1 =	sgt.s32 @!p0 s14, $0xF;
	s14 =	ssub.s32 @!p0 $0x10000, s15;
	s15 =	sxor.u32 @!p0 $0xFFFFFFFF, s12  }
0x27: {  	p1 =	por !p1, p0;
	s14 =	sshrl.u32 @!p0 s14, $0x2;
	s15 =	sshll.u32 @!p0 s15, $0xE  }
0x28: {  	s16 =	sadd.s32 @!p0 s2, s16;
	s14 =	simm.s32 @!p1 $0x0;
	s15 =	sand.u32 @!p0 $0x4000, s15  }
0x29: {  	[tilespmem:s15], [sflag:$0x1] =	stream.linear.gather @!p0 [hbm4b:s16+s17], s14, $0x38;
	[tilespmem:$0x10000] =	vst v63  }
0x2a: {  	p0 =	seq.s32 s12, $0x0  }
0x2b: {  	p1 =	sge.u32 @!p0 s12, s7  }
0x2c: {  	p0 =	por p0, p1  }
.Ltmp2:
0x2d: {  	_ = 	snop;
	(pc) =	sbr.rel @p0 .LBB1_8-.Ltmp2, $1  }
0x2e: {  	_ =	sdelay $0x3  }
0x2f: {  	p0 =	sgt.s32 s10, $0x7A02;
	s14 =	smov.u32 s10;
	s15 =	sshra.s32 s10, $0x1F  }
0x30: {  	s14 =	simm.s32 @!p0 $0x7A02;
	s15 =	sand.u32 s15, s10  }
0x31: {  	s14 =	ssub.s32 s14, s15  }
0x32: {  	s16 =	sadd.s32 $0x10, s10;
	s14 =	sadd.s32 $0xFFFF85FE, s14  }
0x33: {  	p1 =	slt.s32 s16, $0x7A12;
	s30 =	sshll.u32 s14, $0xC  }
0x34: {  	s16 =	simm.s32 @!p1 $0x7A12;
	s15 =	ssub.s32 $0x10000, s30  }
0x35: {  	p0 =	sgt.s32 s14, $0xF;
	s14 =	sshrl.u32 s15, $0x2;
	s15 =	ssub.s32 s16, s10  }
0x36: {  	s14 =	simm.s32 @p0 $0x0;
	p0 =	slt.s32 s15, $0x1  }
.Ltmp3:
0x37: {  	_ = 	snop;
	(pc) =	sbr.rel @p0 .LBB1_7-.Ltmp3, $4  }
0x38: {  	_ = 	snop  }
0x39: {  	_ =	swait.ge [sflag:s4], s14  }
0x3a: {  	s31 =	ssub.s32 $0x0, s14;
	[sflag:s4] =	ssyncset.done $0x0  }
0x3b: {  	[sflag:s4] =	ssyncadd.s32 s31  }
0x3c: {  	s16 =	sshrl.u32 s9, $0x1  }
0x3d: {  	s17 =	sand.u32 $0x4000, s16  }
0x3e: {  	s18 =	simm.s32 $0x0;
	s16 =	sor.u32 $0x200, s17;
	s17 =	sor.u32 $0x8080, s17  }
.LBB1_4:
0x3f: {  	v0 =	vld [tilespmem:s16+$0xFFFFFE70]  }
0x40: {  	v1 =	vld [tilespmem:s16+$0x70]  }
0x41: {  	v2 =	vld [tilespmem:s16+$0x0]  }
0x42: {  	v3 =	vld [tilespmem:s16+$0xFFFFFE10]  }
0x43: {  	v4 =	vld [tilespmem:s16+$0x10]  }
0x44: {  	v5 =	vld [tilespmem:s16+$0xFFFFFE20]  }
0x45: {  	v7 =	vld [tilespmem:s16+$0x20]  }
0x46: {  	v11 =	vld [tilespmem:s16+$0x30];
	v6 =	vunpack.i.l.s16.s32 v0;
	v8 =	vunpack.i.u.s16.s32 v0;
	v9 =	vunpack.i.u.s16.s32 v1  }
0x47: {  	v10 =	vunpack.i.l.s16.s32 v1;
	v0 =	vunpack.i.u.s16.s32 v2;
	v1 =	vunpack.i.l.s16.s32 v2;
	v2 =	vld [tilespmem:s16+$0xFFFFFE30]  }
0x48: {  	v8 =	vpack.i.b32.b16 v9, v8;
	v9 =	vunpack.i.u.s16.s32 v3;
	v3 =	vunpack.i.l.s16.s32 v3  }
0x49: {  	v12 =	vld [tilespmem:s16+$0xFFFFFE40];
	v6 =	vpack.i.b32.b16 v10, v6;
	[tilespmem:s17+$0x70] =	vst v8;
	v8 =	vunpack.i.u.s16.s32 v4;
	v4 =	vunpack.i.l.s16.s32 v4  }
0x4a: {  	v13 =	vld [tilespmem:s16+$0x40];
	v10 =	vunpack.i.u.s16.s32 v5;
	v5 =	vunpack.i.l.s16.s32 v5;
	[tilespmem:s17+$0xFFFFFFF0] =	vst v6;
	v3 =	vpack.i.b32.b16 v4, v3  }
0x4b: {  	v6 =	vunpack.i.l.s16.s32 v7;
	v4 =	vld [tilespmem:s16+$0xFFFFFE50];
	[tilespmem:s17+$0xFFFFFF90] =	vst v3;
	v3 =	vpack.i.b32.b16 v8, v9;
	v8 =	vunpack.i.u.s16.s32 v7  }
0x4c: {  	v7 =	vunpack.i.l.s16.s32 v11;
	[tilespmem:s17+$0x10] =	vst v3;
	v3 =	vpack.i.b32.b16 v6, v5;
	v9 =	vunpack.i.u.s16.s32 v2;
	v6 =	vld [tilespmem:s16+$0x50]  }
0x4d: {  	v5 =	vunpack.i.l.s16.s32 v2;
	v2 =	vld [tilespmem:s16+$0xFFFFFE60];
	[tilespmem:s17+$0xFFFFFFA0] =	vst v3;
	v3 =	vpack.i.b32.b16 v8, v10;
	v10 =	vunpack.i.u.s16.s32 v11  }
0x4e: {  	s21 =	simm.s32 $0x0;
	v11 =	vpack.i.b32.b16 v7, v5;
	v7 =	vunpack.i.u.s16.s32 v12;
	v8 =	vunpack.i.l.s16.s32 v12;
	[tilespmem:s17+$0x20] =	vst v3;
	v3 =	vld [tilespmem:s16+$0x60]  }
0x4f: {  	s22 =	sadd.s32 $0x80, s16;
	s20 =	smov.u32 s17;
	s19 =	smov.u32 s17;
	v5 =	vld [tilespmem:s16+$0xFFFFFE00];
	[tilespmem:s17+$0xFFFFFFB0] =	vst v11;
	v10 =	vpack.i.b32.b16 v10, v9;
	v9 =	vunpack.i.u.s16.s32 v13;
	v11 =	vunpack.i.l.s16.s32 v13  }
.LBB1_5:
0x50: {  	v12 =	vld [tilespmem:s22+$0xFFFFFE70];
	[tilespmem:s20+$0x30] =	vst v10;
	v8 =	vpack.i.b32.b16 v11, v8;
	v10 =	vunpack.i.u.s16.s32 v4;
	v4 =	vunpack.i.l.s16.s32 v4  }
0x51: {  	s21 =	sadd.s32 $0x2, s21;
	v7 =	vpack.i.b32.b16 v9, v7;
	v11 =	vld [tilespmem:s22+$0x70];
	[tilespmem:s20+$0xFFFFFFC0] =	vst v8;
	v8 =	vunpack.i.u.s16.s32 v6;
	v6 =	vunpack.i.l.s16.s32 v6  }
0x52: {  	p0 =	slt.u32 s21, $0x6;
	v9 =	vld [tilespmem:s22+$0x0];
	[tilespmem:s20+$0x40] =	vst v7;
	v4 =	vpack.i.b32.b16 v6, v4;
	v6 =	vunpack.i.u.s16.s32 v2;
	v2 =	vunpack.i.l.s16.s32 v2  }
0x53: {  	v7 =	vld [tilespmem:s22+$0xFFFFFE10];
	[tilespmem:s20+$0xFFFFFFD0] =	vst v4;
	v4 =	vpack.i.b32.b16 v8, v10;
	v8 =	vunpack.i.u.s16.s32 v3;
	v3 =	vunpack.i.l.s16.s32 v3  }
0x54: {  	v10 =	vld [tilespmem:s22+$0x10];
	v13 =	vunpack.i.u.s16.s32 v5;
	v5 =	vunpack.i.l.s16.s32 v5;
	[tilespmem:s20+$0x50] =	vst v4;
	v2 =	vpack.i.b32.b16 v3, v2  }
0x55: {  	v3 =	vld [tilespmem:s22+$0xFFFFFE20];
	v4 =	vunpack.i.l.s16.s32 v12;
	v1 =	vpack.i.b32.b16 v1, v5;
	v5 =	vpack.i.b32.b16 v0, v13;
	[tilespmem:s20+$0xFFFFFFE0] =	vst v2  }
0x56: {  	v12 =	vunpack.i.u.s16.s32 v12;
	v2 =	vld [tilespmem:s22+$0x20];
	v13 =	vunpack.i.u.s16.s32 v11;
	v11 =	vunpack.i.l.s16.s32 v11;
	[tilespmem:s20+$0xFFFFFF80] =	vst v1  }
0x57: {  	s20 =	sadd.s32 $0x100, s20;
	v0 =	vunpack.i.u.s16.s32 v9;
	v1 =	vunpack.i.l.s16.s32 v9;
	v9 =	vld [tilespmem:s22+$0xFFFFFE30];
	v12 =	vpack.i.b32.b16 v13, v12;
	[tilespmem:s19+$0x0] =	vst v5  }
0x58: {  	v6 =	vpack.i.b32.b16 v8, v6;
	v5 =	vunpack.i.u.s16.s32 v7;
	v7 =	vunpack.i.l.s16.s32 v7;
	v13 =	vld [tilespmem:s22+$0x30];
	[tilespmem:s20+$0x70] =	vst v12  }
0x59: {  	v4 =	vpack.i.b32.b16 v11, v4;
	v8 =	vunpack.i.u.s16.s32 v10;
	v10 =	vunpack.i.l.s16.s32 v10;
	v12 =	vld [tilespmem:s22+$0xFFFFFE40];
	[tilespmem:s19+$0x60] =	vst v6;
	s19 =	smov.u32 s20  }
0x5a: {  	v6 =	vpack.i.b32.b16 v10, v7;
	v7 =	vunpack.i.u.s16.s32 v3;
	v3 =	vunpack.i.l.s16.s32 v3;
	v11 =	vld [tilespmem:s22+$0x40];
	[tilespmem:s20+$0xFFFFFFF0] =	vst v4  }
.Ltmp4:
0x5b: {  	v5 =	vpack.i.b32.b16 v8, v5;
	[tilespmem:s20+$0xFFFFFF90] =	vst v6;
	v8 =	vunpack.i.u.s16.s32 v2;
	v2 =	vunpack.i.l.s16.s32 v2;
	v4 =	vld [tilespmem:s22+$0xFFFFFE50];
	(pc) =	sbr.rel @p0 .LBB1_5-.Ltmp4, $4  }
0x5c: {  	[tilespmem:s20+$0x10] =	vst v5;
	v2 =	vpack.i.b32.b16 v2, v3;
	v10 =	vunpack.i.u.s16.s32 v9;
	v3 =	vunpack.i.l.s16.s32 v9;
	v6 =	vld [tilespmem:s22+$0x50]  }
0x5d: {  	v5 =	vpack.i.b32.b16 v8, v7;
	[tilespmem:s20+$0xFFFFFFA0] =	vst v2;
	v9 =	vunpack.i.u.s16.s32 v13;
	v7 =	vunpack.i.l.s16.s32 v13;
	v2 =	vld [tilespmem:s22+$0xFFFFFE60]  }
0x5e: {  	[tilespmem:s20+$0x20] =	vst v5;
	v13 =	vpack.i.b32.b16 v7, v3;
	v7 =	vunpack.i.u.s16.s32 v12;
	v8 =	vunpack.i.l.s16.s32 v12;
	v3 =	vld [tilespmem:s22+$0x60]  }
0x5f: {  	v10 =	vpack.i.b32.b16 v9, v10;
	v5 =	vld [tilespmem:s22+$0xFFFFFE00];
	[tilespmem:s20+$0xFFFFFFB0] =	vst v13;
	v9 =	vunpack.i.u.s16.s32 v11;
	v11 =	vunpack.i.l.s16.s32 v11;
	s22 =	sadd.s32 $0x80, s22  }
0x60: {  	[tilespmem:s20+$0x30] =	vst v10;
	v8 =	vpack.i.b32.b16 v11, v8  }
0x61: {  	v51 =	vunpack.i.l.s16.s32 v4;
	v7 =	vpack.i.b32.b16 v9, v7;
	[tilespmem:s20+$0xFFFFFFC0] =	vst v8;
	v52 =	vunpack.i.l.s16.s32 v6  }
0x62: {  	v53 =	vunpack.i.u.s16.s32 v4;
	s18 =	sadd.s32 $0x1, s18;
	v54 =	vunpack.i.u.s16.s32 v6;
	[tilespmem:s20+$0x40] =	vst v7;
	v55 =	vpack.i.b32.b16 v52, v51  }
0x63: {  	p0 =	sne.s32 s18, s15;
	v56 =	vunpack.i.l.s16.s32 v2;
	v4 =	vpack.i.b32.b16 v54, v53;
	[tilespmem:s20+$0xFFFFFFD0] =	vst v55;
	v57 =	vunpack.i.l.s16.s32 v3  }
.Ltmp5:
0x64: {  	[tilespmem:s20+$0x50] =	vst v4;
	v58 =	vunpack.i.l.s16.s32 v5;
	v59 =	vpack.i.b32.b16 v57, v56;
	(pc) =	sbr.rel @p0 .LBB1_4-.Ltmp5, $4  }
.Ltmp6:
0x65: {  	v61 =	vunpack.i.u.s16.s32 v2;
	v62 =	vunpack.i.u.s16.s32 v3;
	v1 =	vpack.i.b32.b16 v1, v58;
	[tilespmem:s20+$0xFFFFFFE0] =	vst v59;
	(pc) =	sbr.rel @!p0 .LBB1_7-.Ltmp6, $4  }
0x66: {  	v60 =	vunpack.i.u.s16.s32 v5;
	v63 =	vpack.i.b32.b16 v62, v61;
	[tilespmem:s20+$0xFFFFFF80] =	vst v1  }
0x67: {  	v0 =	vpack.i.b32.b16 v0, v60;
	[tilespmem:s19+$0x60] =	vst v63  }
0x68: {  	s16 =	sadd.s32 $0x400, s16;
	s17 =	sadd.s32 $0x400, s17;
	[tilespmem:s19+$0x0] =	vst v0  }
0x69: {  	_ = 	snop  }
.LBB1_9:
0x6a: {  	_ =	sfence.sel $0x180000  }
0x6b: {  	s2 =	simm.s32 $0x1;
	[bflag:$0x0] =	sbarrier.arrive $0xFFFF  }
0x6c: {  	s31 =	simm.s32 $0x2;
	[sflag:s2] =	ssyncpa.u1 $0x1  }
0x6d: {  	[sflag:s31] =	ssyncpa.u1 $0x1  }
0x6e: {  	p0 =	sne.s32 s1, $0x0;
	_ =	strace $0x9000004A  }
0x6f: {  	s0 =	sadd.s32 @!p0 $0x100000, s0;
	[bflag:$0x2] =	sbarrier.arrive $0xFFFF  }
0x70: {  	[sflag:s0] =	ssyncadd.tile.s32 @!p0 $0x1;
	_ =	shalt  }
.Lfunc_end1:
_tile_overlayer_lowered:
.L_overlay_start_2:
0x71: {  	(tag) =	ssettag $0x2  }
0x72: {  	s0 =	rddreg [dreg:$0x0];
	s2 =	stileid.u32  }
0x73: {  	s1 =	rddreg [dreg:$0x1];
	p0 =	sne.s32 s2, $0x0  }
0x74: {  	s3 =	rddreg [dreg:$0x2];
	[bflag:$0x3] =	sbarrier.arrive $0xFFFF;
	s2 =	simm.s32 @!p0 $0x1C01  }
0x75: {  	[timem:s3], [sflag:s2] =	dma.local @!p0 [hbm:s0], s1  }
0x76: {  	s0 =	simm.s32 @!p0 $0x1  }
0x77: {  	_ =	swait.ge @!p0 [sflag:s0], s1  }
0x78: {  	s1 =	ssub.s32 @!p0 $0x0, s1;
	[sflag:s0] =	ssyncset.done @!p0 $0x0  }
0x79: {  	[sflag:s0] =	ssyncadd.s32 @!p0 s1  }
0x7a: {  	[bflag:$0x3] =	sbarrier.arrive $0xFFFF  }
0x7b: {  	_ =	shalt  }

// kernel: sparse-core-data-format-call.4.cloned.1.call-start
scs
called_computation.4_lowered:
.L_overlay_start_0:
0x0: {  	s1 =	sld [smem:$0x3FD9]  }
0x1: {  	s2 =	sld [smem:$0x3FFE];
	_ =	sdelay $0x1  }
0x2: {  	s3 =	srdreg.scid  }
0x3: {  	s0 =	sand.u32 $0x1, s3  }
0x4: {  	s17 =	sshll.u32 s0, $0xA;
	s1 =	sadd.s32 s2, s1  }
0x5: {  	s1 =	sadd.s32 s1, s17  }
0x6: {  	[smem:$0x3FC3] =	sst s1  }
0x7: {  	_ = 	snop  }
0x8: {  	(tm) =	ssettm $0x1  }
0x9: {  	s18 =	sld [smem:$0x3FFB];
	_ =	sdelay $0x3  }
0xa: {  	_ =	strace s18  }
0xb: {  	s1 =	sld [smem:$0x3FFC];
	_ =	sdelay $0x3  }
0xc: {  	_ =	strace s1  }
0xd: {  	s1 =	sld [smem:$0x3FFD];
	_ =	sdelay $0x3  }
0xe: {  	_ =	strace s1  }
0xf: {  	_ =	strace $0x8FFFFFFF  }
0x10: {  	s19 =	sld [smem:$0x3FDB];
	_ =	sdelay $0x1  }
0x11: {  	s20 =	simm.s32 $_scs_section_size  }
0x12: {  	s4 =	simm.s32 $_size__tile_overlayer_lowered;
	s5 =	simm.s32 $_tile_overlayer_lowered  }
0x13: {  	s23 =	simm.s32 $0x1BFF;
	s22 =	sshll.u32 s5, $0x1;
	s1 =	sadd.s32 s20, s19  }
0x14: {  	s6 =	simm.s32 $0x0;
	s21 =	sshll.u32 s4, $0x1;
	s4 =	sadd.s32 s22, s1  }
0x15: {  	[timem:s6], [sflag:s23] =	dma.local [hbm:s4], s21  }
0x16: {  	_ =	swait.ge [sflag:s23], s21  }
0x17: {  	s2 =	ssub.s32 $0x0, s21;
	[sflag:s23] =	ssyncset.done $0x0  }
0x18: {  	[sflag:s23] =	ssyncadd.s32 s2;
	_ =	sdelay $0x1  }
0x19: {  	s24 =	simm.s32 $0x1B8B  }
0x1a: {  	_ =	swait.ge [sflag:s24], $0x1  }
0x1b: {  	[sflag:s24] =	ssyncset.done $0x0  }
0x1c: {  	s26 =	simm.s32 $0x1B8E;
	s25 =	sld [smem:$0x3FFE];
	[sflag:s24] =	ssyncadd.s32 $0xFFFFFFFF  }
0x1d: {  	s27 =	simm.s32 $execute0_lowered;
	[smem:$0x3FD2] =	sst s26  }
0x1e: {  	s4 =	sshll.u32 s27, $0x1;
	_ =	strace $0x80000046;
	[dreg:$0x1] =	wrdreg $0xFFFFFFFF  }
0x1f: {  	s28 =	simm.s32 $_size_execute0_lowered;
	s1 =	sadd.s32 s1, s4;
	[dreg:$0x0] =	wrdreg $0x0  }
0x20: {  	s4 =	sshll.u32 s28, $0x1;
	[dreg:$0x2] =	wrdreg s1  }
0x21: {  	[dreg:$0x3] =	wrdreg s4  }
0x22: {  	[dreg:$0x4] =	wrdreg $0xC0  }
0x23: {  	_ =	task [dreg:s6], $0x5FFFF  }
0x24: {  	[dreg:$0x1] =	wrdreg $0xFFFFFFFF  }
0x25: {  	[dreg:$0x0] =	wrdreg $0x60  }
0x26: {  	[dreg:$0x2] =	wrdreg s25  }
0x27: {  	[dreg:$0x3] =	wrdreg $0x9  }
0x28: {  	_ =	task.clear_ibuf [dreg:s6], $0x4FFFF;
	_ =	strace $0x90000046  }
0x29: {  	s29 =	simm.s32 $0x9;
	_ =	strace $0x80000048  }
0x2a: {  	_ =	swait.ge [sflag:s29], $0x1  }
0x2b: {  	[sflag:s29] =	ssyncadd.s32 $0xFFFFFFFF  }
0x2c: {  	_ =	strace $0x90000048  }
0x2d: {  	_ =	sfence  }
0x2e: {  	s30 =	sld [smem:$0x0];
	_ =	sdelay $0x2  }
0x2f: {  	s31 =	sshll.u32 s3, $0xD;
	s3 =	sshrl.u32 s3, $0x2  }
0x30: {  	s2 =	sand.u32 $0x4000, s31;
	s1 =	sadd.s32 s3, s30  }
0x31: {  	s0 =	sor.u32 s2, s0;
	s1 =	sshll.u32 s1, $0x11  }
0x32: {  	s0 =	sor.u32 s1, s0  }
0x33: {  	s0 =	sadd.s32 $0x8F2B, s0  }
0x34: {  	[sflag:s0] =	ssyncadd.remote.s32 $0x1  }
0x35: {  	_ =	sfence.sel $0xFFFF  }
0x36: {  	[dreg:$0x0] =	wrdreg $0xFFFFFFFF;
	(pc) =	sbr.abs _section_cstart, $3  }
0x37: {  	[dreg:$0x1] =	wrdreg $0xFFFFFFFF  }
0x38: {  	_ =	task.clear_ibuf [dreg:s6], $0x2FFFF;
	_ =	strace $0x9FFFFFFF  }
0x39: {  	(tm) =	ssettm $0x7FFFFFFF  }
tec
execute0_lowered:
.L_overlay_start_1:
0x0: {  	(tag) =	ssettag $0x1  }
0x1: {  	s0 =	srdreg.scid  }
0x2: {  	s5 =	rddreg [dreg:$0x0];
	s1 =	stileid.u32;
	s4 =	simm.s32 $0x1  }
0x3: {  	s6 =	simm.s32 $0x2;
	s15 =	simm.s32 $0x0;
	p0 =	por $0x0, $0x0  }
0x4: {  	s8 =	simm.s32 $0x80;
	s14 =	simm.s32 $0x0;
	s2 =	sshll.u32 s0, $0x4  }
0x5: {  	s9 =	simm.s32 $0x0;
	s10 =	simm.s32 $0x0;
	s2 =	sand.u32 $0x10, s2  }
.Ltmp0:
0x6: {  	s12 =	simm.s32 $0x0;
	s3 =	sor.u32 s1, s2;
	(pc) =	sbr.rel .LBB1_1-.Ltmp0, $4  }
0x7: {  	s0 =	rddreg [dreg:$0x1];
	_ =	strace $0x80000047;
	s3 =	sshll.u32 s3, $0x7  }
0x8: {  	s13 =	simm.s32 $0x0;
	[sflag:s4] =	ssyncpa.u1 $0x0;
	s7 =	ssub.s32 $0xF4200, s3  }
0x9: {  	s2 =	sadd.s32 $0x2600, s5;
	[sflag:s6] =	ssyncpa.u1 $0x0;
	s6 =	sshrl.u32 s7, $0xC  }
0xa: {  	s5 =	sadd.s32 $0x3D3000, s5;
	s11 =	smov.u32 s3;
	s7 =	sadd.s32 $0x2, s6  }
.LBB1_5:
0xb: {  	p1 =	slt.u32 s13, $0x2  }
0xc: {  	s17 =	smov.u32 s15;
	p2 =	sgt.s32 @!p1 s15, $0xF41C0;
	s16 =	sshra.s32 @!p1 s15, $0x1F  }
0xd: {  	p3 =	sgt.s32 @!p1 s14, $0x40;
	s18 =	sshra.s32 @!p1 s14, $0x1F;
	p2 =	por !p2, p1  }
0xe: {  	s15 =	sand.u32 @!p1 s16, s15;
	p3 =	por !p3, p1;
	s16 =	smov.u32 s14  }
0xf: {  	s14 =	sand.u32 @!p1 s18, s14;
	s17 =	simm.s32 @p2 $0xF41C0;
	s16 =	simm.s32 @p3 $0x40  }
0x10: {  	s15 =	ssub.s32 @!p1 s17, s15;
	s14 =	ssub.s32 @!p1 s16, s14  }
0x11: {  	s18 =	smov.u32 s12;
	s16 =	sadd.s32 @!p1 $0xFFF0BE40, s15;
	s17 =	sadd.s32 @!p1 $0xFFFFFFC0, s14  }
0x12: {  	s15 =	ssub.s32 @!p1 $0xF4240, s15;
	p2 =	sgt.s32 @!p1 s16, $0x7F;
	p3 =	sgt.s32 @!p1 s17, $0x3F  }
0x13: {  	s14 =	ssub.s32 @!p1 $0x80, s14;
	p2 =	por !p2, p1;
	p3 =	por !p3, p1  }
0x14: {  	s16 =	sadd.s32 $0x1000, s11;
	s15 =	simm.s32 @!p2 $0x0;
	s14 =	simm.s32 @!p3 $0x0  }
0x15: {  	p2 =	sgt.s32 s16, $0xF423F;
	s14 =	smul.u32 @!p1 s14, s15;
	s15 =	sadd.s32 $0x40, s12  }
0x16: {  	s18 =	smov.u32 @p2 s15  }
0x17: {  	s16 =	smov.u32 @p2 s3;
	p2 =	sgt.s32 s18, $0x3F  }
0x18: {  	p0 =	por !p0, !p0;
	s18 =	simm.s32 @p2 $0x0;
	p2 =	sne.s32 s13, s7  }
.Ltmp1:
0x19: {  	s17 =	simm.s32 @!p1 $0x2;
	s14 =	sshrl.u32 @!p1 s14, $0x1;
	(pc) =	sbr.rel @!p2 .LBB1_6-.Ltmp1, $4  }
0x1a: {  	s15 =	smov.u32 s9;
	s9 =	smov.u32 s11;
	s14 =	sand.u32 @!p1 $0x3FFFFFFF, s14  }
0x1b: {  	s11 =	smov.u32 s16;
	s13 =	sadd.s32 $0x1, s13;
	_ =	swait.ge @!p1 [sflag:s17], s14  }
0x1c: {  	s19 =	ssub.s32 @!p1 $0x0, s14;
	s14 =	smov.u32 s10;
	[sflag:s17] =	ssyncset.done @!p1 $0x0  }
0x1d: {  	s10 =	smov.u32 s12;
	s12 =	smov.u32 s18;
	[sflag:s17] =	ssyncadd.s32 @!p1 s19  }
.LBB1_1:
0x1e: {  	p1 =	sgt.u32 s13, s6  }
0x1f: {  	s16 =	sshrl.u32 @!p1 s12, $0x4  }
0x20: {  	s17 =	sshll.u32 @!p1 s11, $0x4;
	s16 =	smul.u32 @!p1 $0xF42800, s16  }
0x21: {  	s18 =	sshll.u32 @!p1 s12, $0x7;
	s17 =	sand.u32 @!p1 $0xFFFFF800, s17  }
0x22: {  	s16 =	sadd.s32 @!p1 s16, s17;
	s17 =	sand.u32 @!p1 $0x700, s18;
	s18 =	sshll.u32 @!p1 s11, $0x1  }
0x23: {  	s16 =	sor.u32 @!p1 s17, s16;
	s17 =	sand.u32 @!p1 $0xFE, s18  }
0x24: {  	s18 =	sand.u32 @!p1 $0x1, s12;
	s16 =	sor.u32 @!p1 s17, s16  }
0x25: {  	s17 =	sor.u32 @!p1 s18, s16  }
0x26: {  	s18 =	smulhi.u32 @!p1 $0x218D6287, s17;
	_ =	sdelay $0x1  }
0x27: {  	s16 =	smulhi.u32 @!p1 $0x218D6287, s16;
	s18 =	sshrl.u32 @!p1 s18, $0x11  }
0x28: {  	s18 =	smul.u32 @!p1 $0xF4280, s18  }
0x29: {  	s16 =	sshrl.u32 @!p1 s16, $0x11  }
0x2a: {  	s16 =	sand.u32 @!p1 $0x3F, s16;
	s17 =	ssub.s32 @!p1 s17, s18  }
0x2b: {  	s16 =	smul.u32 @!p1 $0xF428, s16;
	s18 =	sshrl.u32 @!p1 s17, $0x4  }
0x2c: {  	s19 =	sxor.u32 @!p1 $0xFFFFFFFF, s13;
	s17 =	sshll.u32 @!p1 s17, $0x11;
	s18 =	sadd.s32 @!p1 s2, s18  }
0x2d: {  	s17 =	sand.u32 @!p1 $0x1C0000, s17;
	s16 =	sadd.s32 @!p1 s16, s18;
	s18 =	sshll.u32 @!p1 s19, $0xC  }
0x2e: {  	s17 =	sor.u32 @!p1 $0x400, s17;
	s19 =	simm.s32 @!p1 $0x7A1400;
	s18 =	sand.u32 @!p1 $0x1000, s18  }
0x2f: {  	[tilespmem:s18], [sflag:$0x1] =	stream.strided.gather @!p1 [hbm4b:s16+s17], $0x1000, s19, s17, $0x38;
	[tilespmem:$0x4080] =	vst v63  }
0x30: {  	p1 =	seq.s32 s13, $0x0  }
0x31: {  	p2 =	sge.u32 @!p1 s13, s7  }
0x32: {  	p1 =	por p1, p2  }
.Ltmp2:
0x33: {  	_ = 	snop;
	(pc) =	sbr.rel @p1 .LBB1_5-.Ltmp2, $1  }
0x34: {  	_ =	sdelay $0x3  }
0x35: {  	s16 =	simm.s32 $0x1  }
0x36: {  	_ =	swait.ge [sflag:s4], $0x1000;
	s16 =	simm.s32 @!p0 $0x0  }
0x37: {  	[sflag:s4] =	ssyncset.done $0x0;
	s16 =	sshll.u32 s16, $0xC  }
0x38: {  	[sflag:s4] =	ssyncadd.s32 $0xFFFFF000;
	s16 =	sor.u32 $0x40, s16  }
0x39: {  	v0 =	vld [tilespmem:s16+$0x20]  }
0x3a: {  	v1 =	vld [tilespmem:s16+$0x30]  }
0x3b: {  	v2 =	vld [tilespmem:s16+$0xFFFFFFD0]  }
0x3c: {  	v5 =	vld [tilespmem:s16+$0x0]  }
0x3d: {  	v6 =	vld [tilespmem:s16+$0x10]  }
0x3e: {  	s17 =	sand.u32 $0x1, s13;
	v3 =	vld [tilespmem:s16+$0xFFFFFFE0]  }
0x3f: {  	s17 =	smul.u32 $0x4100, s17;
	v4 =	vld [tilespmem:s16+$0xFFFFFFF0]  }
0x40: {  	s18 =	simm.s32 $0x0;
	v1 =	vperm.xlane.i2c.b16 v1  }
0x41: {  	s19 =	sand.u32 $0x3C, s18;
	s17 =	sshrl.u32 s17, $0x2;
	v8 =	vld [tilespmem:s16+$0xFFFFFFC0];
	s20 =	sadd.s32 $0x80, s16;
	v7 =	vperm.xlane.i2c.b16 v0;
	v0 =	vperm.xlane.i2c.b16 v2  }
0x42: {  	s30 =	sand.u32 $0x40, s18;
	s31 =	sshrl.u32 s19, $0x1;
	s16 =	sor.u32 $0x2000, s17;
	v11 =	vld [tilespmem:s20+$0x30];
	v10 =	vperm.xlane.i2c.b16 v5;
	v13 =	vperm.xlane.i2c.b16 v6  }
0x43: {  	s17 =	sshrl.u32 s30, $0x1;
	s18 =	sadd.s32 s31, s16;
	v2 =	vld [tilespmem:s20+$0x20];
	v3 =	vperm.xlane.i2c.b16 v3;
	v9 =	vcombine.low v7, v1  }
0x44: {  	v12 =	vld [tilespmem:s20+$0xFFFFFFD0];
	s17 =	sadd.s32 s17, s18;
	v4 =	vperm.xlane.i2c.b16 v4;
	v14 =	vcombine.low v10, v13  }
0x45: {  	v1 =	vcombine.high v7, v1;
	v7 =	vld [tilespmem:s20+$0xFFFFFFE0];
	[tilespmem:s17+$0xC30 ss:$0x41] =	vst.msk $0xffff, v9  }
0x46: {  	v6 =	vld [tilespmem:s20+$0xFFFFFFF0];
	v5 =	vperm.xlane.i2c.b16 v8;
	v9 =	vcombine.low v3, v4;
	[tilespmem:s17+$0x820 ss:$0x41] =	vst.msk $0xffff, v14  }
0x47: {  	s18 =	simm.s32 $0x4;
	v8 =	vperm.xlane.i2c.b16 v11;
	[tilespmem:s17+$0xC31 ss:$0x41] =	vst.msk $0xffff, v1;
	v1 =	vcombine.high v3, v4;
	v4 =	vld [tilespmem:s20+$0x0]  }
0x48: {  	s19 =	simm.s32 $0x2;
	s22 =	sand.u32 $0x3C, s18;
	v10 =	vcombine.high v10, v13;
	v3 =	vld [tilespmem:s20+$0x10];
	[tilespmem:s17+$0x410 ss:$0x41] =	vst.msk $0xffff, v9;
	v9 =	vperm.xlane.i2c.b16 v2  }
0x49: {  	s21 =	sand.u32 $0x40, s18;
	s22 =	sshrl.u32 s22, $0x1;
	v11 =	vcombine.low v5, v0;
	v2 =	vld [tilespmem:s20+$0xFFFFFFC0];
	s20 =	sadd.s32 $0x80, s20;
	[tilespmem:s17+$0x411 ss:$0x41] =	vst.msk $0xffff, v1;
	v1 =	vperm.xlane.i2c.b16 v12  }
.LBB1_3:
0x4a: {  	v12 =	vld [tilespmem:s20+$0x20];
	s22 =	sadd.s32 s22, s16;
	s21 =	sshrl.u32 s21, $0x1;
	v13 =	vperm.xlane.i2c.b16 v7;
	v7 =	vcombine.low v9, v8;
	[tilespmem:s17+$0x821 ss:$0x41] =	vst.msk $0xffff, v10  }
0x4b: {  	s19 =	sadd.s32 $0x2, s19;
	v14 =	vld [tilespmem:s20+$0x30];
	s21 =	sadd.s32 s21, s22;
	v10 =	vperm.xlane.i2c.b16 v6;
	v6 =	vcombine.high v9, v8;
	[tilespmem:s17+$0x0 ss:$0x41] =	vst.msk $0xffff, v11  }
0x4c: {  	p1 =	slt.u32 s19, $0x3E;
	v11 =	vld [tilespmem:s20+$0xFFFFFFD0];
	v8 =	vperm.xlane.i2c.b16 v4;
	[tilespmem:s21+$0xC30 ss:$0x41] =	vst.msk $0xffff, v7;
	v4 =	vcombine.high v5, v0;
	v0 =	vmov v1  }
.Ltmp3:
0x4d: {  	v7 =	vld [tilespmem:s20+$0xFFFFFFE0];
	v1 =	vcombine.low v13, v10;
	v3 =	vperm.xlane.i2c.b16 v3;
	[tilespmem:s21+$0xC31 ss:$0x41] =	vst.msk $0xffff, v6;
	(pc) =	sbr.rel @p1 .LBB1_3-.Ltmp3, $4  }
0x4e: {  	v6 =	vld [tilespmem:s20+$0xFFFFFFF0];
	v5 =	vperm.xlane.i2c.b16 v2;
	v2 =	vcombine.high v13, v10;
	[tilespmem:s17+$0x1 ss:$0x41] =	vst.msk $0xffff, v4;
	s17 =	smov.u32 s21  }
0x4f: {  	s18 =	sadd.s32 $0x4, s18;
	v4 =	vld [tilespmem:s20+$0x0];
	[tilespmem:s17+$0x410 ss:$0x41] =	vst.msk $0xffff, v1;
	v13 =	vcombine.low v8, v3;
	v10 =	vcombine.high v8, v3  }
0x50: {  	s22 =	sand.u32 $0x3C, s18;
	v9 =	vperm.xlane.i2c.b16 v12;
	v3 =	vld [tilespmem:s20+$0x10];
	v8 =	vperm.xlane.i2c.b16 v14;
	[tilespmem:s17+$0x411 ss:$0x41] =	vst.msk $0xffff, v2  }
0x51: {  	s22 =	sshrl.u32 s22, $0x1;
	s21 =	sand.u32 $0x40, s18;
	v2 =	vld [tilespmem:s20+$0xFFFFFFC0];
	v1 =	vperm.xlane.i2c.b16 v11;
	s20 =	sadd.s32 $0x80, s20;
	v11 =	vcombine.low v5, v0;
	[tilespmem:s17+$0x820 ss:$0x41] =	vst.msk $0xffff, v13  }
0x52: {  	s18 =	sadd.s32 s22, s16;
	s19 =	sshll.u32 s9, $0x7;
	s20 =	sshll.u32 s10, $0x4  }
0x53: {  	s21 =	sshrl.u32 s21, $0x1;
	s24 =	sshll.u32 s10, $0x1;
	p1 =	sgt.s32 s9, $0xF41C0  }
0x54: {  	s22 =	smov.u32 s9;
	s26 =	sshra.s32 s9, $0x1F;
	s23 =	sand.u32 $0xFFFFF800, s19  }
0x55: {  	s20 =	sand.u32 $0xFFFFF800, s20;
	s19 =	sand.u32 $0x700, s19;
	s25 =	sand.u32 $0x80, s24  }
0x56: {  	s18 =	sadd.s32 s21, s18;
	s22 =	simm.s32 @!p1 $0xF41C0;
	p1 =	sgt.s32 s10, $0x40  }
0x57: {  	s21 =	smov.u32 s10;
	s20 =	sadd.s32 s20, s23;
	s23 =	sshra.s32 s10, $0x1F  }
0x58: {  	s21 =	simm.s32 @!p1 $0x40;
	s19 =	sor.u32 s19, s20;
	s20 =	sand.u32 s26, s9  }
0x59: {  	v7 =	vperm.xlane.i2c.b16 v7;
	[tilespmem:s17+$0x821 ss:$0x41] =	vst.msk $0xffff, v10;
	v0 =	vcombine.high v5, v0;
	s23 =	sand.u32 s23, s10;
	s19 =	sor.u32 s25, s19;
	s20 =	ssub.s32 s22, s20  }
0x5a: {  	v57 =	vcombine.low v9, v8;
	v6 =	vperm.xlane.i2c.b16 v6;
	[tilespmem:s17+$0x0 ss:$0x41] =	vst.msk $0xffff, v11;
	s21 =	ssub.s32 s21, s23;
	s19 =	sshrl.u32 s19, $0x7;
	s22 =	sadd.s32 $0xFFF0BE40, s20  }
0x5b: {  	v58 =	vcombine.high v9, v8;
	v4 =	vperm.xlane.i2c.b16 v4;
	[tilespmem:s17+$0x1 ss:$0x41] =	vst.msk $0xffff, v0;
	s23 =	sadd.s32 $0xFFFFFFC0, s21;
	s20 =	ssub.s32 $0xF4240, s20;
	s21 =	ssub.s32 $0x80, s21  }
0x5c: {  	[tilespmem:s18+$0xC30 ss:$0x41] =	vst.msk $0xffff, v57;
	v59 =	vcombine.low v7, v6;
	v3 =	vperm.xlane.i2c.b16 v3;
	s27 =	smulhi.u32 $0x218DEF5, s19;
	p1 =	sgt.s32 s22, $0x7F;
	p2 =	sgt.s32 s23, $0x3F  }
0x5d: {  	[tilespmem:s18+$0xC31 ss:$0x41] =	vst.msk $0xffff, v58;
	v60 =	vcombine.high v7, v6;
	s20 =	simm.s32 @p1 $0x0;
	s21 =	simm.s32 @p2 $0x0  }
0x5e: {  	v2 =	vperm.xlane.i2c.b16 v2;
	[tilespmem:s18+$0x410 ss:$0x41] =	vst.msk $0xffff, v59;
	v61 =	vcombine.low v4, v3;
	s17 =	sshrl.u32 s27, $0xD;
	s20 =	smul.u32 s21, s20  }
0x5f: {  	v3 =	vcombine.high v4, v3;
	[tilespmem:s18+$0x411 ss:$0x41] =	vst.msk $0xffff, v60;
	s17 =	smul.u32 $0xF4240, s17  }
.Ltmp4:
0x60: {  	s28 =	sshrl.u32 s10, $0x3;
	s29 =	sand.u32 $0x7, s10;
	v62 =	vcombine.low v2, v1;
	[tilespmem:s18+$0x820 ss:$0x41] =	vst.msk $0xffff, v61;
	(pc) =	sbr.rel .LBB1_5-.Ltmp4, $4  }
0x61: {  	v63 =	vcombine.high v2, v1;
	[tilespmem:s18+$0x821 ss:$0x41] =	vst.msk $0xffff, v3;
	s21 =	sshll.u32 s29, $0x12;
	s17 =	ssub.s32 s19, s17;
	s19 =	sand.u32 $0x7, s28  }
0x62: {  	[tilespmem:s18+$0x0 ss:$0x41] =	vst.msk $0xffff, v62;
	s20 =	sshrl.u32 s20, $0x1;
	s17 =	sshll.u32 s17, $0x3;
	s19 =	sadd.s32 s5, s19  }
0x63: {  	[tilespmem:s18+$0x1 ss:$0x41] =	vst.msk $0xffff, v63;
	s31 =	sor.u32 $0x40, s21;
	s30 =	sand.u32 $0x3FFFFFFF, s20;
	s17 =	sadd.s32 s17, s19  }
0x64: {  	[hbm4b:s17+s31] =	stream.strided.scatter [tilespmem:s16], [sflag:$0x2], s30, s8, s31, $0x18;
	[tilespmem:$0x4080] =	vst v63  }
.LBB1_6:
0x65: {  	_ =	sfence.sel $0x180000  }
0x66: {  	s2 =	simm.s32 $0x1;
	[bflag:$0x0] =	sbarrier.arrive $0xFFFF  }
0x67: {  	s31 =	simm.s32 $0x2;
	[sflag:s2] =	ssyncpa.u1 $0x1  }
0x68: {  	[sflag:s31] =	ssyncpa.u1 $0x1  }
0x69: {  	p0 =	sne.s32 s1, $0x0;
	_ =	strace $0x90000047  }
0x6a: {  	s0 =	sadd.s32 @!p0 $0x100000, s0;
	[bflag:$0x2] =	sbarrier.arrive $0xFFFF  }
0x6b: {  	[sflag:s0] =	ssyncadd.tile.s32 @!p0 $0x1;
	_ =	shalt  }
.Lfunc_end1:
_tile_overlayer_lowered:
.L_overlay_start_2:
0x6c: {  	(tag) =	ssettag $0x2  }
0x6d: {  	s0 =	rddreg [dreg:$0x0];
	s2 =	stileid.u32  }
0x6e: {  	s1 =	rddreg [dreg:$0x1];
	p0 =	sne.s32 s2, $0x0  }
0x6f: {  	s3 =	rddreg [dreg:$0x2];
	[bflag:$0x3] =	sbarrier.arrive $0xFFFF;
	s2 =	simm.s32 @!p0 $0x1C01  }
0x70: {  	[timem:s3], [sflag:s2] =	dma.local @!p0 [hbm:s0], s1  }
0x71: {  	s0 =	simm.s32 @!p0 $0x1  }
0x72: {  	_ =	swait.ge @!p0 [sflag:s0], s1  }
0x73: {  	s1 =	ssub.s32 @!p0 $0x0, s1;
	[sflag:s0] =	ssyncset.done @!p0 $0x0  }
0x74: {  	[sflag:s0] =	ssyncadd.s32 @!p0 s1  }
0x75: {  	[bflag:$0x3] =	sbarrier.arrive $0xFFFF  }
0x76: {  	_ =	shalt  }

// kernel: sparse-core-data-format-call.cloned.1.call-start
scs
called_computation_lowered:
.L_overlay_start_0:
0x0: {  	s2 =	sld [smem:$0x3FD9]  }
0x1: {  	s3 =	sld [smem:$0x3FFE];
	_ =	sdelay $0x1  }
0x2: {  	s1 =	srdreg.scid  }
0x3: {  	s0 =	sand.u32 $0x1, s1  }
0x4: {  	s16 =	sshll.u32 s0, $0xA;
	s2 =	sadd.s32 s3, s2  }
0x5: {  	s2 =	sadd.s32 s2, s16  }
0x6: {  	[smem:$0x3FC3] =	sst s2  }
0x7: {  	_ = 	snop  }
0x8: {  	s2 =	sld [smem:$0x3FD0];
	_ =	sdelay $0x2  }
0x9: {  	s17 =	simm.s32 $0xB;
	s4 =	simm.s32 $0x10  }
0xa: {  	[smem:s4], [sflag:s17] =	dma.local [hbm:s2], $0x1  }
0xb: {  	_ =	swait.eq [sflag:s17], $0x1  }
0xc: {  	[sflag:s17] =	ssyncset.done $0x0  }
0xd: {  	[sflag:s17] =	ssyncadd.s32 $0xFFFFFFFF  }
0xe: {  	s18 =	sld [smem:$0x13];
	(tm) =	ssettm $0x1  }
0xf: {  	s19 =	sld [smem:$0x3FFB];
	_ =	sdelay $0x3  }
0x10: {  	_ =	strace s19  }
0x11: {  	s2 =	sld [smem:$0x3FFC];
	_ =	sdelay $0x3  }
0x12: {  	_ =	strace s2  }
0x13: {  	s2 =	sld [smem:$0x3FFD];
	_ =	sdelay $0x3  }
0x14: {  	_ =	strace s2  }
0x15: {  	_ =	strace $0x8FFFFFFF  }
0x16: {  	s20 =	sld [smem:$0x3FDB];
	_ =	sdelay $0x1  }
0x17: {  	s21 =	simm.s32 $_scs_section_size  }
0x18: {  	s5 =	simm.s32 $_size__tile_overlayer_lowered;
	s6 =	simm.s32 $_tile_overlayer_lowered  }
0x19: {  	s7 =	simm.s32 $0x1BFF;
	s22 =	sshll.u32 s6, $0x1;
	s4 =	sadd.s32 s21, s20  }
0x1a: {  	s23 =	simm.s32 $0x0;
	s5 =	sshll.u32 s5, $0x1;
	s6 =	sadd.s32 s22, s4  }
0x1b: {  	[timem:s23], [sflag:s7] =	dma.local [hbm:s6], s5  }
0x1c: {  	_ =	swait.ge [sflag:s7], s5  }
0x1d: {  	s5 =	ssub.s32 $0x0, s5;
	[sflag:s7] =	ssyncset.done $0x0  }
0x1e: {  	[sflag:s7] =	ssyncadd.s32 s5;
	_ =	sdelay $0x1  }
0x1f: {  	s24 =	simm.s32 $0x1B8B  }
0x20: {  	_ =	swait.ge [sflag:s24], $0x1  }
0x21: {  	[sflag:s24] =	ssyncset.done $0x0  }
0x22: {  	[sflag:s24] =	ssyncadd.s32 $0xFFFFFFFF  }
0x23: {  	s5 =	sld [smem:$0x0]  }
0x24: {  	s6 =	sand.u32 $0xFFFFFFFE, s1  }
0x25: {  	p0 =	sne.s32 s1, s6  }
0x26: {  	s6 =	sshll.u32 @p0 s6, $0xE  }
0x27: {  	s6 =	sadd.s32 @p0 $0x11B8D, s6;
	s7 =	sshll.u32 @p0 s5, $0x11  }
0x28: {  	s6 =	sor.u32 @p0 s7, s6  }
0x29: {  	[sflag:s6] =	ssyncadd.remote.s32 @p0 $0x1;
	_ =	sdelay $0x1  }
0x2a: {  	s6 =	simm.s32 @p0 $0x1B8D  }
0x2b: {  	_ =	swait.eq @p0 [sflag:s6], $0x1  }
0x2c: {  	[sflag:s6] =	ssyncadd.s32 @p0 $0xFFFFFFFF  }
0x2d: {  	s7 =	sshll.u32 @!p0 s1, $0xE  }
0x2e: {  	s7 =	sor.u32 @!p0 $0x4000, s7;
	s6 =	simm.s32 @!p0 $0x1B8D  }
0x2f: {  	s5 =	sshll.u32 @!p0 s5, $0x11;
	s7 =	sadd.s32 @!p0 $0x11B8D, s7;
	_ =	swait.eq @!p0 [sflag:s6], $0x1  }
0x30: {  	s5 =	sor.u32 @!p0 s5, s7;
	[sflag:s6] =	ssyncadd.s32 @!p0 $0xFFFFFFFF  }
0x31: {  	s26 =	simm.s32 $0x1B8E;
	s25 =	sld [smem:$0x3FFE];
	[sflag:s5] =	ssyncadd.remote.s32 @!p0 $0x1  }
0x32: {  	s27 =	simm.s32 $execute0_lowered;
	[smem:$0x3FD2] =	sst s26  }
0x33: {  	s6 =	sshll.u32 s27, $0x1;
	_ =	strace $0x80000055;
	[dreg:$0x1] =	wrdreg $0xFFFFFFFF  }
0x34: {  	s28 =	simm.s32 $_size_execute0_lowered;
	s4 =	sadd.s32 s4, s6;
	[dreg:$0x0] =	wrdreg $0x0  }
0x35: {  	s6 =	sshll.u32 s28, $0x1;
	[dreg:$0x2] =	wrdreg s4  }
0x36: {  	[dreg:$0x3] =	wrdreg s6  }
0x37: {  	[dreg:$0x4] =	wrdreg $0xC0  }
0x38: {  	_ =	task [dreg:s23], $0x5FFFF  }
0x39: {  	[dreg:$0x1] =	wrdreg $0xFFFFFFFF  }
0x3a: {  	[dreg:$0x0] =	wrdreg $0x60  }
0x3b: {  	[dreg:$0x2] =	wrdreg s25  }
0x3c: {  	[dreg:$0x3] =	wrdreg s18  }
0x3d: {  	[dreg:$0x4] =	wrdreg $0xA  }
0x3e: {  	_ =	task.clear_ibuf [dreg:s23], $0x5FFFF;
	_ =	strace $0x90000055  }
0x3f: {  	s29 =	simm.s32 $0xA;
	_ =	strace $0x80000057  }
0x40: {  	_ =	swait.ge [sflag:s29], $0x1  }
0x41: {  	[sflag:s29] =	ssyncadd.s32 $0xFFFFFFFF  }
0x42: {  	_ =	strace $0x90000057  }
0x43: {  	_ =	sfence  }
0x44: {  	s30 =	sld [smem:$0x0];
	_ =	sdelay $0x2  }
0x45: {  	s31 =	sshll.u32 s1, $0xD;
	s1 =	sshrl.u32 s1, $0x2  }
0x46: {  	s4 =	sand.u32 $0x4000, s31;
	s1 =	sadd.s32 s1, s30  }
0x47: {  	s0 =	sor.u32 s4, s0;
	s1 =	sshll.u32 s1, $0x11  }
0x48: {  	s0 =	sor.u32 s1, s0  }
0x49: {  	s0 =	sadd.s32 $0x8F2B, s0  }
0x4a: {  	[sflag:s0] =	ssyncadd.remote.s32 $0x1  }
0x4b: {  	_ =	sfence.sel $0xFFFF  }
0x4c: {  	[dreg:$0x0] =	wrdreg $0xFFFFFFFF;
	(pc) =	sbr.abs _section_cstart, $3  }
0x4d: {  	[dreg:$0x1] =	wrdreg $0xFFFFFFFF  }
0x4e: {  	_ =	task.clear_ibuf [dreg:s23], $0x2FFFF;
	_ =	strace $0x9FFFFFFF  }
0x4f: {  	(tm) =	ssettm $0x7FFFFFFF  }
tec
execute0_lowered:
.L_overlay_start_1:
0x0: {  	(tag) =	ssettag $0x1  }
0x1: {  	s1 =	rddreg [dreg:$0x0]  }
0x2: {  	s2 =	rddreg [dreg:$0x1]  }
0x3: {  	s0 =	rddreg [dreg:$0x2];
	s3 =	srdreg.scid;
	_ =	strace $0x80000056  }
0x4: {  	s5 =	simm.s32 $0x1;
	s8 =	simm.s32 $0x2;
	s20 =	simm.s32 $0x0  }
0x5: {  	p0 =	por $0x0, $0x0;
	s18 =	simm.s32 $0x0;
	s19 =	simm.s32 $0x0  }
0x6: {  	s21 =	simm.s32 $0x0;
	s9 =	simm.s32 $0x0;
	s10 =	simm.s32 $0x0  }
0x7: {  	s12 =	simm.s32 $0x0;
	s13 =	simm.s32 $0x0;
	s14 =	simm.s32 $0x0  }
0x8: {  	s15 =	simm.s32 $0x0;
	s17 =	stileid.u32;
	s3 =	sand.u32 $0x1, s3  }
.Ltmp0:
0x9: {  	s11 =	simm.s32 $0x0;
	s6 =	ssub.s32 $0x4, s3;
	(pc) =	sbr.rel .LBB1_1-.Ltmp0, $4  }
0xa: {  	s4 =	sadd.s32 $0x2600, s1;
	s1 =	stileid.u32;
	s7 =	sshrl.u32 s6, $0x1  }
0xb: {  	[sflag:s5] =	ssyncpa.u1 $0x0;
	s6 =	ssub.s32 s6, s7;
	s7 =	sadd.s32 s3, s7  }
0xc: {  	[sflag:s8] =	ssyncpa.u1 $0x0;
	s8 =	simm.s32 $0x10000;
	s7 =	sshll.u32 s7, $0x4  }
0xd: {  	s16 =	smov.u32 s3;
	s6 =	sshll.u32 s6, $0x4;
	s7 =	ssub.s32 $0x42, s7  }
.LBB1_4:
0xe: {  	p1 =	sgt.s32 s13, $0xF;
	s27 =	smov.u32 s13;
	[tilespmem:s24+$0x2040 ss:$0x81] =	vst.msk $0xffff, v4  }
0xf: {  	s26 =	sshra.s32 s26, $0x2;
	s28 =	sshra.s32 s13, $0x1F;
	s29 =	smov.u32 s12;
	[tilespmem:s24+$0x2850 ss:$0x81] =	vst.msk $0xffff, v3  }
0x10: {  	s30 =	sshra.s32 s12, $0x1F;
	p2 =	sgt.s32 s9, $0x48;
	p4 =	sgt.s32 s10, $0x380;
	[tilespmem:s24+$0x3060 ss:$0x81] =	vst.msk $0xffff, v2  }
0x11: {  	[tilespmem:s24+$0x0 ss:$0x81] =	vst.msk $0xffff, v0;
	s24 =	sand.u32 $0x78, s10;
	s27 =	simm.s32 @!p1 $0xF;
	s28 =	sand.u32 s28, s13  }
0x12: {  	p1 =	sgt.s32 s12, $0x3;
	s30 =	sand.u32 s30, s12;
	s25 =	sadd.s32 s26, s25  }
0x13: {  	s26 =	smov.u32 s10;
	s27 =	ssub.s32 s27, s28;
	s29 =	simm.s32 @!p1 $0x3  }
0x14: {  	s26 =	simm.s32 @!p4 $0x380;
	s31 =	sadd.s32 $0xFFFFFFF1, s27;
	s28 =	ssub.s32 s29, s30  }
0x15: {  	s29 =	smov.u32 s9;
	s27 =	ssub.s32 $0x10, s27;
	p3 =	sgt.s32 s31, $0x0  }
0x16: {  	s30 =	sadd.s32 $0xFFFFFFFD, s28;
	s31 =	sshra.s32 s10, $0x1F;
	s29 =	simm.s32 @!p2 $0x48  }
0x17: {  	p1 =	sgt.s32 s30, $0x0;
	s30 =	sand.u32 s31, s10;
	s31 =	sshra.s32 s9, $0x1F  }
0x18: {  	v5 =	vld [tilespmem:s23+$0xFFFFFFD0];
	s28 =	ssub.s32 $0x4, s28;
	s26 =	ssub.s32 s26, s30;
	s30 =	sand.u32 s31, s9  }
0x19: {  	v58 =	vld [tilespmem:s23+$0xFFFFFFE0];
	s27 =	simm.s32 @p3 $0x0;
	s28 =	simm.s32 @p1 $0x0;
	s29 =	ssub.s32 s29, s30  }
0x1a: {  	v59 =	vld [tilespmem:s23+$0xFFFFFFF0];
	s31 =	sadd.s32 $0xFFFFFC80, s26;
	s26 =	ssub.s32 $0x400, s26;
	s27 =	smul.u32 s27, s28  }
0x1b: {  	v60 =	vld [tilespmem:s23+$0x0];
	s30 =	sshll.u32 s12, $0x7;
	p1 =	sgt.s32 s31, $0x7F;
	s31 =	sadd.s32 $0xFFFFFFB8, s29  }
0x1c: {  	v61 =	vld [tilespmem:s23+$0x10];
	[tilespmem:s25+$0x3870 ss:$0x81] =	vst.msk $0xffff, v1;
	s28 =	sand.u32 $0x180, s30;
	s29 =	ssub.s32 $0xC8, s29;
	s30 =	sshll.u32 s13, $0x9  }
0x1d: {  	v62 =	vld [tilespmem:s23+$0x20];
	[tilespmem:s25+$0x810 ss:$0x81] =	vst.msk $0xffff, v5;
	s26 =	simm.s32 @p1 $0x0;
	p1 =	sgt.s32 s31, $0x7F;
	s31 =	sshll.u32 s10, $0x2  }
0x1e: {  	v63 =	vld [tilespmem:s23+$0xFFFFFFC0];
	[tilespmem:s25+$0x1020 ss:$0x81] =	vst.msk $0xffff, v58;
	s24 =	sor.u32 s28, s24;
	s26 =	smul.u32 s26, s27;
	s27 =	sand.u32 $0x200, s31  }
0x1f: {  	[tilespmem:s25+$0x1830 ss:$0x81] =	vst.msk $0xffff, v59;
	s29 =	simm.s32 @p1 $0x0;
	s31 =	sshll.u32 s9, $0xD;
	s23 =	sor.u32 s27, s24  }
0x20: {  	[tilespmem:s25+$0x2040 ss:$0x81] =	vst.msk $0xffff, v60;
	s24 =	smul.u32 s29, s26;
	s29 =	sshrl.u32 s10, $0x1;
	s26 =	sadd.s32 s2, s30  }
0x21: {  	[tilespmem:s25+$0x2850 ss:$0x81] =	vst.msk $0xffff, v61;
	s30 =	sand.u32 $0x7, s10;
	s28 =	sand.u32 $0x180, s29;
	s26 =	sadd.s32 s31, s26  }
0x22: {  	[tilespmem:s25+$0x3060 ss:$0x81] =	vst.msk $0xffff, v62;
	s23 =	sshrl.u32 s23, $0x3;
	s27 =	sshll.u32 s30, $0x12;
	s26 =	sadd.s32 s28, s26  }
0x23: {  	[tilespmem:s25+$0x0 ss:$0x81] =	vst.msk $0xffff, v63;
	s24 =	sand.u32 $0x3FFFFFFF, s24;
	s31 =	sor.u32 $0x80, s27;
	s23 =	sadd.s32 s23, s26  }
0x24: {  	[hbm4b:s23+s31] =	stream.strided.scatter [tilespmem:s22], [sflag:$0x2], s24, s8, s31, $0x20;
	[tilespmem:$0x10100] =	vst v63  }
.LBB1_5:
0x25: {  	p1 =	slt.u32 s11, $0x2;
	s23 =	smov.u32 s20  }
0x26: {  	s25 =	smov.u32 s17;
	s11 =	sadd.s32 $0x1, s11;
	p0 =	por !p0, !p0  }
0x27: {  	p2 =	sgt.s32 @!p1 s20, $0x48;
	s22 =	sshra.s32 @!p1 s20, $0x1F;
	p3 =	sgt.s32 @!p1 s21, $0xF  }
0x28: {  	s24 =	sshra.s32 @!p1 s21, $0x1F;
	p4 =	sgt.s32 @!p1 s19, $0x3;
	p5 =	sgt.s32 @!p1 s18, $0x380  }
0x29: {  	p2 =	por !p2, p1;
	s20 =	sand.u32 @!p1 s22, s20;
	p3 =	por !p3, p1  }
0x2a: {  	s22 =	smov.u32 s21;
	s21 =	sand.u32 @!p1 s24, s21;
	s23 =	simm.s32 @p2 $0x48  }
0x2b: {  	p4 =	por !p4, p1;
	s22 =	simm.s32 @p3 $0xF;
	s20 =	ssub.s32 @!p1 s23, s20  }
0x2c: {  	p5 =	por !p5, p1;
	s21 =	ssub.s32 @!p1 s22, s21;
	s22 =	sadd.s32 @!p1 $0xFFFFFFB8, s20  }
0x2d: {  	s23 =	sadd.s32 @!p1 $0xFFFFFFF1, s21;
	s20 =	ssub.s32 @!p1 $0xC8, s20;
	s21 =	ssub.s32 @!p1 $0x10, s21  }
0x2e: {  	p2 =	sgt.s32 @!p1 s22, $0x7F;
	p3 =	sgt.s32 @!p1 s23, $0x0;
	s22 =	sshra.s32 @!p1 s19, $0x1F  }
0x2f: {  	s23 =	smov.u32 s19;
	s19 =	sand.u32 @!p1 s22, s19;
	s22 =	smov.u32 s18  }
0x30: {  	s23 =	simm.s32 @p4 $0x3;
	p3 =	por !p3, p1;
	p2 =	por !p2, p1  }
0x31: {  	s22 =	simm.s32 @p5 $0x380;
	s19 =	ssub.s32 @!p1 s23, s19;
	s23 =	sshra.s32 @!p1 s18, $0x1F  }
0x32: {  	s21 =	simm.s32 @!p3 $0x0;
	s18 =	sand.u32 @!p1 s23, s18;
	s23 =	sadd.s32 @!p1 $0xFFFFFFFD, s19  }
0x33: {  	s19 =	ssub.s32 @!p1 $0x4, s19;
	p3 =	sgt.s32 @!p1 s23, $0x0;
	s18 =	ssub.s32 @!p1 s22, s18  }
0x34: {  	s23 =	smov.u32 s15;
	p3 =	por !p3, p1;
	s22 =	sadd.s32 @!p1 $0xFFFFFC80, s18  }
0x35: {  	s18 =	ssub.s32 @!p1 $0x400, s18;
	s19 =	simm.s32 @!p3 $0x0;
	p3 =	sgt.s32 @!p1 s22, $0x7F  }
0x36: {  	s22 =	sadd.s32 $0x80, s14;
	p3 =	por !p3, p1;
	s19 =	smul.u32 @!p1 s21, s19  }
0x37: {  	s21 =	sadd.s32 $0x80, s15;
	s18 =	simm.s32 @!p3 $0x0;
	p3 =	sgt.s32 s22, $0xC7  }
0x38: {  	s24 =	smov.u32 s16;
	s20 =	simm.s32 @!p2 $0x0;
	s23 =	smov.u32 @p3 s21  }
0x39: {  	s18 =	smul.u32 @!p1 s18, s19;
	s19 =	sadd.s32 $0x2, s16;
	p2 =	sgt.s32 s23, $0x3FF  }
0x3a: {  	s26 =	simm.s32 @!p1 $0x2;
	s22 =	simm.s32 @p3 $0x0;
	s24 =	smov.u32 @p2 s19  }
0x3b: {  	s21 =	smov.u32 s13;
	s19 =	sadd.s32 $0x10, s17;
	p3 =	sgt.s32 s24, $0x3  }
0x3c: {  	s13 =	smov.u32 s17;
	s18 =	smul.u32 @!p1 s20, s18;
	s25 =	smov.u32 @p3 s19  }
0x3d: {  	s23 =	simm.s32 @p2 $0x0;
	s20 =	smov.u32 s9;
	p2 =	sgt.s32 s25, $0xF  }
0x3e: {  	s9 =	smov.u32 s14;
	s25 =	smov.u32 @p2 s1;
	p2 =	sne.s32 s11, s7  }
.Ltmp1:
0x3f: {  	s14 =	smov.u32 s22;
	s18 =	sand.u32 @!p1 $0x3FFFFFFF, s18;
	(pc) =	sbr.rel @!p2 .LBB1_6-.Ltmp1, $4  }
0x40: {  	s24 =	smov.u32 @p3 s3;
	s19 =	smov.u32 s12;
	s12 =	smov.u32 s16  }
0x41: {  	_ =	swait.ge @!p1 [sflag:s26], s18;
	s27 =	ssub.s32 @!p1 $0x0, s18;
	s18 =	smov.u32 s10  }
0x42: {  	s10 =	smov.u32 s15;
	s15 =	smov.u32 s23;
	[sflag:s26] =	ssyncset.done @!p1 $0x0  }
0x43: {  	s16 =	smov.u32 s24;
	[sflag:s26] =	ssyncadd.s32 @!p1 s27;
	s17 =	smov.u32 s25  }
.LBB1_1:
0x44: {  	p1 =	sge.u32 s11, s6;
	s31 =	sadd.s32 $0xFFFFFFFF, s11  }
0x45: {  	s22 =	sxor.u32 @!p1 $0xFFFFFFFF, s11;
	s23 =	sand.u32 @!p1 $0x78, s14;
	s24 =	sshll.u32 @!p1 s15, $0x8  }
0x46: {  	s25 =	sshll.u32 @!p1 s14, $0x3;
	s26 =	sshll.u32 @!p1 s15, $0x7;
	s22 =	sshll.u32 @!p1 s22, $0xE  }
0x47: {  	s24 =	sand.u32 @!p1 $0x3F800, s24;
	s25 =	sand.u32 @!p1 $0x3FC00, s25;
	s22 =	sand.u32 @!p1 $0x4000, s22  }
0x48: {  	s24 =	sadd.s32 @!p1 s24, s25;
	s25 =	sand.u32 @!p1 $0x300, s26;
	s26 =	sand.u32 @!p1 $0x80, s26  }
0x49: {  	s24 =	sor.u32 @!p1 s25, s24;
	s23 =	sor.u32 @!p1 s23, s26;
	s25 =	sshll.u32 @!p1 s17, $0x11  }
0x4a: {  	s26 =	sshll.u32 @!p1 s16, $0xF;
	s24 =	sshrl.u32 @!p1 s24, $0x3;
	s25 =	sadd.s32 @!p1 s4, s25  }
0x4b: {  	s23 =	sshrl.u32 @!p1 s23, $0x3;
	s25 =	sadd.s32 @!p1 s26, s25;
	s26 =	sand.u32 @!p1 $0x7, s14  }
0x4c: {  	s24 =	sand.u32 @!p1 $0x7FE0, s24;
	s23 =	sadd.s32 @!p1 s23, s25;
	s25 =	sshll.u32 @!p1 s26, $0x12  }
0x4d: {  	s23 =	sadd.s32 @!p1 s24, s23;
	s24 =	sor.u32 @!p1 $0x400, s25;
	s25 =	simm.s32 @!p1 $0x800  }
0x4e: {  	[tilespmem:s22], [sflag:$0x1] =	stream.strided.gather @!p1 [hbm4b:s23+s24], $0x4000, s25, s24, $0x38;
	[tilespmem:$0x10100] =	vst v63  }
0x4f: {  	p1 =	sge.u32 s31, s6  }
.Ltmp2:
0x50: {  	_ = 	snop;
	(pc) =	sbr.rel @p1 .LBB1_5-.Ltmp2, $1  }
0x51: {  	_ =	sdelay $0x3  }
0x52: {  	s22 =	simm.s32 $0x1  }
0x53: {  	_ =	swait.ge [sflag:s5], $0x4000;
	s22 =	simm.s32 @!p0 $0x0  }
0x54: {  	[sflag:s5] =	ssyncset.done $0x0;
	s23 =	sshll.u32 s22, $0xE  }
0x55: {  	[sflag:s5] =	ssyncadd.s32 $0xFFFFC000;
	s23 =	sor.u32 $0x40, s23  }
0x56: {  	s22 =	smul.u32 $0x10200, s22;
	v0 =	vld [tilespmem:s23+$0x30]  }
0x57: {  	v1 =	vld [tilespmem:s23+$0xFFFFFFD0]  }
0x58: {  	s22 =	sshrl.u32 s22, $0x2;
	v5 =	vld [tilespmem:s23+$0xFFFFFFE0]  }
0x59: {  	v6 =	vld [tilespmem:s23+$0xFFFFFFF0];
	s25 =	sor.u32 $0x8000, s22  }
0x5a: {  	s31 =	sand.u32 $0x1, s11;
	v4 =	vld [tilespmem:s23+$0x0];
	s24 =	sadd.s32 $0x0, s25  }
0x5b: {  	v3 =	vld [tilespmem:s23+$0x10];
	s22 =	smul.u32 $0x10200, s31;
	[tilespmem:s24+$0x3870 ss:$0x81] =	vst.msk $0xffff, v0  }
0x5c: {  	v2 =	vld [tilespmem:s23+$0x20];
	[tilespmem:s24+$0x810 ss:$0x81] =	vst.msk $0xffff, v1  }
0x5d: {  	s22 =	sshrl.u32 s22, $0x2;
	v0 =	vld [tilespmem:s23+$0xFFFFFFC0];
	[tilespmem:s24+$0x1020 ss:$0x81] =	vst.msk $0xffff, v5;
	s23 =	sadd.s32 $0x80, s23  }
0x5e: {  	s26 =	simm.s32 $0x4;
	s27 =	simm.s32 $0x8;
	s22 =	sor.u32 $0x8000, s22;
	[tilespmem:s24+$0x1830 ss:$0x81] =	vst.msk $0xffff, v6;
	v1 =	vld [tilespmem:s23+$0x30]  }
.LBB1_3:
0x5f: {  	p1 =	sne.s32 s27, $0x1FC;
	v5 =	vld [tilespmem:s23+$0xFFFFFFD0];
	[tilespmem:s24+$0x2040 ss:$0x81] =	vst.msk $0xffff, v4  }
0x60: {  	v6 =	vld [tilespmem:s23+$0xFFFFFFE0];
	[tilespmem:s24+$0x2850 ss:$0x81] =	vst.msk $0xffff, v3  }
0x61: {  	s28 =	sshra.s32 s26, $0x2;
	s26 =	smov.u32 s27;
	v7 =	vld [tilespmem:s23+$0xFFFFFFF0];
	[tilespmem:s24+$0x3060 ss:$0x81] =	vst.msk $0xffff, v2  }
.Ltmp3:
0x62: {  	v4 =	vld [tilespmem:s23+$0x0];
	[tilespmem:s24+$0x0 ss:$0x81] =	vst.msk $0xffff, v0;
	s24 =	sadd.s32 s28, s25;
	(pc) =	sbr.rel @p1 .LBB1_3-.Ltmp3, $4  }
0x63: {  	v3 =	vld [tilespmem:s23+$0x10];
	[tilespmem:s24+$0x3870 ss:$0x81] =	vst.msk $0xffff, v1  }
0x64: {  	[tilespmem:s24+$0x810 ss:$0x81] =	vst.msk $0xffff, v5;
	v2 =	vld [tilespmem:s23+$0x20]  }
0x65: {  	v0 =	vld [tilespmem:s23+$0xFFFFFFC0];
	[tilespmem:s24+$0x1020 ss:$0x81] =	vst.msk $0xffff, v6;
	s23 =	sadd.s32 $0x80, s23  }
0x66: {  	s27 =	sadd.s32 $0x4, s27;
	v1 =	vld [tilespmem:s23+$0x30];
	[tilespmem:s24+$0x1830 ss:$0x81] =	vst.msk $0xffff, v7  }
.Ltmp4:
0x67: {  	_ = 	snop;
	(pc) =	sbr.rel .LBB1_4-.Ltmp4, $1  }
0x68: {  	_ =	sdelay $0x3  }
.LBB1_6:
0x69: {  	_ =	sfence.sel $0x180000  }
0x6a: {  	s2 =	simm.s32 $0x1;
	[bflag:$0x0] =	sbarrier.arrive $0xFFFF  }
0x6b: {  	s31 =	simm.s32 $0x2;
	[sflag:s2] =	ssyncpa.u1 $0x1  }
0x6c: {  	[sflag:s31] =	ssyncpa.u1 $0x1  }
0x6d: {  	p0 =	sne.s32 s1, $0x0;
	_ =	strace $0x90000056  }
0x6e: {  	s0 =	sadd.s32 @!p0 $0x100000, s0;
	[bflag:$0x2] =	sbarrier.arrive $0xFFFF  }
0x6f: {  	[sflag:s0] =	ssyncadd.tile.s32 @!p0 $0x1;
	_ =	shalt  }
.Lfunc_end1:
_tile_overlayer_lowered:
.L_overlay_start_2:
0x70: {  	(tag) =	ssettag $0x2  }
0x71: {  	s0 =	rddreg [dreg:$0x0];
	s2 =	stileid.u32  }
0x72: {  	s1 =	rddreg [dreg:$0x1];
	p0 =	sne.s32 s2, $0x0  }
0x73: {  	s3 =	rddreg [dreg:$0x2];
	[bflag:$0x3] =	sbarrier.arrive $0xFFFF;
	s2 =	simm.s32 @!p0 $0x1C01  }
0x74: {  	[timem:s3], [sflag:s2] =	dma.local @!p0 [hbm:s0], s1  }
0x75: {  	s0 =	simm.s32 @!p0 $0x1  }
0x76: {  	_ =	swait.ge @!p0 [sflag:s0], s1  }
0x77: {  	s1 =	ssub.s32 @!p0 $0x0, s1;
	[sflag:s0] =	ssyncset.done @!p0 $0x0  }
0x78: {  	[sflag:s0] =	ssyncadd.s32 @!p0 s1  }
0x79: {  	[bflag:$0x3] =	sbarrier.arrive $0xFFFF  }
0x7a: {  	_ =	shalt  }

</sc_bundles>
